<compile_context>
chip_gen: v7x
topology: tpu7x:2x2x1
jax: 0.10.2.dev20260603
libtpu: 0.0.44.dev20260713+nightly
codegen_flags: <defaults>
</compile_context>

<pallas_src>
import functools

import jax
import jax.numpy as jnp
from jax import lax
from jax.experimental import pallas as pl
from jax.experimental.pallas import tpu as pltpu
from jax.experimental.pallas import tpu_sc as plsc

NC = 2
NS = 16
CHUNK = 128
NBUF = 2


def _sc_degree(dst_w, ones_in, zeros, npad):
  nw, nch, ch = dst_w.shape
  rpt = npad // NS
  mesh = plsc.VectorSubcoreMesh(core_axis_name="c", subcore_axis_name="s", num_cores=NC, num_subcores=NS)

  @functools.partial(
      pl.kernel,
      out_type=jax.ShapeDtypeStruct((NC, npad, 16), jnp.float32),
      mesh=mesh,
      scratch_types=[
          pltpu.VMEM((nch, ch), jnp.int32),
          pltpu.VMEM((ch, 16), jnp.float32),
          pltpu.VMEM_SHARED((npad, 16), jnp.float32),
          pltpu.SemaphoreType.DMA,
          pltpu.SemaphoreType.DMA,
      ],
      compiler_params=pltpu.CompilerParams(use_tc_tiling_on_sc=False),
  )
  def k(dst_hbm, ones_hbm, zero_hbm, out_hbm, idx_v, ones_v, acc_sh,
        sem0, sem1):
    sems = [sem0, sem1]
    cid = lax.axis_index("c")
    sid = lax.axis_index("s")
    wid = cid * NS + sid
    pltpu.sync_copy(zero_hbm.at[pl.ds(sid * rpt, rpt)],
                    acc_sh.at[pl.ds(sid * rpt, rpt)])
    pltpu.sync_copy(ones_hbm, ones_v)
    pltpu.sync_copy(dst_hbm.at[wid], idx_v)
    plsc.subcore_barrier()
    for b in range(NBUF):
      pltpu.async_copy(ones_v, acc_sh.at[idx_v.at[b]], sems[b], add=True)

    def body(i, carry):
      c0 = i * NBUF
      for b in range(NBUF):
        c = c0 + b
        pltpu.make_async_copy(ones_v, acc_sh.at[idx_v.at[c]],
                              sems[b]).wait()
        nxt = c + NBUF

        @pl.when(nxt < nch)
        def _():
          pltpu.async_copy(ones_v, acc_sh.at[idx_v.at[nxt]], sems[b],
                           add=True)

      return carry

    lax.fori_loop(0, nch // NBUF, body, 0)
    plsc.subcore_barrier()
    pltpu.sync_copy(acc_sh.at[pl.ds(sid * rpt, rpt)],
                    out_hbm.at[cid, pl.ds(sid * rpt, rpt)])

  return k(dst_w, ones_in, zeros)


def _sc_spmm(table, src_w, dst_w, zeros, npad, dh):
  ntab, d = table.shape
  hsp = d // dh
  nw, nch, ch = src_w.shape
  rpt = npad // NS
  rpt_tab = ntab // NS
  mesh = plsc.VectorSubcoreMesh(core_axis_name="c", subcore_axis_name="s", num_cores=NC, num_subcores=NS)

  @functools.partial(
      pl.kernel,
      out_type=jax.ShapeDtypeStruct((NC, npad, d), jnp.float32),
      mesh=mesh,
      scratch_types=[
          pltpu.VMEM((nch, ch), jnp.int32),
          pltpu.VMEM((nch, ch), jnp.int32),
          pltpu.VMEM((NBUF, ch, dh), jnp.float32),
          pltpu.VMEM((npad // NS, dh), jnp.float32),
          pltpu.VMEM_SHARED((npad, dh), jnp.float32),
          pltpu.VMEM_SHARED((ntab, dh), jnp.float32),
          pltpu.SemaphoreType.DMA,
          pltpu.SemaphoreType.DMA,
      ],
      compiler_params=pltpu.CompilerParams(use_tc_tiling_on_sc=False),
  )
  def k(tab_hbm, src_hbm, dst_hbm, zero_hbm, out_hbm,
        sidx, didx, rows, zero_v, acc_sh, tab_sh, sem0, sem1):
    sems = [sem0, sem1]
    cid = lax.axis_index("c")
    sid = lax.axis_index("s")
    wid = cid * NS + sid
    pltpu.sync_copy(src_hbm.at[wid], sidx)
    pltpu.sync_copy(dst_hbm.at[wid], didx)
    pltpu.sync_copy(zero_hbm.at[pl.ds(sid * rpt, rpt)], zero_v)
    for h in range(hsp):
      pltpu.sync_copy(
          tab_hbm.at[pl.ds(sid * rpt_tab, rpt_tab), pl.ds(h * dh, dh)],
          tab_sh.at[pl.ds(sid * rpt_tab, rpt_tab)])
      pltpu.sync_copy(zero_v, acc_sh.at[pl.ds(sid * rpt, rpt)])
      plsc.subcore_barrier()
      for b in range(NBUF):
        pltpu.make_async_copy(tab_sh.at[sidx.at[b]], rows.at[b],
                              sems[b]).start()

      def outer(i, carry):
        c0 = i * NBUF
        for b in range(NBUF):
          c = c0 + b
          pltpu.make_async_copy(tab_sh.at[sidx.at[c]], rows.at[b],
                                sems[b]).wait()
          pltpu.sync_copy(rows.at[b], acc_sh.at[didx.at[c]], add=True)
          nxt = c + NBUF

          @pl.when(nxt < nch)
          def _():
            pltpu.make_async_copy(tab_sh.at[sidx.at[nxt]], rows.at[b],
                                  sems[b]).start()

        return carry

      lax.fori_loop(0, nch // NBUF, outer, 0)
      plsc.subcore_barrier()
      pltpu.sync_copy(acc_sh.at[pl.ds(sid * rpt, rpt)],
                      out_hbm.at[cid, pl.ds(sid * rpt, rpt),
                                 pl.ds(h * dh, dh)])

  return k(table, src_w, dst_w, zeros)


def _tc_matmul(x, w):
  n, kdim = x.shape
  m = w.shape[1]
  bm = 2000

  def body(x_ref, w_ref, o_ref):
    o_ref[...] = jnp.dot(x_ref[...], w_ref[...],
                         preferred_element_type=jnp.float32)

  return pl.pallas_call(
      body,
      grid=(n // bm,),
      in_specs=[pl.BlockSpec((bm, kdim), lambda i: (i, 0)),
                pl.BlockSpec((kdim, m), lambda i: (0, 0))],
      out_specs=pl.BlockSpec((bm, m), lambda i: (i, 0)),
      out_shape=jax.ShapeDtypeStruct((n, m), jnp.float32),
  )(x, w)


def _tc_scale(deg, h1):
  hid = h1.shape[1]
  n = h1.shape[0]
  bm = 2000

  def body(deg_ref, h_ref, dinv_ref, ht_ref):
    degsum = deg_ref[0] + deg_ref[1] + 1.0
    dinv16 = lax.rsqrt(jnp.maximum(degsum, 1e-12))
    dinv_ref[...] = dinv16
    ht_ref[...] = jnp.broadcast_to(dinv16[:, :1], (bm, hid)) * h_ref[...]

  return pl.pallas_call(
      body,
      grid=(n // bm,),
      in_specs=[pl.BlockSpec((2, bm, 16), lambda i: (0, i, 0)),
                pl.BlockSpec((bm, hid), lambda i: (i, 0))],
      out_specs=[pl.BlockSpec((bm, 16), lambda i: (i, 0)),
                 pl.BlockSpec((bm, hid), lambda i: (i, 0))],
      out_shape=[jax.ShapeDtypeStruct((n, 16), jnp.float32),
                 jax.ShapeDtypeStruct((n, hid), jnp.float32)],
  )(deg, h1)


def _tc_layer2(acc1, ht1, dinv16, b1, w2):
  hid = acc1.shape[2]
  n = dinv16.shape[0]
  ncls = w2.shape[1]
  bm = 2000

  def body(acc_ref, ht_ref, dinv_ref, b1_ref, w2_ref, o_ref):
    acc = acc_ref[0] + acc_ref[1]
    dinv_b = jnp.broadcast_to(dinv_ref[:, :1], (bm, hid))
    agg = dinv_b * (acc + ht_ref[...]) + b1_ref[...]
    z = jnp.maximum(agg, 0.0)
    h2 = jnp.dot(z, w2_ref[...], preferred_element_type=jnp.float32)
    o_ref[...] = h2 * dinv_ref[:, :ncls]

  return pl.pallas_call(
      body,
      grid=(n // bm,),
      in_specs=[pl.BlockSpec((2, bm, hid), lambda i: (0, i, 0)),
                pl.BlockSpec((bm, hid), lambda i: (i, 0)),
                pl.BlockSpec((bm, 16), lambda i: (i, 0)),
                pl.BlockSpec((1, hid), lambda i: (0, 0)),
                pl.BlockSpec((hid, ncls), lambda i: (0, 0))],
      out_specs=pl.BlockSpec((bm, ncls), lambda i: (i, 0)),
      out_shape=jax.ShapeDtypeStruct((n, ncls), jnp.float32),
  )(acc1, ht1, dinv16, b1, w2)


def _tc_final(acc2, ht2, dinv16, b2):
  ncls = acc2.shape[2]
  n = dinv16.shape[0]
  bm = 2000

  def body(acc_ref, ht_ref, dinv_ref, b2_ref, o_ref):
    o = dinv_ref[:, :ncls] * (acc_ref[0] + acc_ref[1] + ht_ref[...])
    o = o + b2_ref[...]
    m = jnp.max(o, axis=-1, keepdims=True)
    ex = jnp.exp(o - m)
    lse = jnp.log(jnp.sum(ex, axis=-1, keepdims=True)) + m
    o_ref[...] = o - lse

  return pl.pallas_call(
      body,
      grid=(n // bm,),
      in_specs=[pl.BlockSpec((2, bm, ncls), lambda i: (0, i, 0)),
                pl.BlockSpec((bm, ncls), lambda i: (i, 0)),
                pl.BlockSpec((bm, 16), lambda i: (i, 0)),
                pl.BlockSpec((1, ncls), lambda i: (0, 0))],
      out_specs=pl.BlockSpec((bm, ncls), lambda i: (i, 0)),
      out_shape=jax.ShapeDtypeStruct((n, ncls), jnp.float32),
  )(acc2, ht2, dinv16, b2)


def kernel(x, edge_index, W1, b1, W2, b2):
  n, _ = x.shape
  hid = W1.shape[1]
  ncls = W2.shape[1]
  e = edge_index.shape[1]
  nw = NC * NS
  npad = ((n + 1 + 127) // 128) * 128
  nch = -(-e // (nw * CHUNK))
  nch = ((nch + NBUF - 1) // NBUF) * NBUF
  epad = nw * nch * CHUNK

  src = edge_index[0]
  dst = edge_index[1]
  pad = epad - e
  if pad:
    src = jnp.concatenate([src, jnp.zeros((pad,), jnp.int32)])
    dst = jnp.concatenate([dst, jnp.full((pad,), n, jnp.int32)])
  srcp = src.reshape(nw, nch, CHUNK)
  dstp = dst.reshape(nw, nch, CHUNK)
  zeros16 = jnp.zeros((npad, 16), jnp.float32)
  zeros_h = jnp.zeros((npad, hid // 4), jnp.float32)
  zeros_c = jnp.zeros((npad, ncls), jnp.float32)
  ones_in = jnp.ones((CHUNK, 16), jnp.float32)

  deg_parts = _sc_degree(dstp, ones_in, zeros16, npad)
  h1 = _tc_matmul(x, W1)
  dinv16, ht1 = _tc_scale(deg_parts, h1)
  acc1 = _sc_spmm(ht1, srcp, dstp, zeros_h, npad, hid // 4)
  ht2 = _tc_layer2(acc1, ht1, dinv16, b1.reshape(1, -1), W2)
  acc2 = _sc_spmm(ht2, srcp, dstp, zeros_c, npad, ncls)
  return _tc_final(acc2, ht2, dinv16, b2.reshape(1, -1))

# --- scband reference (transcript-rebuilt; emitter-appended) ---
"""Pipeline reference for scband-net-27075473834499 (READ-ONLY COPY).

The authoritative reference and input builder live on the scoring server;
editing this copy changes nothing except your own understanding.
"""

import jax, jax.numpy as jnp
import numpy as np

N = 10000
E = 320000
D_IN = 128
HID = 128
NCLS = 16


def setup_inputs(seed: int = 0) -> dict:
    key = jax.random.key(seed)
    k1, k2, k3, k4 = jax.random.split(key, 4)
    x = jax.random.normal(k1, (N, D_IN), dtype=jnp.float32)
    edge_index = jax.random.randint(k2, (2, E), 0, N, dtype=jnp.int32)
    W1 = jax.random.normal(k3, (D_IN, HID), dtype=jnp.float32) * 0.05
    b1 = jnp.zeros((HID,), dtype=jnp.float32)
    W2 = jax.random.normal(k4, (HID, NCLS), dtype=jnp.float32) * 0.05
    b2 = jnp.zeros((NCLS,), dtype=jnp.float32)
    return {"x": x, "edge_index": edge_index, "W1": W1, "b1": b1, "W2": W2, "b2": b2}


def _gcn_layer(x, W, b, src, dst, n):
    # GCNConv: x' = D^{-1/2} (A + I) D^{-1/2} (X W) + b
    h = x @ W
    loop = jnp.arange(n, dtype=src.dtype)
    s = jnp.concatenate([src, loop])
    d = jnp.concatenate([dst, loop])
    deg = jnp.zeros((n,), dtype=h.dtype).at[d].add(1.0)
    dinv = jax.lax.rsqrt(jnp.maximum(deg, 1e-12))
    norm = dinv[s] * dinv[d]
    msg = h[s] * norm[:, None]
    agg = jax.ops.segment_sum(msg, d, num_segments=n)
    return agg + b


def reference(x, edge_index, W1, b1, W2, b2):
    src = edge_index[0]
    dst = edge_index[1]
    n = x.shape[0]
    h = _gcn_layer(x, W1, b1, src, dst, n)
    h = jax.nn.relu(h)
    # dropout is identity in eval mode
    out = _gcn_layer(h, W2, b2, src, dst, n)
    return jax.nn.log_softmax(out, axis=1)

if __name__ == "__main__":
    import jax
    _d = setup_inputs()
    print(jax.jit(kernel)(*tuple(_d.values())))

</pallas_src>

<mosaic_0001>
#map = affine_map<(d0, d1) -> (0, 0)>
#map1 = affine_map<(d0, d1) -> (0, 0, 0)>
module attributes {stable_mosaic.version = 14 : i64} {
  func.func @k(%arg0: i32, %arg1: i32, %arg2: memref<10000x16xf32, #tpu.memory_space<hbm>>, %arg3: memref<32x80x128xi32, #tpu.memory_space<hbm>>, %arg4: memref<32x80x128xi32, #tpu.memory_space<hbm>>, %arg5: memref<10112x16xf32, #tpu.memory_space<hbm>>, %arg6: memref<2x10112x16xf32, #tpu.memory_space<hbm>>, %arg7: memref<80x128xi32, #tpu.memory_space<vmem>>, %arg8: memref<80x128xi32, #tpu.memory_space<vmem>>, %arg9: memref<2x128x16xf32, #tpu.memory_space<vmem>>, %arg10: memref<632x16xf32, #tpu.memory_space<vmem>>, %arg11: memref<10112x16xf32, #tpu.memory_space<vmem_shared>>, %arg12: memref<10000x16xf32, #tpu.memory_space<vmem_shared>>, %arg13: memref<!tpu.dma_semaphore, #tpu.memory_space<semaphore_mem>>, %arg14: memref<!tpu.dma_semaphore, #tpu.memory_space<semaphore_mem>>) attributes {dimension_semantics = [#tpu.dimension_semantics<core_parallel>, #tpu.dimension_semantics<subcore_parallel>], iteration_bounds = array<i64: 2, 16>, scalar_prefetch = 0 : i64, scratch_operands = 8 : i64, tpu.core_type = #tpu.core_type<sc_vector_subcore>, window_params = [{transform_indices = #map}, {transform_indices = #map1}, {transform_indices = #map1}, {transform_indices = #map}, {transform_indices = #map1}]} {
    %mul3A = arith.constant 16 : i32
    %mul3A_0 = arith.muli %arg0, %mul3A : i32
    %add3A = arith.addi %mul3A_0, %arg1 : i32
    "tpu.region"() ({
      %run_scoped3A = tpu.sem_alloc : memref<!tpu.dma_semaphore, #tpu.memory_space<semaphore_mem>>
      %dma_start3A_42 = arith.constant 0 : i32
      %dma_start3A_43 = arith.constant 0 : i32
      %dma_start3A_44 = tpu.memref_slice %arg3[%add3A, %dma_start3A_42, %dma_start3A_43] : memref<32x80x128xi32, #tpu.memory_space<hbm>> -> memref<1x80x128xi32, #tpu.memory_space<hbm>>
      %dma_start3A_45 = tpu.memref_squeeze %dma_start3A_44 : memref<1x80x128xi32, #tpu.memory_space<hbm>> -> memref<80x128xi32, #tpu.memory_space<hbm>>
      %dma_start3A_46 = arith.constant 0 : i32
      %dma_start3A_47 = arith.constant 0 : i32
      %dma_start3A_48 = tpu.memref_slice %arg3[%add3A, %dma_start3A_46, %dma_start3A_47] : memref<32x80x128xi32, #tpu.memory_space<hbm>> -> memref<1x80x128xi32, #tpu.memory_space<hbm>>
      %dma_start3A_49 = tpu.memref_squeeze %dma_start3A_48 : memref<1x80x128xi32, #tpu.memory_space<hbm>> -> memref<80x128xi32, #tpu.memory_space<hbm>>
      tpu.enqueue_dma source(%dma_start3A_49 : memref<80x128xi32, #tpu.memory_space<hbm>>) target(%arg7 : memref<80x128xi32, #tpu.memory_space<vmem>>) target_semaphore(%run_scoped3A : memref<!tpu.dma_semaphore, #tpu.memory_space<semaphore_mem>>)
      %dma_wait3A = arith.constant 0 : i32
      %dma_wait3A_50 = arith.constant 0 : i32
      %dma_wait3A_51 = tpu.memref_slice %arg3[%add3A, %dma_wait3A, %dma_wait3A_50] : memref<32x80x128xi32, #tpu.memory_space<hbm>> -> memref<1x80x128xi32, #tpu.memory_space<hbm>>
      %dma_wait3A_52 = tpu.memref_squeeze %dma_wait3A_51 : memref<1x80x128xi32, #tpu.memory_space<hbm>> -> memref<80x128xi32, #tpu.memory_space<hbm>>
      %dma_wait3A_53 = arith.constant 0 : i32
      %dma_wait3A_54 = arith.constant 0 : i32
      %dma_wait3A_55 = tpu.memref_slice %arg3[%add3A, %dma_wait3A_53, %dma_wait3A_54] : memref<32x80x128xi32, #tpu.memory_space<hbm>> -> memref<1x80x128xi32, #tpu.memory_space<hbm>>
      %dma_wait3A_56 = tpu.memref_squeeze %dma_wait3A_55 : memref<1x80x128xi32, #tpu.memory_space<hbm>> -> memref<80x128xi32, #tpu.memory_space<hbm>>
      tpu.wait_dma2 semaphore(%run_scoped3A : memref<!tpu.dma_semaphore, #tpu.memory_space<semaphore_mem>>) src(%dma_wait3A_56 : memref<80x128xi32, #tpu.memory_space<hbm>>) dst(%arg7 : memref<80x128xi32, #tpu.memory_space<vmem>>)
      tpu.yield
    }) : () -> ()
    "tpu.region"() ({
      %run_scoped3A = tpu.sem_alloc : memref<!tpu.dma_semaphore, #tpu.memory_space<semaphore_mem>>
      %dma_start3A_42 = arith.constant 0 : i32
      %dma_start3A_43 = arith.constant 0 : i32
      %dma_start3A_44 = tpu.memref_slice %arg4[%add3A, %dma_start3A_42, %dma_start3A_43] : memref<32x80x128xi32, #tpu.memory_space<hbm>> -> memref<1x80x128xi32, #tpu.memory_space<hbm>>
      %dma_start3A_45 = tpu.memref_squeeze %dma_start3A_44 : memref<1x80x128xi32, #tpu.memory_space<hbm>> -> memref<80x128xi32, #tpu.memory_space<hbm>>
      %dma_start3A_46 = arith.constant 0 : i32
      %dma_start3A_47 = arith.constant 0 : i32
      %dma_start3A_48 = tpu.memref_slice %arg4[%add3A, %dma_start3A_46, %dma_start3A_47] : memref<32x80x128xi32, #tpu.memory_space<hbm>> -> memref<1x80x128xi32, #tpu.memory_space<hbm>>
      %dma_start3A_49 = tpu.memref_squeeze %dma_start3A_48 : memref<1x80x128xi32, #tpu.memory_space<hbm>> -> memref<80x128xi32, #tpu.memory_space<hbm>>
      tpu.enqueue_dma source(%dma_start3A_49 : memref<80x128xi32, #tpu.memory_space<hbm>>) target(%arg8 : memref<80x128xi32, #tpu.memory_space<vmem>>) target_semaphore(%run_scoped3A : memref<!tpu.dma_semaphore, #tpu.memory_space<semaphore_mem>>)
      %dma_wait3A = arith.constant 0 : i32
      %dma_wait3A_50 = arith.constant 0 : i32
      %dma_wait3A_51 = tpu.memref_slice %arg4[%add3A, %dma_wait3A, %dma_wait3A_50] : memref<32x80x128xi32, #tpu.memory_space<hbm>> -> memref<1x80x128xi32, #tpu.memory_space<hbm>>
      %dma_wait3A_52 = tpu.memref_squeeze %dma_wait3A_51 : memref<1x80x128xi32, #tpu.memory_space<hbm>> -> memref<80x128xi32, #tpu.memory_space<hbm>>
      %dma_wait3A_53 = arith.constant 0 : i32
      %dma_wait3A_54 = arith.constant 0 : i32
      %dma_wait3A_55 = tpu.memref_slice %arg4[%add3A, %dma_wait3A_53, %dma_wait3A_54] : memref<32x80x128xi32, #tpu.memory_space<hbm>> -> memref<1x80x128xi32, #tpu.memory_space<hbm>>
      %dma_wait3A_56 = tpu.memref_squeeze %dma_wait3A_55 : memref<1x80x128xi32, #tpu.memory_space<hbm>> -> memref<80x128xi32, #tpu.memory_space<hbm>>
      tpu.wait_dma2 semaphore(%run_scoped3A : memref<!tpu.dma_semaphore, #tpu.memory_space<semaphore_mem>>) src(%dma_wait3A_56 : memref<80x128xi32, #tpu.memory_space<hbm>>) dst(%arg8 : memref<80x128xi32, #tpu.memory_space<vmem>>)
      tpu.yield
    }) : () -> ()
    %mul3A_1 = arith.constant 632 : i32
    %mul3A_2 = arith.muli %arg1, %mul3A_1 : i32
    "tpu.region"() ({
      %run_scoped3A = tpu.sem_alloc : memref<!tpu.dma_semaphore, #tpu.memory_space<semaphore_mem>>
      %dma_start3A_42 = arith.constant 0 : i32
      %dma_start3A_43 = tpu.memref_slice %arg5[%mul3A_2, %dma_start3A_42] : memref<10112x16xf32, #tpu.memory_space<hbm>> -> memref<632x16xf32, #tpu.memory_space<hbm>>
      %dma_start3A_44 = arith.constant 0 : i32
      %dma_start3A_45 = tpu.memref_slice %arg5[%mul3A_2, %dma_start3A_44] : memref<10112x16xf32, #tpu.memory_space<hbm>> -> memref<632x16xf32, #tpu.memory_space<hbm>>
      tpu.enqueue_dma source(%dma_start3A_45 : memref<632x16xf32, #tpu.memory_space<hbm>>) target(%arg10 : memref<632x16xf32, #tpu.memory_space<vmem>>) target_semaphore(%run_scoped3A : memref<!tpu.dma_semaphore, #tpu.memory_space<semaphore_mem>>)
      %dma_wait3A = arith.constant 0 : i32
      %dma_wait3A_46 = tpu.memref_slice %arg5[%mul3A_2, %dma_wait3A] : memref<10112x16xf32, #tpu.memory_space<hbm>> -> memref<632x16xf32, #tpu.memory_space<hbm>>
      %dma_wait3A_47 = arith.constant 0 : i32
      %dma_wait3A_48 = tpu.memref_slice %arg5[%mul3A_2, %dma_wait3A_47] : memref<10112x16xf32, #tpu.memory_space<hbm>> -> memref<632x16xf32, #tpu.memory_space<hbm>>
      tpu.wait_dma2 semaphore(%run_scoped3A : memref<!tpu.dma_semaphore, #tpu.memory_space<semaphore_mem>>) src(%dma_wait3A_48 : memref<632x16xf32, #tpu.memory_space<hbm>>) dst(%arg10 : memref<632x16xf32, #tpu.memory_space<vmem>>)
      tpu.yield
    }) : () -> ()
    %mul3A_3 = arith.constant 625 : i32
    %mul3A_4 = arith.muli %arg1, %mul3A_3 : i32
    %mul3A_5 = arith.constant 625 : i32
    %mul3A_6 = arith.muli %arg1, %mul3A_5 : i32
    "tpu.region"() ({
      %run_scoped3A = tpu.sem_alloc : memref<!tpu.dma_semaphore, #tpu.memory_space<semaphore_mem>>
      %dma_start3A_42 = arith.constant 0 : i32
      %dma_start3A_43 = tpu.memref_slice %arg12[%mul3A_6, %dma_start3A_42] : memref<10000x16xf32, #tpu.memory_space<vmem_shared>> -> memref<625x16xf32, #tpu.memory_space<vmem_shared>>
      %dma_start3A_44 = arith.constant 0 : i32
      %dma_start3A_45 = tpu.memref_slice %arg2[%mul3A_4, %dma_start3A_44] : memref<10000x16xf32, #tpu.memory_space<hbm>> -> memref<625x16xf32, #tpu.memory_space<hbm>>
      tpu.enqueue_dma source(%dma_start3A_45 : memref<625x16xf32, #tpu.memory_space<hbm>>) target(%dma_start3A_43 : memref<625x16xf32, #tpu.memory_space<vmem_shared>>) target_semaphore(%run_scoped3A : memref<!tpu.dma_semaphore, #tpu.memory_space<semaphore_mem>>)
      %dma_wait3A = arith.constant 0 : i32
      %dma_wait3A_46 = tpu.memref_slice %arg12[%mul3A_6, %dma_wait3A] : memref<10000x16xf32, #tpu.memory_space<vmem_shared>> -> memref<625x16xf32, #tpu.memory_space<vmem_shared>>
      %dma_wait3A_47 = arith.constant 0 : i32
      %dma_wait3A_48 = tpu.memref_slice %arg2[%mul3A_4, %dma_wait3A_47] : memref<10000x16xf32, #tpu.memory_space<hbm>> -> memref<625x16xf32, #tpu.memory_space<hbm>>
      tpu.wait_dma2 semaphore(%run_scoped3A : memref<!tpu.dma_semaphore, #tpu.memory_space<semaphore_mem>>) src(%dma_wait3A_48 : memref<625x16xf32, #tpu.memory_space<hbm>>) dst(%dma_wait3A_46 : memref<625x16xf32, #tpu.memory_space<vmem_shared>>)
      tpu.yield
    }) : () -> ()
    %mul3A_7 = arith.constant 632 : i32
    %mul3A_8 = arith.muli %arg1, %mul3A_7 : i32
    "tpu.region"() ({
      %run_scoped3A = tpu.sem_alloc : memref<!tpu.dma_semaphore, #tpu.memory_space<semaphore_mem>>
      %dma_start3A_42 = arith.constant 0 : i32
      %dma_start3A_43 = tpu.memref_slice %arg11[%mul3A_8, %dma_start3A_42] : memref<10112x16xf32, #tpu.memory_space<vmem_shared>> -> memref<632x16xf32, #tpu.memory_space<vmem_shared>>
      %dma_start3A_44 = arith.constant 0 : i32
      %dma_start3A_45 = tpu.memref_slice %arg11[%mul3A_8, %dma_start3A_44] : memref<10112x16xf32, #tpu.memory_space<vmem_shared>> -> memref<632x16xf32, #tpu.memory_space<vmem_shared>>
      tpu.enqueue_dma source(%arg10 : memref<632x16xf32, #tpu.memory_space<vmem>>) target(%dma_start3A_45 : memref<632x16xf32, #tpu.memory_space<vmem_shared>>) target_semaphore(%run_scoped3A : memref<!tpu.dma_semaphore, #tpu.memory_space<semaphore_mem>>)
      %dma_wait3A = arith.constant 0 : i32
      %dma_wait3A_46 = tpu.memref_slice %arg11[%mul3A_8, %dma_wait3A] : memref<10112x16xf32, #tpu.memory_space<vmem_shared>> -> memref<632x16xf32, #tpu.memory_space<vmem_shared>>
      %dma_wait3A_47 = arith.constant 0 : i32
      %dma_wait3A_48 = tpu.memref_slice %arg11[%mul3A_8, %dma_wait3A_47] : memref<10112x16xf32, #tpu.memory_space<vmem_shared>> -> memref<632x16xf32, #tpu.memory_space<vmem_shared>>
      tpu.wait_dma2 semaphore(%run_scoped3A : memref<!tpu.dma_semaphore, #tpu.memory_space<semaphore_mem>>) src(%arg10 : memref<632x16xf32, #tpu.memory_space<vmem>>) dst(%dma_wait3A_48 : memref<632x16xf32, #tpu.memory_space<vmem_shared>>)
      tpu.yield
    }) : () -> ()
    %barrier3A = arith.constant 0 : index
    tpu.barrier barrier_id(%barrier3A)
    %dma_start3A = arith.constant 0 : i32
    %dma_start3A_9 = arith.constant 0 : i32
    %dma_start3A_10 = arith.constant 0 : i32
    %dma_start3A_11 = arith.constant 0 : i32
    %dma_start3A_12 = tpu.memref_slice %arg9[%dma_start3A_9, %dma_start3A_10, %dma_start3A_11] : memref<2x128x16xf32, #tpu.memory_space<vmem>> -> memref<1x128x16xf32, #tpu.memory_space<vmem>>
    %dma_start3A_13 = tpu.memref_squeeze %dma_start3A_12 : memref<1x128x16xf32, #tpu.memory_space<vmem>> -> memref<128x16xf32, #tpu.memory_space<vmem>>
    %dma_start3A_14 = arith.constant 0 : i32
    %dma_start3A_15 = tpu.memref_slice %arg7[%dma_start3A, %dma_start3A_14] : memref<80x128xi32, #tpu.memory_space<vmem>> -> memref<1x128xi32, #tpu.memory_space<vmem>>
    %dma_start3A_16 = tpu.memref_squeeze %dma_start3A_15 : memref<1x128xi32, #tpu.memory_space<vmem>> -> memref<128xi32, #tpu.memory_space<vmem>>
    %dma_start3A_17 = arith.constant 0 : i32
    %dma_start3A_18 = arith.constant 0 : i32
    %dma_start3A_19 = tpu.memref_slice %arg12[%dma_start3A_17, %dma_start3A_18] : memref<10000x16xf32, #tpu.memory_space<vmem_shared>> -> memref<10000x16xf32, #tpu.memory_space<vmem_shared>>
    tpu.enqueue_indirect_dma source(%dma_start3A_19 : memref<10000x16xf32, #tpu.memory_space<vmem_shared>>) target(%dma_start3A_13 : memref<128x16xf32, #tpu.memory_space<vmem>>) offsets(%dma_start3A_16 : memref<128xi32, #tpu.memory_space<vmem>>) semaphore(%arg13 : memref<!tpu.dma_semaphore, #tpu.memory_space<semaphore_mem>>)
    %dma_start3A_20 = arith.constant 1 : i32
    %dma_start3A_21 = arith.constant 1 : i32
    %dma_start3A_22 = arith.constant 0 : i32
    %dma_start3A_23 = arith.constant 0 : i32
    %dma_start3A_24 = tpu.memref_slice %arg9[%dma_start3A_21, %dma_start3A_22, %dma_start3A_23] : memref<2x128x16xf32, #tpu.memory_space<vmem>> -> memref<1x128x16xf32, #tpu.memory_space<vmem>>
    %dma_start3A_25 = tpu.memref_squeeze %dma_start3A_24 : memref<1x128x16xf32, #tpu.memory_space<vmem>> -> memref<128x16xf32, #tpu.memory_space<vmem>>
    %dma_start3A_26 = arith.constant 0 : i32
    %dma_start3A_27 = tpu.memref_slice %arg7[%dma_start3A_20, %dma_start3A_26] : memref<80x128xi32, #tpu.memory_space<vmem>> -> memref<1x128xi32, #tpu.memory_space<vmem>>
    %dma_start3A_28 = tpu.memref_squeeze %dma_start3A_27 : memref<1x128xi32, #tpu.memory_space<vmem>> -> memref<128xi32, #tpu.memory_space<vmem>>
    %dma_start3A_29 = arith.constant 0 : i32
    %dma_start3A_30 = arith.constant 0 : i32
    %dma_start3A_31 = tpu.memref_slice %arg12[%dma_start3A_29, %dma_start3A_30] : memref<10000x16xf32, #tpu.memory_space<vmem_shared>> -> memref<10000x16xf32, #tpu.memory_space<vmem_shared>>
    tpu.enqueue_indirect_dma source(%dma_start3A_31 : memref<10000x16xf32, #tpu.memory_space<vmem_shared>>) target(%dma_start3A_25 : memref<128x16xf32, #tpu.memory_space<vmem>>) offsets(%dma_start3A_28 : memref<128xi32, #tpu.memory_space<vmem>>) semaphore(%arg14 : memref<!tpu.dma_semaphore, #tpu.memory_space<semaphore_mem>>)
    %scan3A = arith.constant 0 : i32
    %scan3A_32 = arith.constant 0 : i32
    %scan3A_33 = arith.constant 40 : i32
    %scan3A_34 = arith.addi %scan3A_32, %scan3A_33 : i32
    %scan3A_35 = arith.constant 1 : i32
    scf.for %scan3A_42 = %scan3A_32 to %scan3A_34 step %scan3A_35  : i32 {
      %mul3A_43 = arith.constant 2 : i32
      %mul3A_44 = arith.muli %scan3A_42, %mul3A_43 : i32
      %add3A_45 = arith.constant 0 : i32
      %add3A_46 = arith.addi %mul3A_44, %add3A_45 : i32
      %dma_wait3A = arith.constant 0 : i32
      %dma_wait3A_47 = arith.constant 0 : i32
      %dma_wait3A_48 = arith.constant 0 : i32
      %dma_wait3A_49 = tpu.memref_slice %arg9[%dma_wait3A, %dma_wait3A_47, %dma_wait3A_48] : memref<2x128x16xf32, #tpu.memory_space<vmem>> -> memref<1x128x16xf32, #tpu.memory_space<vmem>>
      %dma_wait3A_50 = tpu.memref_squeeze %dma_wait3A_49 : memref<1x128x16xf32, #tpu.memory_space<vmem>> -> memref<128x16xf32, #tpu.memory_space<vmem>>
      %dma_wait3A_51 = arith.constant 0 : i32
      %dma_wait3A_52 = tpu.memref_slice %arg7[%add3A_46, %dma_wait3A_51] : memref<80x128xi32, #tpu.memory_space<vmem>> -> memref<1x128xi32, #tpu.memory_space<vmem>>
      %dma_wait3A_53 = tpu.memref_squeeze %dma_wait3A_52 : memref<1x128xi32, #tpu.memory_space<vmem>> -> memref<128xi32, #tpu.memory_space<vmem>>
      %dma_wait3A_54 = arith.constant 0 : i32
      %dma_wait3A_55 = arith.constant 0 : i32
      %dma_wait3A_56 = tpu.memref_slice %arg12[%dma_wait3A_54, %dma_wait3A_55] : memref<10000x16xf32, #tpu.memory_space<vmem_shared>> -> memref<10000x16xf32, #tpu.memory_space<vmem_shared>>
      tpu.wait_indirect_dma semaphore(%arg13 : memref<!tpu.dma_semaphore, #tpu.memory_space<semaphore_mem>>) src(%dma_wait3A_56 : memref<10000x16xf32, #tpu.memory_space<vmem_shared>>) dst(%dma_wait3A_50 : memref<128x16xf32, #tpu.memory_space<vmem>>)
      %run_scoped3A = arith.constant 0 : i32
      "tpu.region"() ({
        %run_scoped3A_82 = tpu.sem_alloc : memref<!tpu.dma_semaphore, #tpu.memory_space<semaphore_mem>>
        %dma_start3A_83 = arith.constant 0 : i32
        %dma_start3A_84 = arith.constant 0 : i32
        %dma_start3A_85 = tpu.memref_slice %arg9[%run_scoped3A, %dma_start3A_83, %dma_start3A_84] : memref<2x128x16xf32, #tpu.memory_space<vmem>> -> memref<1x128x16xf32, #tpu.memory_space<vmem>>
        %dma_start3A_86 = tpu.memref_squeeze %dma_start3A_85 : memref<1x128x16xf32, #tpu.memory_space<vmem>> -> memref<128x16xf32, #tpu.memory_space<vmem>>
        %dma_start3A_87 = arith.constant 0 : i32
        %dma_start3A_88 = tpu.memref_slice %arg8[%add3A_46, %dma_start3A_87] : memref<80x128xi32, #tpu.memory_space<vmem>> -> memref<1x128xi32, #tpu.memory_space<vmem>>
        %dma_start3A_89 = tpu.memref_squeeze %dma_start3A_88 : memref<1x128xi32, #tpu.memory_space<vmem>> -> memref<128xi32, #tpu.memory_space<vmem>>
        %dma_start3A_90 = arith.constant 0 : i32
        %dma_start3A_91 = arith.constant 0 : i32
        %dma_start3A_92 = tpu.memref_slice %arg11[%dma_start3A_90, %dma_start3A_91] : memref<10112x16xf32, #tpu.memory_space<vmem_shared>> -> memref<10112x16xf32, #tpu.memory_space<vmem_shared>>
        tpu.enqueue_indirect_dma source(%dma_start3A_86 : memref<128x16xf32, #tpu.memory_space<vmem>>) target(%dma_start3A_92 : memref<10112x16xf32, #tpu.memory_space<vmem_shared>>) offsets(%dma_start3A_89 : memref<128xi32, #tpu.memory_space<vmem>>) semaphore(%run_scoped3A_82 : memref<!tpu.dma_semaphore, #tpu.memory_space<semaphore_mem>>) {add = true}
        %dma_wait3A_93 = arith.constant 0 : i32
        %dma_wait3A_94 = arith.constant 0 : i32
        %dma_wait3A_95 = tpu.memref_slice %arg9[%run_scoped3A, %dma_wait3A_93, %dma_wait3A_94] : memref<2x128x16xf32, #tpu.memory_space<vmem>> -> memref<1x128x16xf32, #tpu.memory_space<vmem>>
        %dma_wait3A_96 = tpu.memref_squeeze %dma_wait3A_95 : memref<1x128x16xf32, #tpu.memory_space<vmem>> -> memref<128x16xf32, #tpu.memory_space<vmem>>
        %dma_wait3A_97 = arith.constant 0 : i32
        %dma_wait3A_98 = tpu.memref_slice %arg8[%add3A_46, %dma_wait3A_97] : memref<80x128xi32, #tpu.memory_space<vmem>> -> memref<1x128xi32, #tpu.memory_space<vmem>>
        %dma_wait3A_99 = tpu.memref_squeeze %dma_wait3A_98 : memref<1x128xi32, #tpu.memory_space<vmem>> -> memref<128xi32, #tpu.memory_space<vmem>>
        %dma_wait3A_100 = arith.constant 0 : i32
        %dma_wait3A_101 = arith.constant 0 : i32
        %dma_wait3A_102 = tpu.memref_slice %arg11[%dma_wait3A_100, %dma_wait3A_101] : memref<10112x16xf32, #tpu.memory_space<vmem_shared>> -> memref<10112x16xf32, #tpu.memory_space<vmem_shared>>
        tpu.wait_indirect_dma semaphore(%run_scoped3A_82 : memref<!tpu.dma_semaphore, #tpu.memory_space<semaphore_mem>>) src(%dma_wait3A_96 : memref<128x16xf32, #tpu.memory_space<vmem>>) dst(%dma_wait3A_102 : memref<10112x16xf32, #tpu.memory_space<vmem_shared>>)
        tpu.yield
      }) : () -> ()
      %add3A_57 = arith.constant 2 : i32
      %add3A_58 = arith.addi %add3A_46, %add3A_57 : i32
      %lt3A = arith.constant 80 : i32
      %lt3A_59 = arith.cmpi slt, %add3A_58, %lt3A : i32
      %convert_element_type3A = arith.extui %lt3A_59 : i1 to i32
      %cond3A = arith.constant 0 : i32
      %cond3A_60 = arith.cmpi ne, %convert_element_type3A, %cond3A : i32
      scf.if %cond3A_60 {
        %dma_start3A_82 = arith.constant 0 : i32
        %dma_start3A_83 = arith.constant 0 : i32
        %dma_start3A_84 = arith.constant 0 : i32
        %dma_start3A_85 = tpu.memref_slice %arg9[%dma_start3A_82, %dma_start3A_83, %dma_start3A_84] : memref<2x128x16xf32, #tpu.memory_space<vmem>> -> memref<1x128x16xf32, #tpu.memory_space<vmem>>
        %dma_start3A_86 = tpu.memref_squeeze %dma_start3A_85 : memref<1x128x16xf32, #tpu.memory_space<vmem>> -> memref<128x16xf32, #tpu.memory_space<vmem>>
        %dma_start3A_87 = arith.constant 0 : i32
        %dma_start3A_88 = tpu.memref_slice %arg7[%add3A_58, %dma_start3A_87] : memref<80x128xi32, #tpu.memory_space<vmem>> -> memref<1x128xi32, #tpu.memory_space<vmem>>
        %dma_start3A_89 = tpu.memref_squeeze %dma_start3A_88 : memref<1x128xi32, #tpu.memory_space<vmem>> -> memref<128xi32, #tpu.memory_space<vmem>>
        %dma_start3A_90 = arith.constant 0 : i32
        %dma_start3A_91 = arith.constant 0 : i32
        %dma_start3A_92 = tpu.memref_slice %arg12[%dma_start3A_90, %dma_start3A_91] : memref<10000x16xf32, #tpu.memory_space<vmem_shared>> -> memref<10000x16xf32, #tpu.memory_space<vmem_shared>>
        tpu.enqueue_indirect_dma source(%dma_start3A_92 : memref<10000x16xf32, #tpu.memory_space<vmem_shared>>) target(%dma_start3A_86 : memref<128x16xf32, #tpu.memory_space<vmem>>) offsets(%dma_start3A_89 : memref<128xi32, #tpu.memory_space<vmem>>) semaphore(%arg13 : memref<!tpu.dma_semaphore, #tpu.memory_space<semaphore_mem>>)
      } else {
      }
      %add3A_61 = arith.constant 1 : i32
      %add3A_62 = arith.addi %mul3A_44, %add3A_61 : i32
      %dma_wait3A_63 = arith.constant 1 : i32
      %dma_wait3A_64 = arith.constant 0 : i32
      %dma_wait3A_65 = arith.constant 0 : i32
      %dma_wait3A_66 = tpu.memref_slice %arg9[%dma_wait3A_63, %dma_wait3A_64, %dma_wait3A_65] : memref<2x128x16xf32, #tpu.memory_space<vmem>> -> memref<1x128x16xf32, #tpu.memory_space<vmem>>
      %dma_wait3A_67 = tpu.memref_squeeze %dma_wait3A_66 : memref<1x128x16xf32, #tpu.memory_space<vmem>> -> memref<128x16xf32, #tpu.memory_space<vmem>>
      %dma_wait3A_68 = arith.constant 0 : i32
      %dma_wait3A_69 = tpu.memref_slice %arg7[%add3A_62, %dma_wait3A_68] : memref<80x128xi32, #tpu.memory_space<vmem>> -> memref<1x128xi32, #tpu.memory_space<vmem>>
      %dma_wait3A_70 = tpu.memref_squeeze %dma_wait3A_69 : memref<1x128xi32, #tpu.memory_space<vmem>> -> memref<128xi32, #tpu.memory_space<vmem>>
      %dma_wait3A_71 = arith.constant 0 : i32
      %dma_wait3A_72 = arith.constant 0 : i32
      %dma_wait3A_73 = tpu.memref_slice %arg12[%dma_wait3A_71, %dma_wait3A_72] : memref<10000x16xf32, #tpu.memory_space<vmem_shared>> -> memref<10000x16xf32, #tpu.memory_space<vmem_shared>>
      tpu.wait_indirect_dma semaphore(%arg14 : memref<!tpu.dma_semaphore, #tpu.memory_space<semaphore_mem>>) src(%dma_wait3A_73 : memref<10000x16xf32, #tpu.memory_space<vmem_shared>>) dst(%dma_wait3A_67 : memref<128x16xf32, #tpu.memory_space<vmem>>)
      %run_scoped3A_74 = arith.constant 1 : i32
      "tpu.region"() ({
        %run_scoped3A_82 = tpu.sem_alloc : memref<!tpu.dma_semaphore, #tpu.memory_space<semaphore_mem>>
        %dma_start3A_83 = arith.constant 0 : i32
        %dma_start3A_84 = arith.constant 0 : i32
        %dma_start3A_85 = tpu.memref_slice %arg9[%run_scoped3A_74, %dma_start3A_83, %dma_start3A_84] : memref<2x128x16xf32, #tpu.memory_space<vmem>> -> memref<1x128x16xf32, #tpu.memory_space<vmem>>
        %dma_start3A_86 = tpu.memref_squeeze %dma_start3A_85 : memref<1x128x16xf32, #tpu.memory_space<vmem>> -> memref<128x16xf32, #tpu.memory_space<vmem>>
        %dma_start3A_87 = arith.constant 0 : i32
        %dma_start3A_88 = tpu.memref_slice %arg8[%add3A_62, %dma_start3A_87] : memref<80x128xi32, #tpu.memory_space<vmem>> -> memref<1x128xi32, #tpu.memory_space<vmem>>
        %dma_start3A_89 = tpu.memref_squeeze %dma_start3A_88 : memref<1x128xi32, #tpu.memory_space<vmem>> -> memref<128xi32, #tpu.memory_space<vmem>>
        %dma_start3A_90 = arith.constant 0 : i32
        %dma_start3A_91 = arith.constant 0 : i32
        %dma_start3A_92 = tpu.memref_slice %arg11[%dma_start3A_90, %dma_start3A_91] : memref<10112x16xf32, #tpu.memory_space<vmem_shared>> -> memref<10112x16xf32, #tpu.memory_space<vmem_shared>>
        tpu.enqueue_indirect_dma source(%dma_start3A_86 : memref<128x16xf32, #tpu.memory_space<vmem>>) target(%dma_start3A_92 : memref<10112x16xf32, #tpu.memory_space<vmem_shared>>) offsets(%dma_start3A_89 : memref<128xi32, #tpu.memory_space<vmem>>) semaphore(%run_scoped3A_82 : memref<!tpu.dma_semaphore, #tpu.memory_space<semaphore_mem>>) {add = true}
        %dma_wait3A_93 = arith.constant 0 : i32
        %dma_wait3A_94 = arith.constant 0 : i32
        %dma_wait3A_95 = tpu.memref_slice %arg9[%run_scoped3A_74, %dma_wait3A_93, %dma_wait3A_94] : memref<2x128x16xf32, #tpu.memory_space<vmem>> -> memref<1x128x16xf32, #tpu.memory_space<vmem>>
        %dma_wait3A_96 = tpu.memref_squeeze %dma_wait3A_95 : memref<1x128x16xf32, #tpu.memory_space<vmem>> -> memref<128x16xf32, #tpu.memory_space<vmem>>
        %dma_wait3A_97 = arith.constant 0 : i32
        %dma_wait3A_98 = tpu.memref_slice %arg8[%add3A_62, %dma_wait3A_97] : memref<80x128xi32, #tpu.memory_space<vmem>> -> memref<1x128xi32, #tpu.memory_space<vmem>>
        %dma_wait3A_99 = tpu.memref_squeeze %dma_wait3A_98 : memref<1x128xi32, #tpu.memory_space<vmem>> -> memref<128xi32, #tpu.memory_space<vmem>>
        %dma_wait3A_100 = arith.constant 0 : i32
        %dma_wait3A_101 = arith.constant 0 : i32
        %dma_wait3A_102 = tpu.memref_slice %arg11[%dma_wait3A_100, %dma_wait3A_101] : memref<10112x16xf32, #tpu.memory_space<vmem_shared>> -> memref<10112x16xf32, #tpu.memory_space<vmem_shared>>
        tpu.wait_indirect_dma semaphore(%run_scoped3A_82 : memref<!tpu.dma_semaphore, #tpu.memory_space<semaphore_mem>>) src(%dma_wait3A_96 : memref<128x16xf32, #tpu.memory_space<vmem>>) dst(%dma_wait3A_102 : memref<10112x16xf32, #tpu.memory_space<vmem_shared>>)
        tpu.yield
      }) : () -> ()
      %add3A_75 = arith.constant 2 : i32
      %add3A_76 = arith.addi %add3A_62, %add3A_75 : i32
      %lt3A_77 = arith.constant 80 : i32
      %lt3A_78 = arith.cmpi slt, %add3A_76, %lt3A_77 : i32
      %convert_element_type3A_79 = arith.extui %lt3A_78 : i1 to i32
      %cond3A_80 = arith.constant 0 : i32
      %cond3A_81 = arith.cmpi ne, %convert_element_type3A_79, %cond3A_80 : i32
      scf.if %cond3A_81 {
        %dma_start3A_82 = arith.constant 1 : i32
        %dma_start3A_83 = arith.constant 0 : i32
        %dma_start3A_84 = arith.constant 0 : i32
        %dma_start3A_85 = tpu.memref_slice %arg9[%dma_start3A_82, %dma_start3A_83, %dma_start3A_84] : memref<2x128x16xf32, #tpu.memory_space<vmem>> -> memref<1x128x16xf32, #tpu.memory_space<vmem>>
        %dma_start3A_86 = tpu.memref_squeeze %dma_start3A_85 : memref<1x128x16xf32, #tpu.memory_space<vmem>> -> memref<128x16xf32, #tpu.memory_space<vmem>>
        %dma_start3A_87 = arith.constant 0 : i32
        %dma_start3A_88 = tpu.memref_slice %arg7[%add3A_76, %dma_start3A_87] : memref<80x128xi32, #tpu.memory_space<vmem>> -> memref<1x128xi32, #tpu.memory_space<vmem>>
        %dma_start3A_89 = tpu.memref_squeeze %dma_start3A_88 : memref<1x128xi32, #tpu.memory_space<vmem>> -> memref<128xi32, #tpu.memory_space<vmem>>
        %dma_start3A_90 = arith.constant 0 : i32
        %dma_start3A_91 = arith.constant 0 : i32
        %dma_start3A_92 = tpu.memref_slice %arg12[%dma_start3A_90, %dma_start3A_91] : memref<10000x16xf32, #tpu.memory_space<vmem_shared>> -> memref<10000x16xf32, #tpu.memory_space<vmem_shared>>
        tpu.enqueue_indirect_dma source(%dma_start3A_92 : memref<10000x16xf32, #tpu.memory_space<vmem_shared>>) target(%dma_start3A_86 : memref<128x16xf32, #tpu.memory_space<vmem>>) offsets(%dma_start3A_89 : memref<128xi32, #tpu.memory_space<vmem>>) semaphore(%arg14 : memref<!tpu.dma_semaphore, #tpu.memory_space<semaphore_mem>>)
      } else {
      }
    }
    %scan3A_36 = arith.constant 40 : i32
    %barrier3A_37 = arith.constant 0 : index
    tpu.barrier barrier_id(%barrier3A_37)
    %mul3A_38 = arith.constant 632 : i32
    %mul3A_39 = arith.muli %arg1, %mul3A_38 : i32
    %mul3A_40 = arith.constant 632 : i32
    %mul3A_41 = arith.muli %arg1, %mul3A_40 : i32
    "tpu.region"() ({
      %run_scoped3A = tpu.sem_alloc : memref<!tpu.dma_semaphore, #tpu.memory_space<semaphore_mem>>
      %dma_start3A_42 = arith.constant 0 : i32
      %dma_start3A_43 = tpu.memref_slice %arg6[%arg0, %mul3A_41, %dma_start3A_42] : memref<2x10112x16xf32, #tpu.memory_space<hbm>> -> memref<1x632x16xf32, #tpu.memory_space<hbm>>
      %dma_start3A_44 = tpu.memref_squeeze %dma_start3A_43 : memref<1x632x16xf32, #tpu.memory_space<hbm>> -> memref<632x16xf32, #tpu.memory_space<hbm>>
      %dma_start3A_45 = arith.constant 0 : i32
      %dma_start3A_46 = tpu.memref_slice %arg11[%mul3A_39, %dma_start3A_45] : memref<10112x16xf32, #tpu.memory_space<vmem_shared>> -> memref<632x16xf32, #tpu.memory_space<vmem_shared>>
      tpu.enqueue_dma source(%dma_start3A_46 : memref<632x16xf32, #tpu.memory_space<vmem_shared>>) target(%dma_start3A_44 : memref<632x16xf32, #tpu.memory_space<hbm>>) target_semaphore(%run_scoped3A : memref<!tpu.dma_semaphore, #tpu.memory_space<semaphore_mem>>)
      %dma_wait3A = arith.constant 0 : i32
      %dma_wait3A_47 = tpu.memref_slice %arg6[%arg0, %mul3A_41, %dma_wait3A] : memref<2x10112x16xf32, #tpu.memory_space<hbm>> -> memref<1x632x16xf32, #tpu.memory_space<hbm>>
      %dma_wait3A_48 = tpu.memref_squeeze %dma_wait3A_47 : memref<1x632x16xf32, #tpu.memory_space<hbm>> -> memref<632x16xf32, #tpu.memory_space<hbm>>
      %dma_wait3A_49 = arith.constant 0 : i32
      %dma_wait3A_50 = tpu.memref_slice %arg11[%mul3A_39, %dma_wait3A_49] : memref<10112x16xf32, #tpu.memory_space<vmem_shared>> -> memref<632x16xf32, #tpu.memory_space<vmem_shared>>
      tpu.wait_dma2 semaphore(%run_scoped3A : memref<!tpu.dma_semaphore, #tpu.memory_space<semaphore_mem>>) src(%dma_wait3A_50 : memref<632x16xf32, #tpu.memory_space<vmem_shared>>) dst(%dma_wait3A_48 : memref<632x16xf32, #tpu.memory_space<hbm>>)
      tpu.yield
    }) : () -> ()
    return
  }
}

#map = affine_map<(d0, d1) -> (0, 0, 0)>
#map1 = affine_map<(d0, d1) -> (0, 0)>
module attributes {stable_mosaic.version = 14 : i64} {
  func.func @k(%arg0: i32, %arg1: i32, %arg2: memref<32x80x128xi32, #tpu.memory_space<hbm>>, %arg3: memref<128x16xf32, #tpu.memory_space<hbm>>, %arg4: memref<10112x16xf32, #tpu.memory_space<hbm>>, %arg5: memref<2x10112x16xf32, #tpu.memory_space<hbm>>, %arg6: memref<80x128xi32, #tpu.memory_space<vmem>>, %arg7: memref<128x16xf32, #tpu.memory_space<vmem>>, %arg8: memref<10112x16xf32, #tpu.memory_space<vmem_shared>>, %arg9: memref<!tpu.dma_semaphore, #tpu.memory_space<semaphore_mem>>, %arg10: memref<!tpu.dma_semaphore, #tpu.memory_space<semaphore_mem>>) attributes {dimension_semantics = [#tpu.dimension_semantics<core_parallel>, #tpu.dimension_semantics<subcore_parallel>], iteration_bounds = array<i64: 2, 16>, scalar_prefetch = 0 : i64, scratch_operands = 5 : i64, tpu.core_type = #tpu.core_type<sc_vector_subcore>, window_params = [{transform_indices = #map}, {transform_indices = #map1}, {transform_indices = #map1}, {transform_indices = #map}]} {
    %mul3A = arith.constant 16 : i32
    %mul3A_0 = arith.muli %arg0, %mul3A : i32
    %add3A = arith.addi %mul3A_0, %arg1 : i32
    %mul3A_1 = arith.constant 632 : i32
    %mul3A_2 = arith.muli %arg1, %mul3A_1 : i32
    %mul3A_3 = arith.constant 632 : i32
    %mul3A_4 = arith.muli %arg1, %mul3A_3 : i32
    "tpu.region"() ({
      %run_scoped3A = tpu.sem_alloc : memref<!tpu.dma_semaphore, #tpu.memory_space<semaphore_mem>>
      %dma_start3A_28 = arith.constant 0 : i32
      %dma_start3A_29 = tpu.memref_slice %arg8[%mul3A_4, %dma_start3A_28] : memref<10112x16xf32, #tpu.memory_space<vmem_shared>> -> memref<632x16xf32, #tpu.memory_space<vmem_shared>>
      %dma_start3A_30 = arith.constant 0 : i32
      %dma_start3A_31 = tpu.memref_slice %arg4[%mul3A_2, %dma_start3A_30] : memref<10112x16xf32, #tpu.memory_space<hbm>> -> memref<632x16xf32, #tpu.memory_space<hbm>>
      tpu.enqueue_dma source(%dma_start3A_31 : memref<632x16xf32, #tpu.memory_space<hbm>>) target(%dma_start3A_29 : memref<632x16xf32, #tpu.memory_space<vmem_shared>>) target_semaphore(%run_scoped3A : memref<!tpu.dma_semaphore, #tpu.memory_space<semaphore_mem>>)
      %dma_wait3A = arith.constant 0 : i32
      %dma_wait3A_32 = tpu.memref_slice %arg8[%mul3A_4, %dma_wait3A] : memref<10112x16xf32, #tpu.memory_space<vmem_shared>> -> memref<632x16xf32, #tpu.memory_space<vmem_shared>>
      %dma_wait3A_33 = arith.constant 0 : i32
      %dma_wait3A_34 = tpu.memref_slice %arg4[%mul3A_2, %dma_wait3A_33] : memref<10112x16xf32, #tpu.memory_space<hbm>> -> memref<632x16xf32, #tpu.memory_space<hbm>>
      tpu.wait_dma2 semaphore(%run_scoped3A : memref<!tpu.dma_semaphore, #tpu.memory_space<semaphore_mem>>) src(%dma_wait3A_34 : memref<632x16xf32, #tpu.memory_space<hbm>>) dst(%dma_wait3A_32 : memref<632x16xf32, #tpu.memory_space<vmem_shared>>)
      tpu.yield
    }) : () -> ()
    "tpu.region"() ({
      %run_scoped3A = tpu.sem_alloc : memref<!tpu.dma_semaphore, #tpu.memory_space<semaphore_mem>>
      tpu.enqueue_dma source(%arg3 : memref<128x16xf32, #tpu.memory_space<hbm>>) target(%arg7 : memref<128x16xf32, #tpu.memory_space<vmem>>) target_semaphore(%run_scoped3A : memref<!tpu.dma_semaphore, #tpu.memory_space<semaphore_mem>>)
      tpu.wait_dma2 semaphore(%run_scoped3A : memref<!tpu.dma_semaphore, #tpu.memory_space<semaphore_mem>>) src(%arg3 : memref<128x16xf32, #tpu.memory_space<hbm>>) dst(%arg7 : memref<128x16xf32, #tpu.memory_space<vmem>>)
      tpu.yield
    }) : () -> ()
    "tpu.region"() ({
      %run_scoped3A = tpu.sem_alloc : memref<!tpu.dma_semaphore, #tpu.memory_space<semaphore_mem>>
      %dma_start3A_28 = arith.constant 0 : i32
      %dma_start3A_29 = arith.constant 0 : i32
      %dma_start3A_30 = tpu.memref_slice %arg2[%add3A, %dma_start3A_28, %dma_start3A_29] : memref<32x80x128xi32, #tpu.memory_space<hbm>> -> memref<1x80x128xi32, #tpu.memory_space<hbm>>
      %dma_start3A_31 = tpu.memref_squeeze %dma_start3A_30 : memref<1x80x128xi32, #tpu.memory_space<hbm>> -> memref<80x128xi32, #tpu.memory_space<hbm>>
      %dma_start3A_32 = arith.constant 0 : i32
      %dma_start3A_33 = arith.constant 0 : i32
      %dma_start3A_34 = tpu.memref_slice %arg2[%add3A, %dma_start3A_32, %dma_start3A_33] : memref<32x80x128xi32, #tpu.memory_space<hbm>> -> memref<1x80x128xi32, #tpu.memory_space<hbm>>
      %dma_start3A_35 = tpu.memref_squeeze %dma_start3A_34 : memref<1x80x128xi32, #tpu.memory_space<hbm>> -> memref<80x128xi32, #tpu.memory_space<hbm>>
      tpu.enqueue_dma source(%dma_start3A_35 : memref<80x128xi32, #tpu.memory_space<hbm>>) target(%arg6 : memref<80x128xi32, #tpu.memory_space<vmem>>) target_semaphore(%run_scoped3A : memref<!tpu.dma_semaphore, #tpu.memory_space<semaphore_mem>>)
      %dma_wait3A = arith.constant 0 : i32
      %dma_wait3A_36 = arith.constant 0 : i32
      %dma_wait3A_37 = tpu.memref_slice %arg2[%add3A, %dma_wait3A, %dma_wait3A_36] : memref<32x80x128xi32, #tpu.memory_space<hbm>> -> memref<1x80x128xi32, #tpu.memory_space<hbm>>
      %dma_wait3A_38 = tpu.memref_squeeze %dma_wait3A_37 : memref<1x80x128xi32, #tpu.memory_space<hbm>> -> memref<80x128xi32, #tpu.memory_space<hbm>>
      %dma_wait3A_39 = arith.constant 0 : i32
      %dma_wait3A_40 = arith.constant 0 : i32
      %dma_wait3A_41 = tpu.memref_slice %arg2[%add3A, %dma_wait3A_39, %dma_wait3A_40] : memref<32x80x128xi32, #tpu.memory_space<hbm>> -> memref<1x80x128xi32, #tpu.memory_space<hbm>>
      %dma_wait3A_42 = tpu.memref_squeeze %dma_wait3A_41 : memref<1x80x128xi32, #tpu.memory_space<hbm>> -> memref<80x128xi32, #tpu.memory_space<hbm>>
      tpu.wait_dma2 semaphore(%run_scoped3A : memref<!tpu.dma_semaphore, #tpu.memory_space<semaphore_mem>>) src(%dma_wait3A_42 : memref<80x128xi32, #tpu.memory_space<hbm>>) dst(%arg6 : memref<80x128xi32, #tpu.memory_space<vmem>>)
      tpu.yield
    }) : () -> ()
    %barrier3A = arith.constant 0 : index
    tpu.barrier barrier_id(%barrier3A)
    %dma_start3A = arith.constant 0 : i32
    %dma_start3A_5 = arith.constant 0 : i32
    %dma_start3A_6 = tpu.memref_slice %arg6[%dma_start3A, %dma_start3A_5] : memref<80x128xi32, #tpu.memory_space<vmem>> -> memref<1x128xi32, #tpu.memory_space<vmem>>
    %dma_start3A_7 = tpu.memref_squeeze %dma_start3A_6 : memref<1x128xi32, #tpu.memory_space<vmem>> -> memref<128xi32, #tpu.memory_space<vmem>>
    %dma_start3A_8 = arith.constant 0 : i32
    %dma_start3A_9 = arith.constant 0 : i32
    %dma_start3A_10 = tpu.memref_slice %arg8[%dma_start3A_8, %dma_start3A_9] : memref<10112x16xf32, #tpu.memory_space<vmem_shared>> -> memref<10112x16xf32, #tpu.memory_space<vmem_shared>>
    tpu.enqueue_indirect_dma source(%arg7 : memref<128x16xf32, #tpu.memory_space<vmem>>) target(%dma_start3A_10 : memref<10112x16xf32, #tpu.memory_space<vmem_shared>>) offsets(%dma_start3A_7 : memref<128xi32, #tpu.memory_space<vmem>>) semaphore(%arg9 : memref<!tpu.dma_semaphore, #tpu.memory_space<semaphore_mem>>) {add = true}
    %dma_start3A_11 = arith.constant 1 : i32
    %dma_start3A_12 = arith.constant 0 : i32
    %dma_start3A_13 = tpu.memref_slice %arg6[%dma_start3A_11, %dma_start3A_12] : memref<80x128xi32, #tpu.memory_space<vmem>> -> memref<1x128xi32, #tpu.memory_space<vmem>>
    %dma_start3A_14 = tpu.memref_squeeze %dma_start3A_13 : memref<1x128xi32, #tpu.memory_space<vmem>> -> memref<128xi32, #tpu.memory_space<vmem>>
    %dma_start3A_15 = arith.constant 0 : i32
    %dma_start3A_16 = arith.constant 0 : i32
    %dma_start3A_17 = tpu.memref_slice %arg8[%dma_start3A_15, %dma_start3A_16] : memref<10112x16xf32, #tpu.memory_space<vmem_shared>> -> memref<10112x16xf32, #tpu.memory_space<vmem_shared>>
    tpu.enqueue_indirect_dma source(%arg7 : memref<128x16xf32, #tpu.memory_space<vmem>>) target(%dma_start3A_17 : memref<10112x16xf32, #tpu.memory_space<vmem_shared>>) offsets(%dma_start3A_14 : memref<128xi32, #tpu.memory_space<vmem>>) semaphore(%arg10 : memref<!tpu.dma_semaphore, #tpu.memory_space<semaphore_mem>>) {add = true}
    %scan3A = arith.constant 0 : i32
    %scan3A_18 = arith.constant 0 : i32
    %scan3A_19 = arith.constant 40 : i32
    %scan3A_20 = arith.addi %scan3A_18, %scan3A_19 : i32
    %scan3A_21 = arith.constant 1 : i32
    scf.for %scan3A_28 = %scan3A_18 to %scan3A_20 step %scan3A_21  : i32 {
      %mul3A_29 = arith.constant 2 : i32
      %mul3A_30 = arith.muli %scan3A_28, %mul3A_29 : i32
      %add3A_31 = arith.constant 0 : i32
      %add3A_32 = arith.addi %mul3A_30, %add3A_31 : i32
      %dma_wait3A = arith.constant 0 : i32
      %dma_wait3A_33 = tpu.memref_slice %arg6[%add3A_32, %dma_wait3A] : memref<80x128xi32, #tpu.memory_space<vmem>> -> memref<1x128xi32, #tpu.memory_space<vmem>>
      %dma_wait3A_34 = tpu.memref_squeeze %dma_wait3A_33 : memref<1x128xi32, #tpu.memory_space<vmem>> -> memref<128xi32, #tpu.memory_space<vmem>>
      %dma_wait3A_35 = arith.constant 0 : i32
      %dma_wait3A_36 = arith.constant 0 : i32
      %dma_wait3A_37 = tpu.memref_slice %arg8[%dma_wait3A_35, %dma_wait3A_36] : memref<10112x16xf32, #tpu.memory_space<vmem_shared>> -> memref<10112x16xf32, #tpu.memory_space<vmem_shared>>
      tpu.wait_indirect_dma semaphore(%arg9 : memref<!tpu.dma_semaphore, #tpu.memory_space<semaphore_mem>>) src(%arg7 : memref<128x16xf32, #tpu.memory_space<vmem>>) dst(%dma_wait3A_37 : memref<10112x16xf32, #tpu.memory_space<vmem_shared>>)
      %add3A_38 = arith.constant 2 : i32
      %add3A_39 = arith.addi %add3A_32, %add3A_38 : i32
      %lt3A = arith.constant 80 : i32
      %lt3A_40 = arith.cmpi slt, %add3A_39, %lt3A : i32
      %convert_element_type3A = arith.extui %lt3A_40 : i1 to i32
      %cond3A = arith.constant 0 : i32
      %cond3A_41 = arith.cmpi ne, %convert_element_type3A, %cond3A : i32
      scf.if %cond3A_41 {
        %dma_start3A_57 = arith.constant 0 : i32
        %dma_start3A_58 = tpu.memref_slice %arg6[%add3A_39, %dma_start3A_57] : memref<80x128xi32, #tpu.memory_space<vmem>> -> memref<1x128xi32, #tpu.memory_space<vmem>>
        %dma_start3A_59 = tpu.memref_squeeze %dma_start3A_58 : memref<1x128xi32, #tpu.memory_space<vmem>> -> memref<128xi32, #tpu.memory_space<vmem>>
        %dma_start3A_60 = arith.constant 0 : i32
        %dma_start3A_61 = arith.constant 0 : i32
        %dma_start3A_62 = tpu.memref_slice %arg8[%dma_start3A_60, %dma_start3A_61] : memref<10112x16xf32, #tpu.memory_space<vmem_shared>> -> memref<10112x16xf32, #tpu.memory_space<vmem_shared>>
        tpu.enqueue_indirect_dma source(%arg7 : memref<128x16xf32, #tpu.memory_space<vmem>>) target(%dma_start3A_62 : memref<10112x16xf32, #tpu.memory_space<vmem_shared>>) offsets(%dma_start3A_59 : memref<128xi32, #tpu.memory_space<vmem>>) semaphore(%arg9 : memref<!tpu.dma_semaphore, #tpu.memory_space<semaphore_mem>>) {add = true}
      } else {
      }
      %add3A_42 = arith.constant 1 : i32
      %add3A_43 = arith.addi %mul3A_30, %add3A_42 : i32
      %dma_wait3A_44 = arith.constant 0 : i32
      %dma_wait3A_45 = tpu.memref_slice %arg6[%add3A_43, %dma_wait3A_44] : memref<80x128xi32, #tpu.memory_space<vmem>> -> memref<1x128xi32, #tpu.memory_space<vmem>>
      %dma_wait3A_46 = tpu.memref_squeeze %dma_wait3A_45 : memref<1x128xi32, #tpu.memory_space<vmem>> -> memref<128xi32, #tpu.memory_space<vmem>>
      %dma_wait3A_47 = arith.constant 0 : i32
      %dma_wait3A_48 = arith.constant 0 : i32
      %dma_wait3A_49 = tpu.memref_slice %arg8[%dma_wait3A_47, %dma_wait3A_48] : memref<10112x16xf32, #tpu.memory_space<vmem_shared>> -> memref<10112x16xf32, #tpu.memory_space<vmem_shared>>
      tpu.wait_indirect_dma semaphore(%arg10 : memref<!tpu.dma_semaphore, #tpu.memory_space<semaphore_mem>>) src(%arg7 : memref<128x16xf32, #tpu.memory_space<vmem>>) dst(%dma_wait3A_49 : memref<10112x16xf32, #tpu.memory_space<vmem_shared>>)
      %add3A_50 = arith.constant 2 : i32
      %add3A_51 = arith.addi %add3A_43, %add3A_50 : i32
      %lt3A_52 = arith.constant 80 : i32
      %lt3A_53 = arith.cmpi slt, %add3A_51, %lt3A_52 : i32
      %convert_element_type3A_54 = arith.extui %lt3A_53 : i1 to i32
      %cond3A_55 = arith.constant 0 : i32
      %cond3A_56 = arith.cmpi ne, %convert_element_type3A_54, %cond3A_55 : i32
      scf.if %cond3A_56 {
        %dma_start3A_57 = arith.constant 0 : i32
        %dma_start3A_58 = tpu.memref_slice %arg6[%add3A_51, %dma_start3A_57] : memref<80x128xi32, #tpu.memory_space<vmem>> -> memref<1x128xi32, #tpu.memory_space<vmem>>
        %dma_start3A_59 = tpu.memref_squeeze %dma_start3A_58 : memref<1x128xi32, #tpu.memory_space<vmem>> -> memref<128xi32, #tpu.memory_space<vmem>>
        %dma_start3A_60 = arith.constant 0 : i32
        %dma_start3A_61 = arith.constant 0 : i32
        %dma_start3A_62 = tpu.memref_slice %arg8[%dma_start3A_60, %dma_start3A_61] : memref<10112x16xf32, #tpu.memory_space<vmem_shared>> -> memref<10112x16xf32, #tpu.memory_space<vmem_shared>>
        tpu.enqueue_indirect_dma source(%arg7 : memref<128x16xf32, #tpu.memory_space<vmem>>) target(%dma_start3A_62 : memref<10112x16xf32, #tpu.memory_space<vmem_shared>>) offsets(%dma_start3A_59 : memref<128xi32, #tpu.memory_space<vmem>>) semaphore(%arg10 : memref<!tpu.dma_semaphore, #tpu.memory_space<semaphore_mem>>) {add = true}
      } else {
      }
    }
    %scan3A_22 = arith.constant 40 : i32
    %barrier3A_23 = arith.constant 0 : index
    tpu.barrier barrier_id(%barrier3A_23)
    %mul3A_24 = arith.constant 632 : i32
    %mul3A_25 = arith.muli %arg1, %mul3A_24 : i32
    %mul3A_26 = arith.constant 632 : i32
    %mul3A_27 = arith.muli %arg1, %mul3A_26 : i32
    "tpu.region"() ({
      %run_scoped3A = tpu.sem_alloc : memref<!tpu.dma_semaphore, #tpu.memory_space<semaphore_mem>>
      %dma_start3A_28 = arith.constant 0 : i32
      %dma_start3A_29 = tpu.memref_slice %arg5[%arg0, %mul3A_27, %dma_start3A_28] : memref<2x10112x16xf32, #tpu.memory_space<hbm>> -> memref<1x632x16xf32, #tpu.memory_space<hbm>>
      %dma_start3A_30 = tpu.memref_squeeze %dma_start3A_29 : memref<1x632x16xf32, #tpu.memory_space<hbm>> -> memref<632x16xf32, #tpu.memory_space<hbm>>
      %dma_start3A_31 = arith.constant 0 : i32
      %dma_start3A_32 = tpu.memref_slice %arg8[%mul3A_25, %dma_start3A_31] : memref<10112x16xf32, #tpu.memory_space<vmem_shared>> -> memref<632x16xf32, #tpu.memory_space<vmem_shared>>
      tpu.enqueue_dma source(%dma_start3A_32 : memref<632x16xf32, #tpu.memory_space<vmem_shared>>) target(%dma_start3A_30 : memref<632x16xf32, #tpu.memory_space<hbm>>) target_semaphore(%run_scoped3A : memref<!tpu.dma_semaphore, #tpu.memory_space<semaphore_mem>>)
      %dma_wait3A = arith.constant 0 : i32
      %dma_wait3A_33 = tpu.memref_slice %arg5[%arg0, %mul3A_27, %dma_wait3A] : memref<2x10112x16xf32, #tpu.memory_space<hbm>> -> memref<1x632x16xf32, #tpu.memory_space<hbm>>
      %dma_wait3A_34 = tpu.memref_squeeze %dma_wait3A_33 : memref<1x632x16xf32, #tpu.memory_space<hbm>> -> memref<632x16xf32, #tpu.memory_space<hbm>>
      %dma_wait3A_35 = arith.constant 0 : i32
      %dma_wait3A_36 = tpu.memref_slice %arg8[%mul3A_25, %dma_wait3A_35] : memref<10112x16xf32, #tpu.memory_space<vmem_shared>> -> memref<632x16xf32, #tpu.memory_space<vmem_shared>>
      tpu.wait_dma2 semaphore(%run_scoped3A : memref<!tpu.dma_semaphore, #tpu.memory_space<semaphore_mem>>) src(%dma_wait3A_36 : memref<632x16xf32, #tpu.memory_space<vmem_shared>>) dst(%dma_wait3A_34 : memref<632x16xf32, #tpu.memory_space<hbm>>)
      tpu.yield
    }) : () -> ()
    return
  }
}

#map = affine_map<(d0, d1) -> (0, 0)>
#map1 = affine_map<(d0, d1) -> (0, 0, 0)>
module attributes {stable_mosaic.version = 14 : i64} {
  func.func @k(%arg0: i32, %arg1: i32, %arg2: memref<10000x128xf32, #tpu.memory_space<hbm>>, %arg3: memref<32x80x128xi32, #tpu.memory_space<hbm>>, %arg4: memref<32x80x128xi32, #tpu.memory_space<hbm>>, %arg5: memref<10112x32xf32, #tpu.memory_space<hbm>>, %arg6: memref<2x10112x128xf32, #tpu.memory_space<hbm>>, %arg7: memref<80x128xi32, #tpu.memory_space<vmem>>, %arg8: memref<80x128xi32, #tpu.memory_space<vmem>>, %arg9: memref<2x128x32xf32, #tpu.memory_space<vmem>>, %arg10: memref<632x32xf32, #tpu.memory_space<vmem>>, %arg11: memref<10112x32xf32, #tpu.memory_space<vmem_shared>>, %arg12: memref<10000x32xf32, #tpu.memory_space<vmem_shared>>, %arg13: memref<!tpu.dma_semaphore, #tpu.memory_space<semaphore_mem>>, %arg14: memref<!tpu.dma_semaphore, #tpu.memory_space<semaphore_mem>>) attributes {dimension_semantics = [#tpu.dimension_semantics<core_parallel>, #tpu.dimension_semantics<subcore_parallel>], iteration_bounds = array<i64: 2, 16>, scalar_prefetch = 0 : i64, scratch_operands = 8 : i64, tpu.core_type = #tpu.core_type<sc_vector_subcore>, window_params = [{transform_indices = #map}, {transform_indices = #map1}, {transform_indices = #map1}, {transform_indices = #map}, {transform_indices = #map1}]} {
    %mul3A = arith.constant 16 : i32
    %mul3A_0 = arith.muli %arg0, %mul3A : i32
    %add3A = arith.addi %mul3A_0, %arg1 : i32
    "tpu.region"() ({
      %run_scoped3A = tpu.sem_alloc : memref<!tpu.dma_semaphore, #tpu.memory_space<semaphore_mem>>
      %dma_start3A_168 = arith.constant 0 : i32
      %dma_start3A_169 = arith.constant 0 : i32
      %dma_start3A_170 = tpu.memref_slice %arg3[%add3A, %dma_start3A_168, %dma_start3A_169] : memref<32x80x128xi32, #tpu.memory_space<hbm>> -> memref<1x80x128xi32, #tpu.memory_space<hbm>>
      %dma_start3A_171 = tpu.memref_squeeze %dma_start3A_170 : memref<1x80x128xi32, #tpu.memory_space<hbm>> -> memref<80x128xi32, #tpu.memory_space<hbm>>
      %dma_start3A_172 = arith.constant 0 : i32
      %dma_start3A_173 = arith.constant 0 : i32
      %dma_start3A_174 = tpu.memref_slice %arg3[%add3A, %dma_start3A_172, %dma_start3A_173] : memref<32x80x128xi32, #tpu.memory_space<hbm>> -> memref<1x80x128xi32, #tpu.memory_space<hbm>>
      %dma_start3A_175 = tpu.memref_squeeze %dma_start3A_174 : memref<1x80x128xi32, #tpu.memory_space<hbm>> -> memref<80x128xi32, #tpu.memory_space<hbm>>
      tpu.enqueue_dma source(%dma_start3A_175 : memref<80x128xi32, #tpu.memory_space<hbm>>) target(%arg7 : memref<80x128xi32, #tpu.memory_space<vmem>>) target_semaphore(%run_scoped3A : memref<!tpu.dma_semaphore, #tpu.memory_space<semaphore_mem>>)
      %dma_wait3A = arith.constant 0 : i32
      %dma_wait3A_176 = arith.constant 0 : i32
      %dma_wait3A_177 = tpu.memref_slice %arg3[%add3A, %dma_wait3A, %dma_wait3A_176] : memref<32x80x128xi32, #tpu.memory_space<hbm>> -> memref<1x80x128xi32, #tpu.memory_space<hbm>>
      %dma_wait3A_178 = tpu.memref_squeeze %dma_wait3A_177 : memref<1x80x128xi32, #tpu.memory_space<hbm>> -> memref<80x128xi32, #tpu.memory_space<hbm>>
      %dma_wait3A_179 = arith.constant 0 : i32
      %dma_wait3A_180 = arith.constant 0 : i32
      %dma_wait3A_181 = tpu.memref_slice %arg3[%add3A, %dma_wait3A_179, %dma_wait3A_180] : memref<32x80x128xi32, #tpu.memory_space<hbm>> -> memref<1x80x128xi32, #tpu.memory_space<hbm>>
      %dma_wait3A_182 = tpu.memref_squeeze %dma_wait3A_181 : memref<1x80x128xi32, #tpu.memory_space<hbm>> -> memref<80x128xi32, #tpu.memory_space<hbm>>
      tpu.wait_dma2 semaphore(%run_scoped3A : memref<!tpu.dma_semaphore, #tpu.memory_space<semaphore_mem>>) src(%dma_wait3A_182 : memref<80x128xi32, #tpu.memory_space<hbm>>) dst(%arg7 : memref<80x128xi32, #tpu.memory_space<vmem>>)
      tpu.yield
    }) : () -> ()
    "tpu.region"() ({
      %run_scoped3A = tpu.sem_alloc : memref<!tpu.dma_semaphore, #tpu.memory_space<semaphore_mem>>
      %dma_start3A_168 = arith.constant 0 : i32
      %dma_start3A_169 = arith.constant 0 : i32
      %dma_start3A_170 = tpu.memref_slice %arg4[%add3A, %dma_start3A_168, %dma_start3A_169] : memref<32x80x128xi32, #tpu.memory_space<hbm>> -> memref<1x80x128xi32, #tpu.memory_space<hbm>>
      %dma_start3A_171 = tpu.memref_squeeze %dma_start3A_170 : memref<1x80x128xi32, #tpu.memory_space<hbm>> -> memref<80x128xi32, #tpu.memory_space<hbm>>
      %dma_start3A_172 = arith.constant 0 : i32
      %dma_start3A_173 = arith.constant 0 : i32
      %dma_start3A_174 = tpu.memref_slice %arg4[%add3A, %dma_start3A_172, %dma_start3A_173] : memref<32x80x128xi32, #tpu.memory_space<hbm>> -> memref<1x80x128xi32, #tpu.memory_space<hbm>>
      %dma_start3A_175 = tpu.memref_squeeze %dma_start3A_174 : memref<1x80x128xi32, #tpu.memory_space<hbm>> -> memref<80x128xi32, #tpu.memory_space<hbm>>
      tpu.enqueue_dma source(%dma_start3A_175 : memref<80x128xi32, #tpu.memory_space<hbm>>) target(%arg8 : memref<80x128xi32, #tpu.memory_space<vmem>>) target_semaphore(%run_scoped3A : memref<!tpu.dma_semaphore, #tpu.memory_space<semaphore_mem>>)
      %dma_wait3A = arith.constant 0 : i32
      %dma_wait3A_176 = arith.constant 0 : i32
      %dma_wait3A_177 = tpu.memref_slice %arg4[%add3A, %dma_wait3A, %dma_wait3A_176] : memref<32x80x128xi32, #tpu.memory_space<hbm>> -> memref<1x80x128xi32, #tpu.memory_space<hbm>>
      %dma_wait3A_178 = tpu.memref_squeeze %dma_wait3A_177 : memref<1x80x128xi32, #tpu.memory_space<hbm>> -> memref<80x128xi32, #tpu.memory_space<hbm>>
      %dma_wait3A_179 = arith.constant 0 : i32
      %dma_wait3A_180 = arith.constant 0 : i32
      %dma_wait3A_181 = tpu.memref_slice %arg4[%add3A, %dma_wait3A_179, %dma_wait3A_180] : memref<32x80x128xi32, #tpu.memory_space<hbm>> -> memref<1x80x128xi32, #tpu.memory_space<hbm>>
      %dma_wait3A_182 = tpu.memref_squeeze %dma_wait3A_181 : memref<1x80x128xi32, #tpu.memory_space<hbm>> -> memref<80x128xi32, #tpu.memory_space<hbm>>
      tpu.wait_dma2 semaphore(%run_scoped3A : memref<!tpu.dma_semaphore, #tpu.memory_space<semaphore_mem>>) src(%dma_wait3A_182 : memref<80x128xi32, #tpu.memory_space<hbm>>) dst(%arg8 : memref<80x128xi32, #tpu.memory_space<vmem>>)
      tpu.yield
    }) : () -> ()
    %mul3A_1 = arith.constant 632 : i32
    %mul3A_2 = arith.muli %arg1, %mul3A_1 : i32
    "tpu.region"() ({
      %run_scoped3A = tpu.sem_alloc : memref<!tpu.dma_semaphore, #tpu.memory_space<semaphore_mem>>
      %dma_start3A_168 = arith.constant 0 : i32
      %dma_start3A_169 = tpu.memref_slice %arg5[%mul3A_2, %dma_start3A_168] : memref<10112x32xf32, #tpu.memory_space<hbm>> -> memref<632x32xf32, #tpu.memory_space<hbm>>
      %dma_start3A_170 = arith.constant 0 : i32
      %dma_start3A_171 = tpu.memref_slice %arg5[%mul3A_2, %dma_start3A_170] : memref<10112x32xf32, #tpu.memory_space<hbm>> -> memref<632x32xf32, #tpu.memory_space<hbm>>
      tpu.enqueue_dma source(%dma_start3A_171 : memref<632x32xf32, #tpu.memory_space<hbm>>) target(%arg10 : memref<632x32xf32, #tpu.memory_space<vmem>>) target_semaphore(%run_scoped3A : memref<!tpu.dma_semaphore, #tpu.memory_space<semaphore_mem>>)
      %dma_wait3A = arith.constant 0 : i32
      %dma_wait3A_172 = tpu.memref_slice %arg5[%mul3A_2, %dma_wait3A] : memref<10112x32xf32, #tpu.memory_space<hbm>> -> memref<632x32xf32, #tpu.memory_space<hbm>>
      %dma_wait3A_173 = arith.constant 0 : i32
      %dma_wait3A_174 = tpu.memref_slice %arg5[%mul3A_2, %dma_wait3A_173] : memref<10112x32xf32, #tpu.memory_space<hbm>> -> memref<632x32xf32, #tpu.memory_space<hbm>>
      tpu.wait_dma2 semaphore(%run_scoped3A : memref<!tpu.dma_semaphore, #tpu.memory_space<semaphore_mem>>) src(%dma_wait3A_174 : memref<632x32xf32, #tpu.memory_space<hbm>>) dst(%arg10 : memref<632x32xf32, #tpu.memory_space<vmem>>)
      tpu.yield
    }) : () -> ()
    %mul3A_3 = arith.constant 625 : i32
    %mul3A_4 = arith.muli %arg1, %mul3A_3 : i32
    %mul3A_5 = arith.constant 625 : i32
    %mul3A_6 = arith.muli %arg1, %mul3A_5 : i32
    "tpu.region"() ({
      %run_scoped3A = tpu.sem_alloc : memref<!tpu.dma_semaphore, #tpu.memory_space<semaphore_mem>>
      %dma_start3A_168 = arith.constant 0 : i32
      %dma_start3A_169 = tpu.memref_slice %arg12[%mul3A_6, %dma_start3A_168] : memref<10000x32xf32, #tpu.memory_space<vmem_shared>> -> memref<625x32xf32, #tpu.memory_space<vmem_shared>>
      %dma_start3A_170 = arith.constant 0 : i32
      %dma_start3A_171 = tpu.memref_slice %arg2[%mul3A_4, %dma_start3A_170] : memref<10000x128xf32, #tpu.memory_space<hbm>> -> memref<625x32xf32, #tpu.memory_space<hbm>>
      tpu.enqueue_dma source(%dma_start3A_171 : memref<625x32xf32, #tpu.memory_space<hbm>>) target(%dma_start3A_169 : memref<625x32xf32, #tpu.memory_space<vmem_shared>>) target_semaphore(%run_scoped3A : memref<!tpu.dma_semaphore, #tpu.memory_space<semaphore_mem>>)
      %dma_wait3A = arith.constant 0 : i32
      %dma_wait3A_172 = tpu.memref_slice %arg12[%mul3A_6, %dma_wait3A] : memref<10000x32xf32, #tpu.memory_space<vmem_shared>> -> memref<625x32xf32, #tpu.memory_space<vmem_shared>>
      %dma_wait3A_173 = arith.constant 0 : i32
      %dma_wait3A_174 = tpu.memref_slice %arg2[%mul3A_4, %dma_wait3A_173] : memref<10000x128xf32, #tpu.memory_space<hbm>> -> memref<625x32xf32, #tpu.memory_space<hbm>>
      tpu.wait_dma2 semaphore(%run_scoped3A : memref<!tpu.dma_semaphore, #tpu.memory_space<semaphore_mem>>) src(%dma_wait3A_174 : memref<625x32xf32, #tpu.memory_space<hbm>>) dst(%dma_wait3A_172 : memref<625x32xf32, #tpu.memory_space<vmem_shared>>)
      tpu.yield
    }) : () -> ()
    %mul3A_7 = arith.constant 632 : i32
    %mul3A_8 = arith.muli %arg1, %mul3A_7 : i32
    "tpu.region"() ({
      %run_scoped3A = tpu.sem_alloc : memref<!tpu.dma_semaphore, #tpu.memory_space<semaphore_mem>>
      %dma_start3A_168 = arith.constant 0 : i32
      %dma_start3A_169 = tpu.memref_slice %arg11[%mul3A_8, %dma_start3A_168] : memref<10112x32xf32, #tpu.memory_space<vmem_shared>> -> memref<632x32xf32, #tpu.memory_space<vmem_shared>>
      %dma_start3A_170 = arith.constant 0 : i32
      %dma_start3A_171 = tpu.memref_slice %arg11[%mul3A_8, %dma_start3A_170] : memref<10112x32xf32, #tpu.memory_space<vmem_shared>> -> memref<632x32xf32, #tpu.memory_space<vmem_shared>>
      tpu.enqueue_dma source(%arg10 : memref<632x32xf32, #tpu.memory_space<vmem>>) target(%dma_start3A_171 : memref<632x32xf32, #tpu.memory_space<vmem_shared>>) target_semaphore(%run_scoped3A : memref<!tpu.dma_semaphore, #tpu.memory_space<semaphore_mem>>)
      %dma_wait3A = arith.constant 0 : i32
      %dma_wait3A_172 = tpu.memref_slice %arg11[%mul3A_8, %dma_wait3A] : memref<10112x32xf32, #tpu.memory_space<vmem_shared>> -> memref<632x32xf32, #tpu.memory_space<vmem_shared>>
      %dma_wait3A_173 = arith.constant 0 : i32
      %dma_wait3A_174 = tpu.memref_slice %arg11[%mul3A_8, %dma_wait3A_173] : memref<10112x32xf32, #tpu.memory_space<vmem_shared>> -> memref<632x32xf32, #tpu.memory_space<vmem_shared>>
      tpu.wait_dma2 semaphore(%run_scoped3A : memref<!tpu.dma_semaphore, #tpu.memory_space<semaphore_mem>>) src(%arg10 : memref<632x32xf32, #tpu.memory_space<vmem>>) dst(%dma_wait3A_174 : memref<632x32xf32, #tpu.memory_space<vmem_shared>>)
      tpu.yield
    }) : () -> ()
    %barrier3A = arith.constant 0 : index
    tpu.barrier barrier_id(%barrier3A)
    %dma_start3A = arith.constant 0 : i32
    %dma_start3A_9 = arith.constant 0 : i32
    %dma_start3A_10 = arith.constant 0 : i32
    %dma_start3A_11 = arith.constant 0 : i32
    %dma_start3A_12 = tpu.memref_slice %arg9[%dma_start3A_9, %dma_start3A_10, %dma_start3A_11] : memref<2x128x32xf32, #tpu.memory_space<vmem>> -> memref<1x128x32xf32, #tpu.memory_space<vmem>>
    %dma_start3A_13 = tpu.memref_squeeze %dma_start3A_12 : memref<1x128x32xf32, #tpu.memory_space<vmem>> -> memref<128x32xf32, #tpu.memory_space<vmem>>
    %dma_start3A_14 = arith.constant 0 : i32
    %dma_start3A_15 = tpu.memref_slice %arg7[%dma_start3A, %dma_start3A_14] : memref<80x128xi32, #tpu.memory_space<vmem>> -> memref<1x128xi32, #tpu.memory_space<vmem>>
    %dma_start3A_16 = tpu.memref_squeeze %dma_start3A_15 : memref<1x128xi32, #tpu.memory_space<vmem>> -> memref<128xi32, #tpu.memory_space<vmem>>
    %dma_start3A_17 = arith.constant 0 : i32
    %dma_start3A_18 = arith.constant 0 : i32
    %dma_start3A_19 = tpu.memref_slice %arg12[%dma_start3A_17, %dma_start3A_18] : memref<10000x32xf32, #tpu.memory_space<vmem_shared>> -> memref<10000x32xf32, #tpu.memory_space<vmem_shared>>
    tpu.enqueue_indirect_dma source(%dma_start3A_19 : memref<10000x32xf32, #tpu.memory_space<vmem_shared>>) target(%dma_start3A_13 : memref<128x32xf32, #tpu.memory_space<vmem>>) offsets(%dma_start3A_16 : memref<128xi32, #tpu.memory_space<vmem>>) semaphore(%arg13 : memref<!tpu.dma_semaphore, #tpu.memory_space<semaphore_mem>>)
    %dma_start3A_20 = arith.constant 1 : i32
    %dma_start3A_21 = arith.constant 1 : i32
    %dma_start3A_22 = arith.constant 0 : i32
    %dma_start3A_23 = arith.constant 0 : i32
    %dma_start3A_24 = tpu.memref_slice %arg9[%dma_start3A_21, %dma_start3A_22, %dma_start3A_23] : memref<2x128x32xf32, #tpu.memory_space<vmem>> -> memref<1x128x32xf32, #tpu.memory_space<vmem>>
    %dma_start3A_25 = tpu.memref_squeeze %dma_start3A_24 : memref<1x128x32xf32, #tpu.memory_space<vmem>> -> memref<128x32xf32, #tpu.memory_space<vmem>>
    %dma_start3A_26 = arith.constant 0 : i32
    %dma_start3A_27 = tpu.memref_slice %arg7[%dma_start3A_20, %dma_start3A_26] : memref<80x128xi32, #tpu.memory_space<vmem>> -> memref<1x128xi32, #tpu.memory_space<vmem>>
    %dma_start3A_28 = tpu.memref_squeeze %dma_start3A_27 : memref<1x128xi32, #tpu.memory_space<vmem>> -> memref<128xi32, #tpu.memory_space<vmem>>
    %dma_start3A_29 = arith.constant 0 : i32
    %dma_start3A_30 = arith.constant 0 : i32
    %dma_start3A_31 = tpu.memref_slice %arg12[%dma_start3A_29, %dma_start3A_30] : memref<10000x32xf32, #tpu.memory_space<vmem_shared>> -> memref<10000x32xf32, #tpu.memory_space<vmem_shared>>
    tpu.enqueue_indirect_dma source(%dma_start3A_31 : memref<10000x32xf32, #tpu.memory_space<vmem_shared>>) target(%dma_start3A_25 : memref<128x32xf32, #tpu.memory_space<vmem>>) offsets(%dma_start3A_28 : memref<128xi32, #tpu.memory_space<vmem>>) semaphore(%arg14 : memref<!tpu.dma_semaphore, #tpu.memory_space<semaphore_mem>>)
    %scan3A = arith.constant 0 : i32
    %scan3A_32 = arith.constant 0 : i32
    %scan3A_33 = arith.constant 40 : i32
    %scan3A_34 = arith.addi %scan3A_32, %scan3A_33 : i32
    %scan3A_35 = arith.constant 1 : i32
    scf.for %scan3A_168 = %scan3A_32 to %scan3A_34 step %scan3A_35  : i32 {
      %mul3A_169 = arith.constant 2 : i32
      %mul3A_170 = arith.muli %scan3A_168, %mul3A_169 : i32
      %add3A_171 = arith.constant 0 : i32
      %add3A_172 = arith.addi %mul3A_170, %add3A_171 : i32
      %dma_wait3A = arith.constant 0 : i32
      %dma_wait3A_173 = arith.constant 0 : i32
      %dma_wait3A_174 = arith.constant 0 : i32
      %dma_wait3A_175 = tpu.memref_slice %arg9[%dma_wait3A, %dma_wait3A_173, %dma_wait3A_174] : memref<2x128x32xf32, #tpu.memory_space<vmem>> -> memref<1x128x32xf32, #tpu.memory_space<vmem>>
      %dma_wait3A_176 = tpu.memref_squeeze %dma_wait3A_175 : memref<1x128x32xf32, #tpu.memory_space<vmem>> -> memref<128x32xf32, #tpu.memory_space<vmem>>
      %dma_wait3A_177 = arith.constant 0 : i32
      %dma_wait3A_178 = tpu.memref_slice %arg7[%add3A_172, %dma_wait3A_177] : memref<80x128xi32, #tpu.memory_space<vmem>> -> memref<1x128xi32, #tpu.memory_space<vmem>>
      %dma_wait3A_179 = tpu.memref_squeeze %dma_wait3A_178 : memref<1x128xi32, #tpu.memory_space<vmem>> -> memref<128xi32, #tpu.memory_space<vmem>>
      %dma_wait3A_180 = arith.constant 0 : i32
      %dma_wait3A_181 = arith.constant 0 : i32
      %dma_wait3A_182 = tpu.memref_slice %arg12[%dma_wait3A_180, %dma_wait3A_181] : memref<10000x32xf32, #tpu.memory_space<vmem_shared>> -> memref<10000x32xf32, #tpu.memory_space<vmem_shared>>
      tpu.wait_indirect_dma semaphore(%arg13 : memref<!tpu.dma_semaphore, #tpu.memory_space<semaphore_mem>>) src(%dma_wait3A_182 : memref<10000x32xf32, #tpu.memory_space<vmem_shared>>) dst(%dma_wait3A_176 : memref<128x32xf32, #tpu.memory_space<vmem>>)
      %run_scoped3A = arith.constant 0 : i32
      "tpu.region"() ({
        %run_scoped3A_208 = tpu.sem_alloc : memref<!tpu.dma_semaphore, #tpu.memory_space<semaphore_mem>>
        %dma_start3A_209 = arith.constant 0 : i32
        %dma_start3A_210 = arith.constant 0 : i32
        %dma_start3A_211 = tpu.memref_slice %arg9[%run_scoped3A, %dma_start3A_209, %dma_start3A_210] : memref<2x128x32xf32, #tpu.memory_space<vmem>> -> memref<1x128x32xf32, #tpu.memory_space<vmem>>
        %dma_start3A_212 = tpu.memref_squeeze %dma_start3A_211 : memref<1x128x32xf32, #tpu.memory_space<vmem>> -> memref<128x32xf32, #tpu.memory_space<vmem>>
        %dma_start3A_213 = arith.constant 0 : i32
        %dma_start3A_214 = tpu.memref_slice %arg8[%add3A_172, %dma_start3A_213] : memref<80x128xi32, #tpu.memory_space<vmem>> -> memref<1x128xi32, #tpu.memory_space<vmem>>
        %dma_start3A_215 = tpu.memref_squeeze %dma_start3A_214 : memref<1x128xi32, #tpu.memory_space<vmem>> -> memref<128xi32, #tpu.memory_space<vmem>>
        %dma_start3A_216 = arith.constant 0 : i32
        %dma_start3A_217 = arith.constant 0 : i32
        %dma_start3A_218 = tpu.memref_slice %arg11[%dma_start3A_216, %dma_start3A_217] : memref<10112x32xf32, #tpu.memory_space<vmem_shared>> -> memref<10112x32xf32, #tpu.memory_space<vmem_shared>>
        tpu.enqueue_indirect_dma source(%dma_start3A_212 : memref<128x32xf32, #tpu.memory_space<vmem>>) target(%dma_start3A_218 : memref<10112x32xf32, #tpu.memory_space<vmem_shared>>) offsets(%dma_start3A_215 : memref<128xi32, #tpu.memory_space<vmem>>) semaphore(%run_scoped3A_208 : memref<!tpu.dma_semaphore, #tpu.memory_space<semaphore_mem>>) {add = true}
        %dma_wait3A_219 = arith.constant 0 : i32
        %dma_wait3A_220 = arith.constant 0 : i32
        %dma_wait3A_221 = tpu.memref_slice %arg9[%run_scoped3A, %dma_wait3A_219, %dma_wait3A_220] : memref<2x128x32xf32, #tpu.memory_space<vmem>> -> memref<1x128x32xf32, #tpu.memory_space<vmem>>
        %dma_wait3A_222 = tpu.memref_squeeze %dma_wait3A_221 : memref<1x128x32xf32, #tpu.memory_space<vmem>> -> memref<128x32xf32, #tpu.memory_space<vmem>>
        %dma_wait3A_223 = arith.constant 0 : i32
        %dma_wait3A_224 = tpu.memref_slice %arg8[%add3A_172, %dma_wait3A_223] : memref<80x128xi32, #tpu.memory_space<vmem>> -> memref<1x128xi32, #tpu.memory_space<vmem>>
        %dma_wait3A_225 = tpu.memref_squeeze %dma_wait3A_224 : memref<1x128xi32, #tpu.memory_space<vmem>> -> memref<128xi32, #tpu.memory_space<vmem>>
        %dma_wait3A_226 = arith.constant 0 : i32
        %dma_wait3A_227 = arith.constant 0 : i32
        %dma_wait3A_228 = tpu.memref_slice %arg11[%dma_wait3A_226, %dma_wait3A_227] : memref<10112x32xf32, #tpu.memory_space<vmem_shared>> -> memref<10112x32xf32, #tpu.memory_space<vmem_shared>>
        tpu.wait_indirect_dma semaphore(%run_scoped3A_208 : memref<!tpu.dma_semaphore, #tpu.memory_space<semaphore_mem>>) src(%dma_wait3A_222 : memref<128x32xf32, #tpu.memory_space<vmem>>) dst(%dma_wait3A_228 : memref<10112x32xf32, #tpu.memory_space<vmem_shared>>)
        tpu.yield
      }) : () -> ()
      %add3A_183 = arith.constant 2 : i32
      %add3A_184 = arith.addi %add3A_172, %add3A_183 : i32
      %lt3A = arith.constant 80 : i32
      %lt3A_185 = arith.cmpi slt, %add3A_184, %lt3A : i32
      %convert_element_type3A = arith.extui %lt3A_185 : i1 to i32
      %cond3A = arith.constant 0 : i32
      %cond3A_186 = arith.cmpi ne, %convert_element_type3A, %cond3A : i32
      scf.if %cond3A_186 {
        %dma_start3A_208 = arith.constant 0 : i32
        %dma_start3A_209 = arith.constant 0 : i32
        %dma_start3A_210 = arith.constant 0 : i32
        %dma_start3A_211 = tpu.memref_slice %arg9[%dma_start3A_208, %dma_start3A_209, %dma_start3A_210] : memref<2x128x32xf32, #tpu.memory_space<vmem>> -> memref<1x128x32xf32, #tpu.memory_space<vmem>>
        %dma_start3A_212 = tpu.memref_squeeze %dma_start3A_211 : memref<1x128x32xf32, #tpu.memory_space<vmem>> -> memref<128x32xf32, #tpu.memory_space<vmem>>
        %dma_start3A_213 = arith.constant 0 : i32
        %dma_start3A_214 = tpu.memref_slice %arg7[%add3A_184, %dma_start3A_213] : memref<80x128xi32, #tpu.memory_space<vmem>> -> memref<1x128xi32, #tpu.memory_space<vmem>>
        %dma_start3A_215 = tpu.memref_squeeze %dma_start3A_214 : memref<1x128xi32, #tpu.memory_space<vmem>> -> memref<128xi32, #tpu.memory_space<vmem>>
        %dma_start3A_216 = arith.constant 0 : i32
        %dma_start3A_217 = arith.constant 0 : i32
        %dma_start3A_218 = tpu.memref_slice %arg12[%dma_start3A_216, %dma_start3A_217] : memref<10000x32xf32, #tpu.memory_space<vmem_shared>> -> memref<10000x32xf32, #tpu.memory_space<vmem_shared>>
        tpu.enqueue_indirect_dma source(%dma_start3A_218 : memref<10000x32xf32, #tpu.memory_space<vmem_shared>>) target(%dma_start3A_212 : memref<128x32xf32, #tpu.memory_space<vmem>>) offsets(%dma_start3A_215 : memref<128xi32, #tpu.memory_space<vmem>>) semaphore(%arg13 : memref<!tpu.dma_semaphore, #tpu.memory_space<semaphore_mem>>)
      } else {
      }
      %add3A_187 = arith.constant 1 : i32
      %add3A_188 = arith.addi %mul3A_170, %add3A_187 : i32
      %dma_wait3A_189 = arith.constant 1 : i32
      %dma_wait3A_190 = arith.constant 0 : i32
      %dma_wait3A_191 = arith.constant 0 : i32
      %dma_wait3A_192 = tpu.memref_slice %arg9[%dma_wait3A_189, %dma_wait3A_190, %dma_wait3A_191] : memref<2x128x32xf32, #tpu.memory_space<vmem>> -> memref<1x128x32xf32, #tpu.memory_space<vmem>>
      %dma_wait3A_193 = tpu.memref_squeeze %dma_wait3A_192 : memref<1x128x32xf32, #tpu.memory_space<vmem>> -> memref<128x32xf32, #tpu.memory_space<vmem>>
      %dma_wait3A_194 = arith.constant 0 : i32
      %dma_wait3A_195 = tpu.memref_slice %arg7[%add3A_188, %dma_wait3A_194] : memref<80x128xi32, #tpu.memory_space<vmem>> -> memref<1x128xi32, #tpu.memory_space<vmem>>
      %dma_wait3A_196 = tpu.memref_squeeze %dma_wait3A_195 : memref<1x128xi32, #tpu.memory_space<vmem>> -> memref<128xi32, #tpu.memory_space<vmem>>
      %dma_wait3A_197 = arith.constant 0 : i32
      %dma_wait3A_198 = arith.constant 0 : i32
      %dma_wait3A_199 = tpu.memref_slice %arg12[%dma_wait3A_197, %dma_wait3A_198] : memref<10000x32xf32, #tpu.memory_space<vmem_shared>> -> memref<10000x32xf32, #tpu.memory_space<vmem_shared>>
      tpu.wait_indirect_dma semaphore(%arg14 : memref<!tpu.dma_semaphore, #tpu.memory_space<semaphore_mem>>) src(%dma_wait3A_199 : memref<10000x32xf32, #tpu.memory_space<vmem_shared>>) dst(%dma_wait3A_193 : memref<128x32xf32, #tpu.memory_space<vmem>>)
      %run_scoped3A_200 = arith.constant 1 : i32
      "tpu.region"() ({
        %run_scoped3A_208 = tpu.sem_alloc : memref<!tpu.dma_semaphore, #tpu.memory_space<semaphore_mem>>
        %dma_start3A_209 = arith.constant 0 : i32
        %dma_start3A_210 = arith.constant 0 : i32
        %dma_start3A_211 = tpu.memref_slice %arg9[%run_scoped3A_200, %dma_start3A_209, %dma_start3A_210] : memref<2x128x32xf32, #tpu.memory_space<vmem>> -> memref<1x128x32xf32, #tpu.memory_space<vmem>>
        %dma_start3A_212 = tpu.memref_squeeze %dma_start3A_211 : memref<1x128x32xf32, #tpu.memory_space<vmem>> -> memref<128x32xf32, #tpu.memory_space<vmem>>
        %dma_start3A_213 = arith.constant 0 : i32
        %dma_start3A_214 = tpu.memref_slice %arg8[%add3A_188, %dma_start3A_213] : memref<80x128xi32, #tpu.memory_space<vmem>> -> memref<1x128xi32, #tpu.memory_space<vmem>>
        %dma_start3A_215 = tpu.memref_squeeze %dma_start3A_214 : memref<1x128xi32, #tpu.memory_space<vmem>> -> memref<128xi32, #tpu.memory_space<vmem>>
        %dma_start3A_216 = arith.constant 0 : i32
        %dma_start3A_217 = arith.constant 0 : i32
        %dma_start3A_218 = tpu.memref_slice %arg11[%dma_start3A_216, %dma_start3A_217] : memref<10112x32xf32, #tpu.memory_space<vmem_shared>> -> memref<10112x32xf32, #tpu.memory_space<vmem_shared>>
        tpu.enqueue_indirect_dma source(%dma_start3A_212 : memref<128x32xf32, #tpu.memory_space<vmem>>) target(%dma_start3A_218 : memref<10112x32xf32, #tpu.memory_space<vmem_shared>>) offsets(%dma_start3A_215 : memref<128xi32, #tpu.memory_space<vmem>>) semaphore(%run_scoped3A_208 : memref<!tpu.dma_semaphore, #tpu.memory_space<semaphore_mem>>) {add = true}
        %dma_wait3A_219 = arith.constant 0 : i32
        %dma_wait3A_220 = arith.constant 0 : i32
        %dma_wait3A_221 = tpu.memref_slice %arg9[%run_scoped3A_200, %dma_wait3A_219, %dma_wait3A_220] : memref<2x128x32xf32, #tpu.memory_space<vmem>> -> memref<1x128x32xf32, #tpu.memory_space<vmem>>
        %dma_wait3A_222 = tpu.memref_squeeze %dma_wait3A_221 : memref<1x128x32xf32, #tpu.memory_space<vmem>> -> memref<128x32xf32, #tpu.memory_space<vmem>>
        %dma_wait3A_223 = arith.constant 0 : i32
        %dma_wait3A_224 = tpu.memref_slice %arg8[%add3A_188, %dma_wait3A_223] : memref<80x128xi32, #tpu.memory_space<vmem>> -> memref<1x128xi32, #tpu.memory_space<vmem>>
        %dma_wait3A_225 = tpu.memref_squeeze %dma_wait3A_224 : memref<1x128xi32, #tpu.memory_space<vmem>> -> memref<128xi32, #tpu.memory_space<vmem>>
        %dma_wait3A_226 = arith.constant 0 : i32
        %dma_wait3A_227 = arith.constant 0 : i32
        %dma_wait3A_228 = tpu.memref_slice %arg11[%dma_wait3A_226, %dma_wait3A_227] : memref<10112x32xf32, #tpu.memory_space<vmem_shared>> -> memref<10112x32xf32, #tpu.memory_space<vmem_shared>>
        tpu.wait_indirect_dma semaphore(%run_scoped3A_208 : memref<!tpu.dma_semaphore, #tpu.memory_space<semaphore_mem>>) src(%dma_wait3A_222 : memref<128x32xf32, #tpu.memory_space<vmem>>) dst(%dma_wait3A_228 : memref<10112x32xf32, #tpu.memory_space<vmem_shared>>)
        tpu.yield
      }) : () -> ()
      %add3A_201 = arith.constant 2 : i32
      %add3A_202 = arith.addi %add3A_188, %add3A_201 : i32
      %lt3A_203 = arith.constant 80 : i32
      %lt3A_204 = arith.cmpi slt, %add3A_202, %lt3A_203 : i32
      %convert_element_type3A_205 = arith.extui %lt3A_204 : i1 to i32
      %cond3A_206 = arith.constant 0 : i32
      %cond3A_207 = arith.cmpi ne, %convert_element_type3A_205, %cond3A_206 : i32
      scf.if %cond3A_207 {
        %dma_start3A_208 = arith.constant 1 : i32
        %dma_start3A_209 = arith.constant 0 : i32
        %dma_start3A_210 = arith.constant 0 : i32
        %dma_start3A_211 = tpu.memref_slice %arg9[%dma_start3A_208, %dma_start3A_209, %dma_start3A_210] : memref<2x128x32xf32, #tpu.memory_space<vmem>> -> memref<1x128x32xf32, #tpu.memory_space<vmem>>
        %dma_start3A_212 = tpu.memref_squeeze %dma_start3A_211 : memref<1x128x32xf32, #tpu.memory_space<vmem>> -> memref<128x32xf32, #tpu.memory_space<vmem>>
        %dma_start3A_213 = arith.constant 0 : i32
        %dma_start3A_214 = tpu.memref_slice %arg7[%add3A_202, %dma_start3A_213] : memref<80x128xi32, #tpu.memory_space<vmem>> -> memref<1x128xi32, #tpu.memory_space<vmem>>
        %dma_start3A_215 = tpu.memref_squeeze %dma_start3A_214 : memref<1x128xi32, #tpu.memory_space<vmem>> -> memref<128xi32, #tpu.memory_space<vmem>>
        %dma_start3A_216 = arith.constant 0 : i32
        %dma_start3A_217 = arith.constant 0 : i32
        %dma_start3A_218 = tpu.memref_slice %arg12[%dma_start3A_216, %dma_start3A_217] : memref<10000x32xf32, #tpu.memory_space<vmem_shared>> -> memref<10000x32xf32, #tpu.memory_space<vmem_shared>>
        tpu.enqueue_indirect_dma source(%dma_start3A_218 : memref<10000x32xf32, #tpu.memory_space<vmem_shared>>) target(%dma_start3A_212 : memref<128x32xf32, #tpu.memory_space<vmem>>) offsets(%dma_start3A_215 : memref<128xi32, #tpu.memory_space<vmem>>) semaphore(%arg14 : memref<!tpu.dma_semaphore, #tpu.memory_space<semaphore_mem>>)
      } else {
      }
    }
    %scan3A_36 = arith.constant 40 : i32
    %barrier3A_37 = arith.constant 0 : index
    tpu.barrier barrier_id(%barrier3A_37)
    %mul3A_38 = arith.constant 632 : i32
    %mul3A_39 = arith.muli %arg1, %mul3A_38 : i32
    %mul3A_40 = arith.constant 632 : i32
    %mul3A_41 = arith.muli %arg1, %mul3A_40 : i32
    "tpu.region"() ({
      %run_scoped3A = tpu.sem_alloc : memref<!tpu.dma_semaphore, #tpu.memory_space<semaphore_mem>>
      %dma_start3A_168 = arith.constant 0 : i32
      %dma_start3A_169 = tpu.memref_slice %arg6[%arg0, %mul3A_41, %dma_start3A_168] : memref<2x10112x128xf32, #tpu.memory_space<hbm>> -> memref<1x632x32xf32, #tpu.memory_space<hbm>>
      %dma_start3A_170 = tpu.memref_squeeze %dma_start3A_169 : memref<1x632x32xf32, #tpu.memory_space<hbm>> -> memref<632x32xf32, #tpu.memory_space<hbm>>
      %dma_start3A_171 = arith.constant 0 : i32
      %dma_start3A_172 = tpu.memref_slice %arg11[%mul3A_39, %dma_start3A_171] : memref<10112x32xf32, #tpu.memory_space<vmem_shared>> -> memref<632x32xf32, #tpu.memory_space<vmem_shared>>
      tpu.enqueue_dma source(%dma_start3A_172 : memref<632x32xf32, #tpu.memory_space<vmem_shared>>) target(%dma_start3A_170 : memref<632x32xf32, #tpu.memory_space<hbm>>) target_semaphore(%run_scoped3A : memref<!tpu.dma_semaphore, #tpu.memory_space<semaphore_mem>>)
      %dma_wait3A = arith.constant 0 : i32
      %dma_wait3A_173 = tpu.memref_slice %arg6[%arg0, %mul3A_41, %dma_wait3A] : memref<2x10112x128xf32, #tpu.memory_space<hbm>> -> memref<1x632x32xf32, #tpu.memory_space<hbm>>
      %dma_wait3A_174 = tpu.memref_squeeze %dma_wait3A_173 : memref<1x632x32xf32, #tpu.memory_space<hbm>> -> memref<632x32xf32, #tpu.memory_space<hbm>>
      %dma_wait3A_175 = arith.constant 0 : i32
      %dma_wait3A_176 = tpu.memref_slice %arg11[%mul3A_39, %dma_wait3A_175] : memref<10112x32xf32, #tpu.memory_space<vmem_shared>> -> memref<632x32xf32, #tpu.memory_space<vmem_shared>>
      tpu.wait_dma2 semaphore(%run_scoped3A : memref<!tpu.dma_semaphore, #tpu.memory_space<semaphore_mem>>) src(%dma_wait3A_176 : memref<632x32xf32, #tpu.memory_space<vmem_shared>>) dst(%dma_wait3A_174 : memref<632x32xf32, #tpu.memory_space<hbm>>)
      tpu.yield
    }) : () -> ()
    %mul3A_42 = arith.constant 625 : i32
    %mul3A_43 = arith.muli %arg1, %mul3A_42 : i32
    %mul3A_44 = arith.constant 625 : i32
    %mul3A_45 = arith.muli %arg1, %mul3A_44 : i32
    "tpu.region"() ({
      %run_scoped3A = tpu.sem_alloc : memref<!tpu.dma_semaphore, #tpu.memory_space<semaphore_mem>>
      %dma_start3A_168 = arith.constant 0 : i32
      %dma_start3A_169 = tpu.memref_slice %arg12[%mul3A_45, %dma_start3A_168] : memref<10000x32xf32, #tpu.memory_space<vmem_shared>> -> memref<625x32xf32, #tpu.memory_space<vmem_shared>>
      %dma_start3A_170 = arith.constant 32 : i32
      %dma_start3A_171 = tpu.memref_slice %arg2[%mul3A_43, %dma_start3A_170] : memref<10000x128xf32, #tpu.memory_space<hbm>> -> memref<625x32xf32, #tpu.memory_space<hbm>>
      tpu.enqueue_dma source(%dma_start3A_171 : memref<625x32xf32, #tpu.memory_space<hbm>>) target(%dma_start3A_169 : memref<625x32xf32, #tpu.memory_space<vmem_shared>>) target_semaphore(%run_scoped3A : memref<!tpu.dma_semaphore, #tpu.memory_space<semaphore_mem>>)
      %dma_wait3A = arith.constant 0 : i32
      %dma_wait3A_172 = tpu.memref_slice %arg12[%mul3A_45, %dma_wait3A] : memref<10000x32xf32, #tpu.memory_space<vmem_shared>> -> memref<625x32xf32, #tpu.memory_space<vmem_shared>>
      %dma_wait3A_173 = arith.constant 32 : i32
      %dma_wait3A_174 = tpu.memref_slice %arg2[%mul3A_43, %dma_wait3A_173] : memref<10000x128xf32, #tpu.memory_space<hbm>> -> memref<625x32xf32, #tpu.memory_space<hbm>>
      tpu.wait_dma2 semaphore(%run_scoped3A : memref<!tpu.dma_semaphore, #tpu.memory_space<semaphore_mem>>) src(%dma_wait3A_174 : memref<625x32xf32, #tpu.memory_space<hbm>>) dst(%dma_wait3A_172 : memref<625x32xf32, #tpu.memory_space<vmem_shared>>)
      tpu.yield
    }) : () -> ()
    %mul3A_46 = arith.constant 632 : i32
    %mul3A_47 = arith.muli %arg1, %mul3A_46 : i32
    "tpu.region"() ({
      %run_scoped3A = tpu.sem_alloc : memref<!tpu.dma_semaphore, #tpu.memory_space<semaphore_mem>>
      %dma_start3A_168 = arith.constant 0 : i32
      %dma_start3A_169 = tpu.memref_slice %arg11[%mul3A_47, %dma_start3A_168] : memref<10112x32xf32, #tpu.memory_space<vmem_shared>> -> memref<632x32xf32, #tpu.memory_space<vmem_shared>>
      %dma_start3A_170 = arith.constant 0 : i32
      %dma_start3A_171 = tpu.memref_slice %arg11[%mul3A_47, %dma_start3A_170] : memref<10112x32xf32, #tpu.memory_space<vmem_shared>> -> memref<632x32xf32, #tpu.memory_space<vmem_shared>>
      tpu.enqueue_dma source(%arg10 : memref<632x32xf32, #tpu.memory_space<vmem>>) target(%dma_start3A_171 : memref<632x32xf32, #tpu.memory_space<vmem_shared>>) target_semaphore(%run_scoped3A : memref<!tpu.dma_semaphore, #tpu.memory_space<semaphore_mem>>)
      %dma_wait3A = arith.constant 0 : i32
      %dma_wait3A_172 = tpu.memref_slice %arg11[%mul3A_47, %dma_wait3A] : memref<10112x32xf32, #tpu.memory_space<vmem_shared>> -> memref<632x32xf32, #tpu.memory_space<vmem_shared>>
      %dma_wait3A_173 = arith.constant 0 : i32
      %dma_wait3A_174 = tpu.memref_slice %arg11[%mul3A_47, %dma_wait3A_173] : memref<10112x32xf32, #tpu.memory_space<vmem_shared>> -> memref<632x32xf32, #tpu.memory_space<vmem_shared>>
      tpu.wait_dma2 semaphore(%run_scoped3A : memref<!tpu.dma_semaphore, #tpu.memory_space<semaphore_mem>>) src(%arg10 : memref<632x32xf32, #tpu.memory_space<vmem>>) dst(%dma_wait3A_174 : memref<632x32xf32, #tpu.memory_space<vmem_shared>>)
      tpu.yield
    }) : () -> ()
    %barrier3A_48 = arith.constant 0 : index
    tpu.barrier barrier_id(%barrier3A_48)
    %dma_start3A_49 = arith.constant 0 : i32
    %dma_start3A_50 = arith.constant 0 : i32
    %dma_start3A_51 = arith.constant 0 : i32
    %dma_start3A_52 = arith.constant 0 : i32
    %dma_start3A_53 = tpu.memref_slice %arg9[%dma_start3A_50, %dma_start3A_51, %dma_start3A_52] : memref<2x128x32xf32, #tpu.memory_space<vmem>> -> memref<1x128x32xf32, #tpu.memory_space<vmem>>
    %dma_start3A_54 = tpu.memref_squeeze %dma_start3A_53 : memref<1x128x32xf32, #tpu.memory_space<vmem>> -> memref<128x32xf32, #tpu.memory_space<vmem>>
    %dma_start3A_55 = arith.constant 0 : i32
    %dma_start3A_56 = tpu.memref_slice %arg7[%dma_start3A_49, %dma_start3A_55] : memref<80x128xi32, #tpu.memory_space<vmem>> -> memref<1x128xi32, #tpu.memory_space<vmem>>
    %dma_start3A_57 = tpu.memref_squeeze %dma_start3A_56 : memref<1x128xi32, #tpu.memory_space<vmem>> -> memref<128xi32, #tpu.memory_space<vmem>>
    %dma_start3A_58 = arith.constant 0 : i32
    %dma_start3A_59 = arith.constant 0 : i32
    %dma_start3A_60 = tpu.memref_slice %arg12[%dma_start3A_58, %dma_start3A_59] : memref<10000x32xf32, #tpu.memory_space<vmem_shared>> -> memref<10000x32xf32, #tpu.memory_space<vmem_shared>>
    tpu.enqueue_indirect_dma source(%dma_start3A_60 : memref<10000x32xf32, #tpu.memory_space<vmem_shared>>) target(%dma_start3A_54 : memref<128x32xf32, #tpu.memory_space<vmem>>) offsets(%dma_start3A_57 : memref<128xi32, #tpu.memory_space<vmem>>) semaphore(%arg13 : memref<!tpu.dma_semaphore, #tpu.memory_space<semaphore_mem>>)
    %dma_start3A_61 = arith.constant 1 : i32
    %dma_start3A_62 = arith.constant 1 : i32
    %dma_start3A_63 = arith.constant 0 : i32
    %dma_start3A_64 = arith.constant 0 : i32
    %dma_start3A_65 = tpu.memref_slice %arg9[%dma_start3A_62, %dma_start3A_63, %dma_start3A_64] : memref<2x128x32xf32, #tpu.memory_space<vmem>> -> memref<1x128x32xf32, #tpu.memory_space<vmem>>
    %dma_start3A_66 = tpu.memref_squeeze %dma_start3A_65 : memref<1x128x32xf32, #tpu.memory_space<vmem>> -> memref<128x32xf32, #tpu.memory_space<vmem>>
    %dma_start3A_67 = arith.constant 0 : i32
    %dma_start3A_68 = tpu.memref_slice %arg7[%dma_start3A_61, %dma_start3A_67] : memref<80x128xi32, #tpu.memory_space<vmem>> -> memref<1x128xi32, #tpu.memory_space<vmem>>
    %dma_start3A_69 = tpu.memref_squeeze %dma_start3A_68 : memref<1x128xi32, #tpu.memory_space<vmem>> -> memref<128xi32, #tpu.memory_space<vmem>>
    %dma_start3A_70 = arith.constant 0 : i32
    %dma_start3A_71 = arith.constant 0 : i32
    %dma_start3A_72 = tpu.memref_slice %arg12[%dma_start3A_70, %dma_start3A_71] : memref<10000x32xf32, #tpu.memory_space<vmem_shared>> -> memref<10000x32xf32, #tpu.memory_space<vmem_shared>>
    tpu.enqueue_indirect_dma source(%dma_start3A_72 : memref<10000x32xf32, #tpu.memory_space<vmem_shared>>) target(%dma_start3A_66 : memref<128x32xf32, #tpu.memory_space<vmem>>) offsets(%dma_start3A_69 : memref<128xi32, #tpu.memory_space<vmem>>) semaphore(%arg14 : memref<!tpu.dma_semaphore, #tpu.memory_space<semaphore_mem>>)
    %scan3A_73 = arith.constant 0 : i32
    %scan3A_74 = arith.constant 0 : i32
    %scan3A_75 = arith.constant 40 : i32
    %scan3A_76 = arith.addi %scan3A_74, %scan3A_75 : i32
    %scan3A_77 = arith.constant 1 : i32
    scf.for %scan3A_168 = %scan3A_74 to %scan3A_76 step %scan3A_77  : i32 {
      %mul3A_169 = arith.constant 2 : i32
      %mul3A_170 = arith.muli %scan3A_168, %mul3A_169 : i32
      %add3A_171 = arith.constant 0 : i32
      %add3A_172 = arith.addi %mul3A_170, %add3A_171 : i32
      %dma_wait3A = arith.constant 0 : i32
      %dma_wait3A_173 = arith.constant 0 : i32
      %dma_wait3A_174 = arith.constant 0 : i32
      %dma_wait3A_175 = tpu.memref_slice %arg9[%dma_wait3A, %dma_wait3A_173, %dma_wait3A_174] : memref<2x128x32xf32, #tpu.memory_space<vmem>> -> memref<1x128x32xf32, #tpu.memory_space<vmem>>
      %dma_wait3A_176 = tpu.memref_squeeze %dma_wait3A_175 : memref<1x128x32xf32, #tpu.memory_space<vmem>> -> memref<128x32xf32, #tpu.memory_space<vmem>>
      %dma_wait3A_177 = arith.constant 0 : i32
      %dma_wait3A_178 = tpu.memref_slice %arg7[%add3A_172, %dma_wait3A_177] : memref<80x128xi32, #tpu.memory_space<vmem>> -> memref<1x128xi32, #tpu.memory_space<vmem>>
      %dma_wait3A_179 = tpu.memref_squeeze %dma_wait3A_178 : memref<1x128xi32, #tpu.memory_space<vmem>> -> memref<128xi32, #tpu.memory_space<vmem>>
      %dma_wait3A_180 = arith.constant 0 : i32
      %dma_wait3A_181 = arith.constant 0 : i32
      %dma_wait3A_182 = tpu.memref_slice %arg12[%dma_wait3A_180, %dma_wait3A_181] : memref<10000x32xf32, #tpu.memory_space<vmem_shared>> -> memref<10000x32xf32, #tpu.memory_space<vmem_shared>>
      tpu.wait_indirect_dma semaphore(%arg13 : memref<!tpu.dma_semaphore, #tpu.memory_space<semaphore_mem>>) src(%dma_wait3A_182 : memref<10000x32xf32, #tpu.memory_space<vmem_shared>>) dst(%dma_wait3A_176 : memref<128x32xf32, #tpu.memory_space<vmem>>)
      %run_scoped3A = arith.constant 0 : i32
      "tpu.region"() ({
        %run_scoped3A_208 = tpu.sem_alloc : memref<!tpu.dma_semaphore, #tpu.memory_space<semaphore_mem>>
        %dma_start3A_209 = arith.constant 0 : i32
        %dma_start3A_210 = arith.constant 0 : i32
        %dma_start3A_211 = tpu.memref_slice %arg9[%run_scoped3A, %dma_start3A_209, %dma_start3A_210] : memref<2x128x32xf32, #tpu.memory_space<vmem>> -> memref<1x128x32xf32, #tpu.memory_space<vmem>>
        %dma_start3A_212 = tpu.memref_squeeze %dma_start3A_211 : memref<1x128x32xf32, #tpu.memory_space<vmem>> -> memref<128x32xf32, #tpu.memory_space<vmem>>
        %dma_start3A_213 = arith.constant 0 : i32
        %dma_start3A_214 = tpu.memref_slice %arg8[%add3A_172, %dma_start3A_213] : memref<80x128xi32, #tpu.memory_space<vmem>> -> memref<1x128xi32, #tpu.memory_space<vmem>>
        %dma_start3A_215 = tpu.memref_squeeze %dma_start3A_214 : memref<1x128xi32, #tpu.memory_space<vmem>> -> memref<128xi32, #tpu.memory_space<vmem>>
        %dma_start3A_216 = arith.constant 0 : i32
        %dma_start3A_217 = arith.constant 0 : i32
        %dma_start3A_218 = tpu.memref_slice %arg11[%dma_start3A_216, %dma_start3A_217] : memref<10112x32xf32, #tpu.memory_space<vmem_shared>> -> memref<10112x32xf32, #tpu.memory_space<vmem_shared>>
        tpu.enqueue_indirect_dma source(%dma_start3A_212 : memref<128x32xf32, #tpu.memory_space<vmem>>) target(%dma_start3A_218 : memref<10112x32xf32, #tpu.memory_space<vmem_shared>>) offsets(%dma_start3A_215 : memref<128xi32, #tpu.memory_space<vmem>>) semaphore(%run_scoped3A_208 : memref<!tpu.dma_semaphore, #tpu.memory_space<semaphore_mem>>) {add = true}
        %dma_wait3A_219 = arith.constant 0 : i32
        %dma_wait3A_220 = arith.constant 0 : i32
        %dma_wait3A_221 = tpu.memref_slice %arg9[%run_scoped3A, %dma_wait3A_219, %dma_wait3A_220] : memref<2x128x32xf32, #tpu.memory_space<vmem>> -> memref<1x128x32xf32, #tpu.memory_space<vmem>>
        %dma_wait3A_222 = tpu.memref_squeeze %dma_wait3A_221 : memref<1x128x32xf32, #tpu.memory_space<vmem>> -> memref<128x32xf32, #tpu.memory_space<vmem>>
        %dma_wait3A_223 = arith.constant 0 : i32
        %dma_wait3A_224 = tpu.memref_slice %arg8[%add3A_172, %dma_wait3A_223] : memref<80x128xi32, #tpu.memory_space<vmem>> -> memref<1x128xi32, #tpu.memory_space<vmem>>
        %dma_wait3A_225 = tpu.memref_squeeze %dma_wait3A_224 : memref<1x128xi32, #tpu.memory_space<vmem>> -> memref<128xi32, #tpu.memory_space<vmem>>
        %dma_wait3A_226 = arith.constant 0 : i32
        %dma_wait3A_227 = arith.constant 0 : i32
        %dma_wait3A_228 = tpu.memref_slice %arg11[%dma_wait3A_226, %dma_wait3A_227] : memref<10112x32xf32, #tpu.memory_space<vmem_shared>> -> memref<10112x32xf32, #tpu.memory_space<vmem_shared>>
        tpu.wait_indirect_dma semaphore(%run_scoped3A_208 : memref<!tpu.dma_semaphore, #tpu.memory_space<semaphore_mem>>) src(%dma_wait3A_222 : memref<128x32xf32, #tpu.memory_space<vmem>>) dst(%dma_wait3A_228 : memref<10112x32xf32, #tpu.memory_space<vmem_shared>>)
        tpu.yield
      }) : () -> ()
      %add3A_183 = arith.constant 2 : i32
      %add3A_184 = arith.addi %add3A_172, %add3A_183 : i32
      %lt3A = arith.constant 80 : i32
      %lt3A_185 = arith.cmpi slt, %add3A_184, %lt3A : i32
      %convert_element_type3A = arith.extui %lt3A_185 : i1 to i32
      %cond3A = arith.constant 0 : i32
      %cond3A_186 = arith.cmpi ne, %convert_element_type3A, %cond3A : i32
      scf.if %cond3A_186 {
        %dma_start3A_208 = arith.constant 0 : i32
        %dma_start3A_209 = arith.constant 0 : i32
        %dma_start3A_210 = arith.constant 0 : i32
        %dma_start3A_211 = tpu.memref_slice %arg9[%dma_start3A_208, %dma_start3A_209, %dma_start3A_210] : memref<2x128x32xf32, #tpu.memory_space<vmem>> -> memref<1x128x32xf32, #tpu.memory_space<vmem>>
        %dma_start3A_212 = tpu.memref_squeeze %dma_start3A_211 : memref<1x128x32xf32, #tpu.memory_space<vmem>> -> memref<128x32xf32, #tpu.memory_space<vmem>>
        %dma_start3A_213 = arith.constant 0 : i32
        %dma_start3A_214 = tpu.memref_slice %arg7[%add3A_184, %dma_start3A_213] : memref<80x128xi32, #tpu.memory_space<vmem>> -> memref<1x128xi32, #tpu.memory_space<vmem>>
        %dma_start3A_215 = tpu.memref_squeeze %dma_start3A_214 : memref<1x128xi32, #tpu.memory_space<vmem>> -> memref<128xi32, #tpu.memory_space<vmem>>
        %dma_start3A_216 = arith.constant 0 : i32
        %dma_start3A_217 = arith.constant 0 : i32
        %dma_start3A_218 = tpu.memref_slice %arg12[%dma_start3A_216, %dma_start3A_217] : memref<10000x32xf32, #tpu.memory_space<vmem_shared>> -> memref<10000x32xf32, #tpu.memory_space<vmem_shared>>
        tpu.enqueue_indirect_dma source(%dma_start3A_218 : memref<10000x32xf32, #tpu.memory_space<vmem_shared>>) target(%dma_start3A_212 : memref<128x32xf32, #tpu.memory_space<vmem>>) offsets(%dma_start3A_215 : memref<128xi32, #tpu.memory_space<vmem>>) semaphore(%arg13 : memref<!tpu.dma_semaphore, #tpu.memory_space<semaphore_mem>>)
      } else {
      }
      %add3A_187 = arith.constant 1 : i32
      %add3A_188 = arith.addi %mul3A_170, %add3A_187 : i32
      %dma_wait3A_189 = arith.constant 1 : i32
      %dma_wait3A_190 = arith.constant 0 : i32
      %dma_wait3A_191 = arith.constant 0 : i32
      %dma_wait3A_192 = tpu.memref_slice %arg9[%dma_wait3A_189, %dma_wait3A_190, %dma_wait3A_191] : memref<2x128x32xf32, #tpu.memory_space<vmem>> -> memref<1x128x32xf32, #tpu.memory_space<vmem>>
      %dma_wait3A_193 = tpu.memref_squeeze %dma_wait3A_192 : memref<1x128x32xf32, #tpu.memory_space<vmem>> -> memref<128x32xf32, #tpu.memory_space<vmem>>
      %dma_wait3A_194 = arith.constant 0 : i32
      %dma_wait3A_195 = tpu.memref_slice %arg7[%add3A_188, %dma_wait3A_194] : memref<80x128xi32, #tpu.memory_space<vmem>> -> memref<1x128xi32, #tpu.memory_space<vmem>>
      %dma_wait3A_196 = tpu.memref_squeeze %dma_wait3A_195 : memref<1x128xi32, #tpu.memory_space<vmem>> -> memref<128xi32, #tpu.memory_space<vmem>>
      %dma_wait3A_197 = arith.constant 0 : i32
      %dma_wait3A_198 = arith.constant 0 : i32
      %dma_wait3A_199 = tpu.memref_slice %arg12[%dma_wait3A_197, %dma_wait3A_198] : memref<10000x32xf32, #tpu.memory_space<vmem_shared>> -> memref<10000x32xf32, #tpu.memory_space<vmem_shared>>
      tpu.wait_indirect_dma semaphore(%arg14 : memref<!tpu.dma_semaphore, #tpu.memory_space<semaphore_mem>>) src(%dma_wait3A_199 : memref<10000x32xf32, #tpu.memory_space<vmem_shared>>) dst(%dma_wait3A_193 : memref<128x32xf32, #tpu.memory_space<vmem>>)
      %run_scoped3A_200 = arith.constant 1 : i32
      "tpu.region"() ({
        %run_scoped3A_208 = tpu.sem_alloc : memref<!tpu.dma_semaphore, #tpu.memory_space<semaphore_mem>>
        %dma_start3A_209 = arith.constant 0 : i32
        %dma_start3A_210 = arith.constant 0 : i32
        %dma_start3A_211 = tpu.memref_slice %arg9[%run_scoped3A_200, %dma_start3A_209, %dma_start3A_210] : memref<2x128x32xf32, #tpu.memory_space<vmem>> -> memref<1x128x32xf32, #tpu.memory_space<vmem>>
        %dma_start3A_212 = tpu.memref_squeeze %dma_start3A_211 : memref<1x128x32xf32, #tpu.memory_space<vmem>> -> memref<128x32xf32, #tpu.memory_space<vmem>>
        %dma_start3A_213 = arith.constant 0 : i32
        %dma_start3A_214 = tpu.memref_slice %arg8[%add3A_188, %dma_start3A_213] : memref<80x128xi32, #tpu.memory_space<vmem>> -> memref<1x128xi32, #tpu.memory_space<vmem>>
        %dma_start3A_215 = tpu.memref_squeeze %dma_start3A_214 : memref<1x128xi32, #tpu.memory_space<vmem>> -> memref<128xi32, #tpu.memory_space<vmem>>
        %dma_start3A_216 = arith.constant 0 : i32
        %dma_start3A_217 = arith.constant 0 : i32
        %dma_start3A_218 = tpu.memref_slice %arg11[%dma_start3A_216, %dma_start3A_217] : memref<10112x32xf32, #tpu.memory_space<vmem_shared>> -> memref<10112x32xf32, #tpu.memory_space<vmem_shared>>
        tpu.enqueue_indirect_dma source(%dma_start3A_212 : memref<128x32xf32, #tpu.memory_space<vmem>>) target(%dma_start3A_218 : memref<10112x32xf32, #tpu.memory_space<vmem_shared>>) offsets(%dma_start3A_215 : memref<128xi32, #tpu.memory_space<vmem>>) semaphore(%run_scoped3A_208 : memref<!tpu.dma_semaphore, #tpu.memory_space<semaphore_mem>>) {add = true}
        %dma_wait3A_219 = arith.constant 0 : i32
        %dma_wait3A_220 = arith.constant 0 : i32
        %dma_wait3A_221 = tpu.memref_slice %arg9[%run_scoped3A_200, %dma_wait3A_219, %dma_wait3A_220] : memref<2x128x32xf32, #tpu.memory_space<vmem>> -> memref<1x128x32xf32, #tpu.memory_space<vmem>>
        %dma_wait3A_222 = tpu.memref_squeeze %dma_wait3A_221 : memref<1x128x32xf32, #tpu.memory_space<vmem>> -> memref<128x32xf32, #tpu.memory_space<vmem>>
        %dma_wait3A_223 = arith.constant 0 : i32
        %dma_wait3A_224 = tpu.memref_slice %arg8[%add3A_188, %dma_wait3A_223] : memref<80x128xi32, #tpu.memory_space<vmem>> -> memref<1x128xi32, #tpu.memory_space<vmem>>
        %dma_wait3A_225 = tpu.memref_squeeze %dma_wait3A_224 : memref<1x128xi32, #tpu.memory_space<vmem>> -> memref<128xi32, #tpu.memory_space<vmem>>
        %dma_wait3A_226 = arith.constant 0 : i32
        %dma_wait3A_227 = arith.constant 0 : i32
        %dma_wait3A_228 = tpu.memref_slice %arg11[%dma_wait3A_226, %dma_wait3A_227] : memref<10112x32xf32, #tpu.memory_space<vmem_shared>> -> memref<10112x32xf32, #tpu.memory_space<vmem_shared>>
        tpu.wait_indirect_dma semaphore(%run_scoped3A_208 : memref<!tpu.dma_semaphore, #tpu.memory_space<semaphore_mem>>) src(%dma_wait3A_222 : memref<128x32xf32, #tpu.memory_space<vmem>>) dst(%dma_wait3A_228 : memref<10112x32xf32, #tpu.memory_space<vmem_shared>>)
        tpu.yield
      }) : () -> ()
      %add3A_201 = arith.constant 2 : i32
      %add3A_202 = arith.addi %add3A_188, %add3A_201 : i32
      %lt3A_203 = arith.constant 80 : i32
      %lt3A_204 = arith.cmpi slt, %add3A_202, %lt3A_203 : i32
      %convert_element_type3A_205 = arith.extui %lt3A_204 : i1 to i32
      %cond3A_206 = arith.constant 0 : i32
      %cond3A_207 = arith.cmpi ne, %convert_element_type3A_205, %cond3A_206 : i32
      scf.if %cond3A_207 {
        %dma_start3A_208 = arith.constant 1 : i32
        %dma_start3A_209 = arith.constant 0 : i32
        %dma_start3A_210 = arith.constant 0 : i32
        %dma_start3A_211 = tpu.memref_slice %arg9[%dma_start3A_208, %dma_start3A_209, %dma_start3A_210] : memref<2x128x32xf32, #tpu.memory_space<vmem>> -> memref<1x128x32xf32, #tpu.memory_space<vmem>>
        %dma_start3A_212 = tpu.memref_squeeze %dma_start3A_211 : memref<1x128x32xf32, #tpu.memory_space<vmem>> -> memref<128x32xf32, #tpu.memory_space<vmem>>
        %dma_start3A_213 = arith.constant 0 : i32
        %dma_start3A_214 = tpu.memref_slice %arg7[%add3A_202, %dma_start3A_213] : memref<80x128xi32, #tpu.memory_space<vmem>> -> memref<1x128xi32, #tpu.memory_space<vmem>>
        %dma_start3A_215 = tpu.memref_squeeze %dma_start3A_214 : memref<1x128xi32, #tpu.memory_space<vmem>> -> memref<128xi32, #tpu.memory_space<vmem>>
        %dma_start3A_216 = arith.constant 0 : i32
        %dma_start3A_217 = arith.constant 0 : i32
        %dma_start3A_218 = tpu.memref_slice %arg12[%dma_start3A_216, %dma_start3A_217] : memref<10000x32xf32, #tpu.memory_space<vmem_shared>> -> memref<10000x32xf32, #tpu.memory_space<vmem_shared>>
        tpu.enqueue_indirect_dma source(%dma_start3A_218 : memref<10000x32xf32, #tpu.memory_space<vmem_shared>>) target(%dma_start3A_212 : memref<128x32xf32, #tpu.memory_space<vmem>>) offsets(%dma_start3A_215 : memref<128xi32, #tpu.memory_space<vmem>>) semaphore(%arg14 : memref<!tpu.dma_semaphore, #tpu.memory_space<semaphore_mem>>)
      } else {
      }
    }
    %scan3A_78 = arith.constant 40 : i32
    %barrier3A_79 = arith.constant 0 : index
    tpu.barrier barrier_id(%barrier3A_79)
    %mul3A_80 = arith.constant 632 : i32
    %mul3A_81 = arith.muli %arg1, %mul3A_80 : i32
    %mul3A_82 = arith.constant 632 : i32
    %mul3A_83 = arith.muli %arg1, %mul3A_82 : i32
    "tpu.region"() ({
      %run_scoped3A = tpu.sem_alloc : memref<!tpu.dma_semaphore, #tpu.memory_space<semaphore_mem>>
      %dma_start3A_168 = arith.constant 32 : i32
      %dma_start3A_169 = tpu.memref_slice %arg6[%arg0, %mul3A_83, %dma_start3A_168] : memref<2x10112x128xf32, #tpu.memory_space<hbm>> -> memref<1x632x32xf32, #tpu.memory_space<hbm>>
      %dma_start3A_170 = tpu.memref_squeeze %dma_start3A_169 : memref<1x632x32xf32, #tpu.memory_space<hbm>> -> memref<632x32xf32, #tpu.memory_space<hbm>>
      %dma_start3A_171 = arith.constant 0 : i32
      %dma_start3A_172 = tpu.memref_slice %arg11[%mul3A_81, %dma_start3A_171] : memref<10112x32xf32, #tpu.memory_space<vmem_shared>> -> memref<632x32xf32, #tpu.memory_space<vmem_shared>>
      tpu.enqueue_dma source(%dma_start3A_172 : memref<632x32xf32, #tpu.memory_space<vmem_shared>>) target(%dma_start3A_170 : memref<632x32xf32, #tpu.memory_space<hbm>>) target_semaphore(%run_scoped3A : memref<!tpu.dma_semaphore, #tpu.memory_space<semaphore_mem>>)
      %dma_wait3A = arith.constant 32 : i32
      %dma_wait3A_173 = tpu.memref_slice %arg6[%arg0, %mul3A_83, %dma_wait3A] : memref<2x10112x128xf32, #tpu.memory_space<hbm>> -> memref<1x632x32xf32, #tpu.memory_space<hbm>>
      %dma_wait3A_174 = tpu.memref_squeeze %dma_wait3A_173 : memref<1x632x32xf32, #tpu.memory_space<hbm>> -> memref<632x32xf32, #tpu.memory_space<hbm>>
      %dma_wait3A_175 = arith.constant 0 : i32
      %dma_wait3A_176 = tpu.memref_slice %arg11[%mul3A_81, %dma_wait3A_175] : memref<10112x32xf32, #tpu.memory_space<vmem_shared>> -> memref<632x32xf32, #tpu.memory_space<vmem_shared>>
      tpu.wait_dma2 semaphore(%run_scoped3A : memref<!tpu.dma_semaphore, #tpu.memory_space<semaphore_mem>>) src(%dma_wait3A_176 : memref<632x32xf32, #tpu.memory_space<vmem_shared>>) dst(%dma_wait3A_174 : memref<632x32xf32, #tpu.memory_space<hbm>>)
      tpu.yield
    }) : () -> ()
    %mul3A_84 = arith.constant 625 : i32
    %mul3A_85 = arith.muli %arg1, %mul3A_84 : i32
    %mul3A_86 = arith.constant 625 : i32
    %mul3A_87 = arith.muli %arg1, %mul3A_86 : i32
    "tpu.region"() ({
      %run_scoped3A = tpu.sem_alloc : memref<!tpu.dma_semaphore, #tpu.memory_space<semaphore_mem>>
      %dma_start3A_168 = arith.constant 0 : i32
      %dma_start3A_169 = tpu.memref_slice %arg12[%mul3A_87, %dma_start3A_168] : memref<10000x32xf32, #tpu.memory_space<vmem_shared>> -> memref<625x32xf32, #tpu.memory_space<vmem_shared>>
      %dma_start3A_170 = arith.constant 64 : i32
      %dma_start3A_171 = tpu.memref_slice %arg2[%mul3A_85, %dma_start3A_170] : memref<10000x128xf32, #tpu.memory_space<hbm>> -> memref<625x32xf32, #tpu.memory_space<hbm>>
      tpu.enqueue_dma source(%dma_start3A_171 : memref<625x32xf32, #tpu.memory_space<hbm>>) target(%dma_start3A_169 : memref<625x32xf32, #tpu.memory_space<vmem_shared>>) target_semaphore(%run_scoped3A : memref<!tpu.dma_semaphore, #tpu.memory_space<semaphore_mem>>)
      %dma_wait3A = arith.constant 0 : i32
      %dma_wait3A_172 = tpu.memref_slice %arg12[%mul3A_87, %dma_wait3A] : memref<10000x32xf32, #tpu.memory_space<vmem_shared>> -> memref<625x32xf32, #tpu.memory_space<vmem_shared>>
      %dma_wait3A_173 = arith.constant 64 : i32
      %dma_wait3A_174 = tpu.memref_slice %arg2[%mul3A_85, %dma_wait3A_173] : memref<10000x128xf32, #tpu.memory_space<hbm>> -> memref<625x32xf32, #tpu.memory_space<hbm>>
      tpu.wait_dma2 semaphore(%run_scoped3A : memref<!tpu.dma_semaphore, #tpu.memory_space<semaphore_mem>>) src(%dma_wait3A_174 : memref<625x32xf32, #tpu.memory_space<hbm>>) dst(%dma_wait3A_172 : memref<625x32xf32, #tpu.memory_space<vmem_shared>>)
      tpu.yield
    }) : () -> ()
    %mul3A_88 = arith.constant 632 : i32
    %mul3A_89 = arith.muli %arg1, %mul3A_88 : i32
    "tpu.region"() ({
      %run_scoped3A = tpu.sem_alloc : memref<!tpu.dma_semaphore, #tpu.memory_space<semaphore_mem>>
      %dma_start3A_168 = arith.constant 0 : i32
      %dma_start3A_169 = tpu.memref_slice %arg11[%mul3A_89, %dma_start3A_168] : memref<10112x32xf32, #tpu.memory_space<vmem_shared>> -> memref<632x32xf32, #tpu.memory_space<vmem_shared>>
      %dma_start3A_170 = arith.constant 0 : i32
      %dma_start3A_171 = tpu.memref_slice %arg11[%mul3A_89, %dma_start3A_170] : memref<10112x32xf32, #tpu.memory_space<vmem_shared>> -> memref<632x32xf32, #tpu.memory_space<vmem_shared>>
      tpu.enqueue_dma source(%arg10 : memref<632x32xf32, #tpu.memory_space<vmem>>) target(%dma_start3A_171 : memref<632x32xf32, #tpu.memory_space<vmem_shared>>) target_semaphore(%run_scoped3A : memref<!tpu.dma_semaphore, #tpu.memory_space<semaphore_mem>>)
      %dma_wait3A = arith.constant 0 : i32
      %dma_wait3A_172 = tpu.memref_slice %arg11[%mul3A_89, %dma_wait3A] : memref<10112x32xf32, #tpu.memory_space<vmem_shared>> -> memref<632x32xf32, #tpu.memory_space<vmem_shared>>
      %dma_wait3A_173 = arith.constant 0 : i32
      %dma_wait3A_174 = tpu.memref_slice %arg11[%mul3A_89, %dma_wait3A_173] : memref<10112x32xf32, #tpu.memory_space<vmem_shared>> -> memref<632x32xf32, #tpu.memory_space<vmem_shared>>
      tpu.wait_dma2 semaphore(%run_scoped3A : memref<!tpu.dma_semaphore, #tpu.memory_space<semaphore_mem>>) src(%arg10 : memref<632x32xf32, #tpu.memory_space<vmem>>) dst(%dma_wait3A_174 : memref<632x32xf32, #tpu.memory_space<vmem_shared>>)
      tpu.yield
    }) : () -> ()
    %barrier3A_90 = arith.constant 0 : index
    tpu.barrier barrier_id(%barrier3A_90)
    %dma_start3A_91 = arith.constant 0 : i32
    %dma_start3A_92 = arith.constant 0 : i32
    %dma_start3A_93 = arith.constant 0 : i32
    %dma_start3A_94 = arith.constant 0 : i32
    %dma_start3A_95 = tpu.memref_slice %arg9[%dma_start3A_92, %dma_start3A_93, %dma_start3A_94] : memref<2x128x32xf32, #tpu.memory_space<vmem>> -> memref<1x128x32xf32, #tpu.memory_space<vmem>>
    %dma_start3A_96 = tpu.memref_squeeze %dma_start3A_95 : memref<1x128x32xf32, #tpu.memory_space<vmem>> -> memref<128x32xf32, #tpu.memory_space<vmem>>
    %dma_start3A_97 = arith.constant 0 : i32
    %dma_start3A_98 = tpu.memref_slice %arg7[%dma_start3A_91, %dma_start3A_97] : memref<80x128xi32, #tpu.memory_space<vmem>> -> memref<1x128xi32, #tpu.memory_space<vmem>>
    %dma_start3A_99 = tpu.memref_squeeze %dma_start3A_98 : memref<1x128xi32, #tpu.memory_space<vmem>> -> memref<128xi32, #tpu.memory_space<vmem>>
    %dma_start3A_100 = arith.constant 0 : i32
    %dma_start3A_101 = arith.constant 0 : i32
    %dma_start3A_102 = tpu.memref_slice %arg12[%dma_start3A_100, %dma_start3A_101] : memref<10000x32xf32, #tpu.memory_space<vmem_shared>> -> memref<10000x32xf32, #tpu.memory_space<vmem_shared>>
    tpu.enqueue_indirect_dma source(%dma_start3A_102 : memref<10000x32xf32, #tpu.memory_space<vmem_shared>>) target(%dma_start3A_96 : memref<128x32xf32, #tpu.memory_space<vmem>>) offsets(%dma_start3A_99 : memref<128xi32, #tpu.memory_space<vmem>>) semaphore(%arg13 : memref<!tpu.dma_semaphore, #tpu.memory_space<semaphore_mem>>)
    %dma_start3A_103 = arith.constant 1 : i32
    %dma_start3A_104 = arith.constant 1 : i32
    %dma_start3A_105 = arith.constant 0 : i32
    %dma_start3A_106 = arith.constant 0 : i32
    %dma_start3A_107 = tpu.memref_slice %arg9[%dma_start3A_104, %dma_start3A_105, %dma_start3A_106] : memref<2x128x32xf32, #tpu.memory_space<vmem>> -> memref<1x128x32xf32, #tpu.memory_space<vmem>>
    %dma_start3A_108 = tpu.memref_squeeze %dma_start3A_107 : memref<1x128x32xf32, #tpu.memory_space<vmem>> -> memref<128x32xf32, #tpu.memory_space<vmem>>
    %dma_start3A_109 = arith.constant 0 : i32
    %dma_start3A_110 = tpu.memref_slice %arg7[%dma_start3A_103, %dma_start3A_109] : memref<80x128xi32, #tpu.memory_space<vmem>> -> memref<1x128xi32, #tpu.memory_space<vmem>>
    %dma_start3A_111 = tpu.memref_squeeze %dma_start3A_110 : memref<1x128xi32, #tpu.memory_space<vmem>> -> memref<128xi32, #tpu.memory_space<vmem>>
    %dma_start3A_112 = arith.constant 0 : i32
    %dma_start3A_113 = arith.constant 0 : i32
    %dma_start3A_114 = tpu.memref_slice %arg12[%dma_start3A_112, %dma_start3A_113] : memref<10000x32xf32, #tpu.memory_space<vmem_shared>> -> memref<10000x32xf32, #tpu.memory_space<vmem_shared>>
    tpu.enqueue_indirect_dma source(%dma_start3A_114 : memref<10000x32xf32, #tpu.memory_space<vmem_shared>>) target(%dma_start3A_108 : memref<128x32xf32, #tpu.memory_space<vmem>>) offsets(%dma_start3A_111 : memref<128xi32, #tpu.memory_space<vmem>>) semaphore(%arg14 : memref<!tpu.dma_semaphore, #tpu.memory_space<semaphore_mem>>)
    %scan3A_115 = arith.constant 0 : i32
    %scan3A_116 = arith.constant 0 : i32
    %scan3A_117 = arith.constant 40 : i32
    %scan3A_118 = arith.addi %scan3A_116, %scan3A_117 : i32
    %scan3A_119 = arith.constant 1 : i32
    scf.for %scan3A_168 = %scan3A_116 to %scan3A_118 step %scan3A_119  : i32 {
      %mul3A_169 = arith.constant 2 : i32
      %mul3A_170 = arith.muli %scan3A_168, %mul3A_169 : i32
      %add3A_171 = arith.constant 0 : i32
      %add3A_172 = arith.addi %mul3A_170, %add3A_171 : i32
      %dma_wait3A = arith.constant 0 : i32
      %dma_wait3A_173 = arith.constant 0 : i32
      %dma_wait3A_174 = arith.constant 0 : i32
      %dma_wait3A_175 = tpu.memref_slice %arg9[%dma_wait3A, %dma_wait3A_173, %dma_wait3A_174] : memref<2x128x32xf32, #tpu.memory_space<vmem>> -> memref<1x128x32xf32, #tpu.memory_space<vmem>>
      %dma_wait3A_176 = tpu.memref_squeeze %dma_wait3A_175 : memref<1x128x32xf32, #tpu.memory_space<vmem>> -> memref<128x32xf32, #tpu.memory_space<vmem>>
      %dma_wait3A_177 = arith.constant 0 : i32
      %dma_wait3A_178 = tpu.memref_slice %arg7[%add3A_172, %dma_wait3A_177] : memref<80x128xi32, #tpu.memory_space<vmem>> -> memref<1x128xi32, #tpu.memory_space<vmem>>
      %dma_wait3A_179 = tpu.memref_squeeze %dma_wait3A_178 : memref<1x128xi32, #tpu.memory_space<vmem>> -> memref<128xi32, #tpu.memory_space<vmem>>
      %dma_wait3A_180 = arith.constant 0 : i32
      %dma_wait3A_181 = arith.constant 0 : i32
      %dma_wait3A_182 = tpu.memref_slice %arg12[%dma_wait3A_180, %dma_wait3A_181] : memref<10000x32xf32, #tpu.memory_space<vmem_shared>> -> memref<10000x32xf32, #tpu.memory_space<vmem_shared>>
      tpu.wait_indirect_dma semaphore(%arg13 : memref<!tpu.dma_semaphore, #tpu.memory_space<semaphore_mem>>) src(%dma_wait3A_182 : memref<10000x32xf32, #tpu.memory_space<vmem_shared>>) dst(%dma_wait3A_176 : memref<128x32xf32, #tpu.memory_space<vmem>>)
      %run_scoped3A = arith.constant 0 : i32
      "tpu.region"() ({
        %run_scoped3A_208 = tpu.sem_alloc : memref<!tpu.dma_semaphore, #tpu.memory_space<semaphore_mem>>
        %dma_start3A_209 = arith.constant 0 : i32
        %dma_start3A_210 = arith.constant 0 : i32
        %dma_start3A_211 = tpu.memref_slice %arg9[%run_scoped3A, %dma_start3A_209, %dma_start3A_210] : memref<2x128x32xf32, #tpu.memory_space<vmem>> -> memref<1x128x32xf32, #tpu.memory_space<vmem>>
        %dma_start3A_212 = tpu.memref_squeeze %dma_start3A_211 : memref<1x128x32xf32, #tpu.memory_space<vmem>> -> memref<128x32xf32, #tpu.memory_space<vmem>>
        %dma_start3A_213 = arith.constant 0 : i32
        %dma_start3A_214 = tpu.memref_slice %arg8[%add3A_172, %dma_start3A_213] : memref<80x128xi32, #tpu.memory_space<vmem>> -> memref<1x128xi32, #tpu.memory_space<vmem>>
        %dma_start3A_215 = tpu.memref_squeeze %dma_start3A_214 : memref<1x128xi32, #tpu.memory_space<vmem>> -> memref<128xi32, #tpu.memory_space<vmem>>
        %dma_start3A_216 = arith.constant 0 : i32
        %dma_start3A_217 = arith.constant 0 : i32
        %dma_start3A_218 = tpu.memref_slice %arg11[%dma_start3A_216, %dma_start3A_217] : memref<10112x32xf32, #tpu.memory_space<vmem_shared>> -> memref<10112x32xf32, #tpu.memory_space<vmem_shared>>
        tpu.enqueue_indirect_dma source(%dma_start3A_212 : memref<128x32xf32, #tpu.memory_space<vmem>>) target(%dma_start3A_218 : memref<10112x32xf32, #tpu.memory_space<vmem_shared>>) offsets(%dma_start3A_215 : memref<128xi32, #tpu.memory_space<vmem>>) semaphore(%run_scoped3A_208 : memref<!tpu.dma_semaphore, #tpu.memory_space<semaphore_mem>>) {add = true}
        %dma_wait3A_219 = arith.constant 0 : i32
        %dma_wait3A_220 = arith.constant 0 : i32
        %dma_wait3A_221 = tpu.memref_slice %arg9[%run_scoped3A, %dma_wait3A_219, %dma_wait3A_220] : memref<2x128x32xf32, #tpu.memory_space<vmem>> -> memref<1x128x32xf32, #tpu.memory_space<vmem>>
        %dma_wait3A_222 = tpu.memref_squeeze %dma_wait3A_221 : memref<1x128x32xf32, #tpu.memory_space<vmem>> -> memref<128x32xf32, #tpu.memory_space<vmem>>
        %dma_wait3A_223 = arith.constant 0 : i32
        %dma_wait3A_224 = tpu.memref_slice %arg8[%add3A_172, %dma_wait3A_223] : memref<80x128xi32, #tpu.memory_space<vmem>> -> memref<1x128xi32, #tpu.memory_space<vmem>>
        %dma_wait3A_225 = tpu.memref_squeeze %dma_wait3A_224 : memref<1x128xi32, #tpu.memory_space<vmem>> -> memref<128xi32, #tpu.memory_space<vmem>>
        %dma_wait3A_226 = arith.constant 0 : i32
        %dma_wait3A_227 = arith.constant 0 : i32
        %dma_wait3A_228 = tpu.memref_slice %arg11[%dma_wait3A_226, %dma_wait3A_227] : memref<10112x32xf32, #tpu.memory_space<vmem_shared>> -> memref<10112x32xf32, #tpu.memory_space<vmem_shared>>
        tpu.wait_indirect_dma semaphore(%run_scoped3A_208 : memref<!tpu.dma_semaphore, #tpu.memory_space<semaphore_mem>>) src(%dma_wait3A_222 : memref<128x32xf32, #tpu.memory_space<vmem>>) dst(%dma_wait3A_228 : memref<10112x32xf32, #tpu.memory_space<vmem_shared>>)
        tpu.yield
      }) : () -> ()
      %add3A_183 = arith.constant 2 : i32
      %add3A_184 = arith.addi %add3A_172, %add3A_183 : i32
      %lt3A = arith.constant 80 : i32
      %lt3A_185 = arith.cmpi slt, %add3A_184, %lt3A : i32
      %convert_element_type3A = arith.extui %lt3A_185 : i1 to i32
      %cond3A = arith.constant 0 : i32
      %cond3A_186 = arith.cmpi ne, %convert_element_type3A, %cond3A : i32
      scf.if %cond3A_186 {
        %dma_start3A_208 = arith.constant 0 : i32
        %dma_start3A_209 = arith.constant 0 : i32
        %dma_start3A_210 = arith.constant 0 : i32
        %dma_start3A_211 = tpu.memref_slice %arg9[%dma_start3A_208, %dma_start3A_209, %dma_start3A_210] : memref<2x128x32xf32, #tpu.memory_space<vmem>> -> memref<1x128x32xf32, #tpu.memory_space<vmem>>
        %dma_start3A_212 = tpu.memref_squeeze %dma_start3A_211 : memref<1x128x32xf32, #tpu.memory_space<vmem>> -> memref<128x32xf32, #tpu.memory_space<vmem>>
        %dma_start3A_213 = arith.constant 0 : i32
        %dma_start3A_214 = tpu.memref_slice %arg7[%add3A_184, %dma_start3A_213] : memref<80x128xi32, #tpu.memory_space<vmem>> -> memref<1x128xi32, #tpu.memory_space<vmem>>
        %dma_start3A_215 = tpu.memref_squeeze %dma_start3A_214 : memref<1x128xi32, #tpu.memory_space<vmem>> -> memref<128xi32, #tpu.memory_space<vmem>>
        %dma_start3A_216 = arith.constant 0 : i32
        %dma_start3A_217 = arith.constant 0 : i32
        %dma_start3A_218 = tpu.memref_slice %arg12[%dma_start3A_216, %dma_start3A_217] : memref<10000x32xf32, #tpu.memory_space<vmem_shared>> -> memref<10000x32xf32, #tpu.memory_space<vmem_shared>>
        tpu.enqueue_indirect_dma source(%dma_start3A_218 : memref<10000x32xf32, #tpu.memory_space<vmem_shared>>) target(%dma_start3A_212 : memref<128x32xf32, #tpu.memory_space<vmem>>) offsets(%dma_start3A_215 : memref<128xi32, #tpu.memory_space<vmem>>) semaphore(%arg13 : memref<!tpu.dma_semaphore, #tpu.memory_space<semaphore_mem>>)
      } else {
      }
      %add3A_187 = arith.constant 1 : i32
      %add3A_188 = arith.addi %mul3A_170, %add3A_187 : i32
      %dma_wait3A_189 = arith.constant 1 : i32
      %dma_wait3A_190 = arith.constant 0 : i32
      %dma_wait3A_191 = arith.constant 0 : i32
      %dma_wait3A_192 = tpu.memref_slice %arg9[%dma_wait3A_189, %dma_wait3A_190, %dma_wait3A_191] : memref<2x128x32xf32, #tpu.memory_space<vmem>> -> memref<1x128x32xf32, #tpu.memory_space<vmem>>
      %dma_wait3A_193 = tpu.memref_squeeze %dma_wait3A_192 : memref<1x128x32xf32, #tpu.memory_space<vmem>> -> memref<128x32xf32, #tpu.memory_space<vmem>>
      %dma_wait3A_194 = arith.constant 0 : i32
      %dma_wait3A_195 = tpu.memref_slice %arg7[%add3A_188, %dma_wait3A_194] : memref<80x128xi32, #tpu.memory_space<vmem>> -> memref<1x128xi32, #tpu.memory_space<vmem>>
      %dma_wait3A_196 = tpu.memref_squeeze %dma_wait3A_195 : memref<1x128xi32, #tpu.memory_space<vmem>> -> memref<128xi32, #tpu.memory_space<vmem>>
      %dma_wait3A_197 = arith.constant 0 : i32
      %dma_wait3A_198 = arith.constant 0 : i32
      %dma_wait3A_199 = tpu.memref_slice %arg12[%dma_wait3A_197, %dma_wait3A_198] : memref<10000x32xf32, #tpu.memory_space<vmem_shared>> -> memref<10000x32xf32, #tpu.memory_space<vmem_shared>>
      tpu.wait_indirect_dma semaphore(%arg14 : memref<!tpu.dma_semaphore, #tpu.memory_space<semaphore_mem>>) src(%dma_wait3A_199 : memref<10000x32xf32, #tpu.memory_space<vmem_shared>>) dst(%dma_wait3A_193 : memref<128x32xf32, #tpu.memory_space<vmem>>)
      %run_scoped3A_200 = arith.constant 1 : i32
      "tpu.region"() ({
        %run_scoped3A_208 = tpu.sem_alloc : memref<!tpu.dma_semaphore, #tpu.memory_space<semaphore_mem>>
        %dma_start3A_209 = arith.constant 0 : i32
        %dma_start3A_210 = arith.constant 0 : i32
        %dma_start3A_211 = tpu.memref_slice %arg9[%run_scoped3A_200, %dma_start3A_209, %dma_start3A_210] : memref<2x128x32xf32, #tpu.memory_space<vmem>> -> memref<1x128x32xf32, #tpu.memory_space<vmem>>
        %dma_start3A_212 = tpu.memref_squeeze %dma_start3A_211 : memref<1x128x32xf32, #tpu.memory_space<vmem>> -> memref<128x32xf32, #tpu.memory_space<vmem>>
        %dma_start3A_213 = arith.constant 0 : i32
        %dma_start3A_214 = tpu.memref_slice %arg8[%add3A_188, %dma_start3A_213] : memref<80x128xi32, #tpu.memory_space<vmem>> -> memref<1x128xi32, #tpu.memory_space<vmem>>
        %dma_start3A_215 = tpu.memref_squeeze %dma_start3A_214 : memref<1x128xi32, #tpu.memory_space<vmem>> -> memref<128xi32, #tpu.memory_space<vmem>>
        %dma_start3A_216 = arith.constant 0 : i32
        %dma_start3A_217 = arith.constant 0 : i32
        %dma_start3A_218 = tpu.memref_slice %arg11[%dma_start3A_216, %dma_start3A_217] : memref<10112x32xf32, #tpu.memory_space<vmem_shared>> -> memref<10112x32xf32, #tpu.memory_space<vmem_shared>>
        tpu.enqueue_indirect_dma source(%dma_start3A_212 : memref<128x32xf32, #tpu.memory_space<vmem>>) target(%dma_start3A_218 : memref<10112x32xf32, #tpu.memory_space<vmem_shared>>) offsets(%dma_start3A_215 : memref<128xi32, #tpu.memory_space<vmem>>) semaphore(%run_scoped3A_208 : memref<!tpu.dma_semaphore, #tpu.memory_space<semaphore_mem>>) {add = true}
        %dma_wait3A_219 = arith.constant 0 : i32
        %dma_wait3A_220 = arith.constant 0 : i32
        %dma_wait3A_221 = tpu.memref_slice %arg9[%run_scoped3A_200, %dma_wait3A_219, %dma_wait3A_220] : memref<2x128x32xf32, #tpu.memory_space<vmem>> -> memref<1x128x32xf32, #tpu.memory_space<vmem>>
        %dma_wait3A_222 = tpu.memref_squeeze %dma_wait3A_221 : memref<1x128x32xf32, #tpu.memory_space<vmem>> -> memref<128x32xf32, #tpu.memory_space<vmem>>
        %dma_wait3A_223 = arith.constant 0 : i32
        %dma_wait3A_224 = tpu.memref_slice %arg8[%add3A_188, %dma_wait3A_223] : memref<80x128xi32, #tpu.memory_space<vmem>> -> memref<1x128xi32, #tpu.memory_space<vmem>>
        %dma_wait3A_225 = tpu.memref_squeeze %dma_wait3A_224 : memref<1x128xi32, #tpu.memory_space<vmem>> -> memref<128xi32, #tpu.memory_space<vmem>>
        %dma_wait3A_226 = arith.constant 0 : i32
        %dma_wait3A_227 = arith.constant 0 : i32
        %dma_wait3A_228 = tpu.memref_slice %arg11[%dma_wait3A_226, %dma_wait3A_227] : memref<10112x32xf32, #tpu.memory_space<vmem_shared>> -> memref<10112x32xf32, #tpu.memory_space<vmem_shared>>
        tpu.wait_indirect_dma semaphore(%run_scoped3A_208 : memref<!tpu.dma_semaphore, #tpu.memory_space<semaphore_mem>>) src(%dma_wait3A_222 : memref<128x32xf32, #tpu.memory_space<vmem>>) dst(%dma_wait3A_228 : memref<10112x32xf32, #tpu.memory_space<vmem_shared>>)
        tpu.yield
      }) : () -> ()
      %add3A_201 = arith.constant 2 : i32
      %add3A_202 = arith.addi %add3A_188, %add3A_201 : i32
      %lt3A_203 = arith.constant 80 : i32
      %lt3A_204 = arith.cmpi slt, %add3A_202, %lt3A_203 : i32
      %convert_element_type3A_205 = arith.extui %lt3A_204 : i1 to i32
      %cond3A_206 = arith.constant 0 : i32
      %cond3A_207 = arith.cmpi ne, %convert_element_type3A_205, %cond3A_206 : i32
      scf.if %cond3A_207 {
        %dma_start3A_208 = arith.constant 1 : i32
        %dma_start3A_209 = arith.constant 0 : i32
        %dma_start3A_210 = arith.constant 0 : i32
        %dma_start3A_211 = tpu.memref_slice %arg9[%dma_start3A_208, %dma_start3A_209, %dma_start3A_210] : memref<2x128x32xf32, #tpu.memory_space<vmem>> -> memref<1x128x32xf32, #tpu.memory_space<vmem>>
        %dma_start3A_212 = tpu.memref_squeeze %dma_start3A_211 : memref<1x128x32xf32, #tpu.memory_space<vmem>> -> memref<128x32xf32, #tpu.memory_space<vmem>>
        %dma_start3A_213 = arith.constant 0 : i32
        %dma_start3A_214 = tpu.memref_slice %arg7[%add3A_202, %dma_start3A_213] : memref<80x128xi32, #tpu.memory_space<vmem>> -> memref<1x128xi32, #tpu.memory_space<vmem>>
        %dma_start3A_215 = tpu.memref_squeeze %dma_start3A_214 : memref<1x128xi32, #tpu.memory_space<vmem>> -> memref<128xi32, #tpu.memory_space<vmem>>
        %dma_start3A_216 = arith.constant 0 : i32
        %dma_start3A_217 = arith.constant 0 : i32
        %dma_start3A_218 = tpu.memref_slice %arg12[%dma_start3A_216, %dma_start3A_217] : memref<10000x32xf32, #tpu.memory_space<vmem_shared>> -> memref<10000x32xf32, #tpu.memory_space<vmem_shared>>
        tpu.enqueue_indirect_dma source(%dma_start3A_218 : memref<10000x32xf32, #tpu.memory_space<vmem_shared>>) target(%dma_start3A_212 : memref<128x32xf32, #tpu.memory_space<vmem>>) offsets(%dma_start3A_215 : memref<128xi32, #tpu.memory_space<vmem>>) semaphore(%arg14 : memref<!tpu.dma_semaphore, #tpu.memory_space<semaphore_mem>>)
      } else {
      }
    }
    %scan3A_120 = arith.constant 40 : i32
    %barrier3A_121 = arith.constant 0 : index
    tpu.barrier barrier_id(%barrier3A_121)
    %mul3A_122 = arith.constant 632 : i32
    %mul3A_123 = arith.muli %arg1, %mul3A_122 : i32
    %mul3A_124 = arith.constant 632 : i32
    %mul3A_125 = arith.muli %arg1, %mul3A_124 : i32
    "tpu.region"() ({
      %run_scoped3A = tpu.sem_alloc : memref<!tpu.dma_semaphore, #tpu.memory_space<semaphore_mem>>
      %dma_start3A_168 = arith.constant 64 : i32
      %dma_start3A_169 = tpu.memref_slice %arg6[%arg0, %mul3A_125, %dma_start3A_168] : memref<2x10112x128xf32, #tpu.memory_space<hbm>> -> memref<1x632x32xf32, #tpu.memory_space<hbm>>
      %dma_start3A_170 = tpu.memref_squeeze %dma_start3A_169 : memref<1x632x32xf32, #tpu.memory_space<hbm>> -> memref<632x32xf32, #tpu.memory_space<hbm>>
      %dma_start3A_171 = arith.constant 0 : i32
      %dma_start3A_172 = tpu.memref_slice %arg11[%mul3A_123, %dma_start3A_171] : memref<10112x32xf32, #tpu.memory_space<vmem_shared>> -> memref<632x32xf32, #tpu.memory_space<vmem_shared>>
      tpu.enqueue_dma source(%dma_start3A_172 : memref<632x32xf32, #tpu.memory_space<vmem_shared>>) target(%dma_start3A_170 : memref<632x32xf32, #tpu.memory_space<hbm>>) target_semaphore(%run_scoped3A : memref<!tpu.dma_semaphore, #tpu.memory_space<semaphore_mem>>)
      %dma_wait3A = arith.constant 64 : i32
      %dma_wait3A_173 = tpu.memref_slice %arg6[%arg0, %mul3A_125, %dma_wait3A] : memref<2x10112x128xf32, #tpu.memory_space<hbm>> -> memref<1x632x32xf32, #tpu.memory_space<hbm>>
      %dma_wait3A_174 = tpu.memref_squeeze %dma_wait3A_173 : memref<1x632x32xf32, #tpu.memory_space<hbm>> -> memref<632x32xf32, #tpu.memory_space<hbm>>
      %dma_wait3A_175 = arith.constant 0 : i32
      %dma_wait3A_176 = tpu.memref_slice %arg11[%mul3A_123, %dma_wait3A_175] : memref<10112x32xf32, #tpu.memory_space<vmem_shared>> -> memref<632x32xf32, #tpu.memory_space<vmem_shared>>
      tpu.wait_dma2 semaphore(%run_scoped3A : memref<!tpu.dma_semaphore, #tpu.memory_space<semaphore_mem>>) src(%dma_wait3A_176 : memref<632x32xf32, #tpu.memory_space<vmem_shared>>) dst(%dma_wait3A_174 : memref<632x32xf32, #tpu.memory_space<hbm>>)
      tpu.yield
    }) : () -> ()
    %mul3A_126 = arith.constant 625 : i32
    %mul3A_127 = arith.muli %arg1, %mul3A_126 : i32
    %mul3A_128 = arith.constant 625 : i32
    %mul3A_129 = arith.muli %arg1, %mul3A_128 : i32
    "tpu.region"() ({
      %run_scoped3A = tpu.sem_alloc : memref<!tpu.dma_semaphore, #tpu.memory_space<semaphore_mem>>
      %dma_start3A_168 = arith.constant 0 : i32
      %dma_start3A_169 = tpu.memref_slice %arg12[%mul3A_129, %dma_start3A_168] : memref<10000x32xf32, #tpu.memory_space<vmem_shared>> -> memref<625x32xf32, #tpu.memory_space<vmem_shared>>
      %dma_start3A_170 = arith.constant 96 : i32
      %dma_start3A_171 = tpu.memref_slice %arg2[%mul3A_127, %dma_start3A_170] : memref<10000x128xf32, #tpu.memory_space<hbm>> -> memref<625x32xf32, #tpu.memory_space<hbm>>
      tpu.enqueue_dma source(%dma_start3A_171 : memref<625x32xf32, #tpu.memory_space<hbm>>) target(%dma_start3A_169 : memref<625x32xf32, #tpu.memory_space<vmem_shared>>) target_semaphore(%run_scoped3A : memref<!tpu.dma_semaphore, #tpu.memory_space<semaphore_mem>>)
      %dma_wait3A = arith.constant 0 : i32
      %dma_wait3A_172 = tpu.memref_slice %arg12[%mul3A_129, %dma_wait3A] : memref<10000x32xf32, #tpu.memory_space<vmem_shared>> -> memref<625x32xf32, #tpu.memory_space<vmem_shared>>
      %dma_wait3A_173 = arith.constant 96 : i32
      %dma_wait3A_174 = tpu.memref_slice %arg2[%mul3A_127, %dma_wait3A_173] : memref<10000x128xf32, #tpu.memory_space<hbm>> -> memref<625x32xf32, #tpu.memory_space<hbm>>
      tpu.wait_dma2 semaphore(%run_scoped3A : memref<!tpu.dma_semaphore, #tpu.memory_space<semaphore_mem>>) src(%dma_wait3A_174 : memref<625x32xf32, #tpu.memory_space<hbm>>) dst(%dma_wait3A_172 : memref<625x32xf32, #tpu.memory_space<vmem_shared>>)
      tpu.yield
    }) : () -> ()
    %mul3A_130 = arith.constant 632 : i32
    %mul3A_131 = arith.muli %arg1, %mul3A_130 : i32
    "tpu.region"() ({
      %run_scoped3A = tpu.sem_alloc : memref<!tpu.dma_semaphore, #tpu.memory_space<semaphore_mem>>
      %dma_start3A_168 = arith.constant 0 : i32
      %dma_start3A_169 = tpu.memref_slice %arg11[%mul3A_131, %dma_start3A_168] : memref<10112x32xf32, #tpu.memory_space<vmem_shared>> -> memref<632x32xf32, #tpu.memory_space<vmem_shared>>
      %dma_start3A_170 = arith.constant 0 : i32
      %dma_start3A_171 = tpu.memref_slice %arg11[%mul3A_131, %dma_start3A_170] : memref<10112x32xf32, #tpu.memory_space<vmem_shared>> -> memref<632x32xf32, #tpu.memory_space<vmem_shared>>
      tpu.enqueue_dma source(%arg10 : memref<632x32xf32, #tpu.memory_space<vmem>>) target(%dma_start3A_171 : memref<632x32xf32, #tpu.memory_space<vmem_shared>>) target_semaphore(%run_scoped3A : memref<!tpu.dma_semaphore, #tpu.memory_space<semaphore_mem>>)
      %dma_wait3A = arith.constant 0 : i32
      %dma_wait3A_172 = tpu.memref_slice %arg11[%mul3A_131, %dma_wait3A] : memref<10112x32xf32, #tpu.memory_space<vmem_shared>> -> memref<632x32xf32, #tpu.memory_space<vmem_shared>>
      %dma_wait3A_173 = arith.constant 0 : i32
      %dma_wait3A_174 = tpu.memref_slice %arg11[%mul3A_131, %dma_wait3A_173] : memref<10112x32xf32, #tpu.memory_space<vmem_shared>> -> memref<632x32xf32, #tpu.memory_space<vmem_shared>>
      tpu.wait_dma2 semaphore(%run_scoped3A : memref<!tpu.dma_semaphore, #tpu.memory_space<semaphore_mem>>) src(%arg10 : memref<632x32xf32, #tpu.memory_space<vmem>>) dst(%dma_wait3A_174 : memref<632x32xf32, #tpu.memory_space<vmem_shared>>)
      tpu.yield
    }) : () -> ()
    %barrier3A_132 = arith.constant 0 : index
    tpu.barrier barrier_id(%barrier3A_132)
    %dma_start3A_133 = arith.constant 0 : i32
    %dma_start3A_134 = arith.constant 0 : i32
    %dma_start3A_135 = arith.constant 0 : i32
    %dma_start3A_136 = arith.constant 0 : i32
    %dma_start3A_137 = tpu.memref_slice %arg9[%dma_start3A_134, %dma_start3A_135, %dma_start3A_136] : memref<2x128x32xf32, #tpu.memory_space<vmem>> -> memref<1x128x32xf32, #tpu.memory_space<vmem>>
    %dma_start3A_138 = tpu.memref_squeeze %dma_start3A_137 : memref<1x128x32xf32, #tpu.memory_space<vmem>> -> memref<128x32xf32, #tpu.memory_space<vmem>>
    %dma_start3A_139 = arith.constant 0 : i32
    %dma_start3A_140 = tpu.memref_slice %arg7[%dma_start3A_133, %dma_start3A_139] : memref<80x128xi32, #tpu.memory_space<vmem>> -> memref<1x128xi32, #tpu.memory_space<vmem>>
    %dma_start3A_141 = tpu.memref_squeeze %dma_start3A_140 : memref<1x128xi32, #tpu.memory_space<vmem>> -> memref<128xi32, #tpu.memory_space<vmem>>
    %dma_start3A_142 = arith.constant 0 : i32
    %dma_start3A_143 = arith.constant 0 : i32
    %dma_start3A_144 = tpu.memref_slice %arg12[%dma_start3A_142, %dma_start3A_143] : memref<10000x32xf32, #tpu.memory_space<vmem_shared>> -> memref<10000x32xf32, #tpu.memory_space<vmem_shared>>
    tpu.enqueue_indirect_dma source(%dma_start3A_144 : memref<10000x32xf32, #tpu.memory_space<vmem_shared>>) target(%dma_start3A_138 : memref<128x32xf32, #tpu.memory_space<vmem>>) offsets(%dma_start3A_141 : memref<128xi32, #tpu.memory_space<vmem>>) semaphore(%arg13 : memref<!tpu.dma_semaphore, #tpu.memory_space<semaphore_mem>>)
    %dma_start3A_145 = arith.constant 1 : i32
    %dma_start3A_146 = arith.constant 1 : i32
    %dma_start3A_147 = arith.constant 0 : i32
    %dma_start3A_148 = arith.constant 0 : i32
    %dma_start3A_149 = tpu.memref_slice %arg9[%dma_start3A_146, %dma_start3A_147, %dma_start3A_148] : memref<2x128x32xf32, #tpu.memory_space<vmem>> -> memref<1x128x32xf32, #tpu.memory_space<vmem>>
    %dma_start3A_150 = tpu.memref_squeeze %dma_start3A_149 : memref<1x128x32xf32, #tpu.memory_space<vmem>> -> memref<128x32xf32, #tpu.memory_space<vmem>>
    %dma_start3A_151 = arith.constant 0 : i32
    %dma_start3A_152 = tpu.memref_slice %arg7[%dma_start3A_145, %dma_start3A_151] : memref<80x128xi32, #tpu.memory_space<vmem>> -> memref<1x128xi32, #tpu.memory_space<vmem>>
    %dma_start3A_153 = tpu.memref_squeeze %dma_start3A_152 : memref<1x128xi32, #tpu.memory_space<vmem>> -> memref<128xi32, #tpu.memory_space<vmem>>
    %dma_start3A_154 = arith.constant 0 : i32
    %dma_start3A_155 = arith.constant 0 : i32
    %dma_start3A_156 = tpu.memref_slice %arg12[%dma_start3A_154, %dma_start3A_155] : memref<10000x32xf32, #tpu.memory_space<vmem_shared>> -> memref<10000x32xf32, #tpu.memory_space<vmem_shared>>
    tpu.enqueue_indirect_dma source(%dma_start3A_156 : memref<10000x32xf32, #tpu.memory_space<vmem_shared>>) target(%dma_start3A_150 : memref<128x32xf32, #tpu.memory_space<vmem>>) offsets(%dma_start3A_153 : memref<128xi32, #tpu.memory_space<vmem>>) semaphore(%arg14 : memref<!tpu.dma_semaphore, #tpu.memory_space<semaphore_mem>>)
    %scan3A_157 = arith.constant 0 : i32
    %scan3A_158 = arith.constant 0 : i32
    %scan3A_159 = arith.constant 40 : i32
    %scan3A_160 = arith.addi %scan3A_158, %scan3A_159 : i32
    %scan3A_161 = arith.constant 1 : i32
    scf.for %scan3A_168 = %scan3A_158 to %scan3A_160 step %scan3A_161  : i32 {
      %mul3A_169 = arith.constant 2 : i32
      %mul3A_170 = arith.muli %scan3A_168, %mul3A_169 : i32
      %add3A_171 = arith.constant 0 : i32
      %add3A_172 = arith.addi %mul3A_170, %add3A_171 : i32
      %dma_wait3A = arith.constant 0 : i32
      %dma_wait3A_173 = arith.constant 0 : i32
      %dma_wait3A_174 = arith.constant 0 : i32
      %dma_wait3A_175 = tpu.memref_slice %arg9[%dma_wait3A, %dma_wait3A_173, %dma_wait3A_174] : memref<2x128x32xf32, #tpu.memory_space<vmem>> -> memref<1x128x32xf32, #tpu.memory_space<vmem>>
      %dma_wait3A_176 = tpu.memref_squeeze %dma_wait3A_175 : memref<1x128x32xf32, #tpu.memory_space<vmem>> -> memref<128x32xf32, #tpu.memory_space<vmem>>
      %dma_wait3A_177 = arith.constant 0 : i32
      %dma_wait3A_178 = tpu.memref_slice %arg7[%add3A_172, %dma_wait3A_177] : memref<80x128xi32, #tpu.memory_space<vmem>> -> memref<1x128xi32, #tpu.memory_space<vmem>>
      %dma_wait3A_179 = tpu.memref_squeeze %dma_wait3A_178 : memref<1x128xi32, #tpu.memory_space<vmem>> -> memref<128xi32, #tpu.memory_space<vmem>>
      %dma_wait3A_180 = arith.constant 0 : i32
      %dma_wait3A_181 = arith.constant 0 : i32
      %dma_wait3A_182 = tpu.memref_slice %arg12[%dma_wait3A_180, %dma_wait3A_181] : memref<10000x32xf32, #tpu.memory_space<vmem_shared>> -> memref<10000x32xf32, #tpu.memory_space<vmem_shared>>
      tpu.wait_indirect_dma semaphore(%arg13 : memref<!tpu.dma_semaphore, #tpu.memory_space<semaphore_mem>>) src(%dma_wait3A_182 : memref<10000x32xf32, #tpu.memory_space<vmem_shared>>) dst(%dma_wait3A_176 : memref<128x32xf32, #tpu.memory_space<vmem>>)
      %run_scoped3A = arith.constant 0 : i32
      "tpu.region"() ({
        %run_scoped3A_208 = tpu.sem_alloc : memref<!tpu.dma_semaphore, #tpu.memory_space<semaphore_mem>>
        %dma_start3A_209 = arith.constant 0 : i32
        %dma_start3A_210 = arith.constant 0 : i32
        %dma_start3A_211 = tpu.memref_slice %arg9[%run_scoped3A, %dma_start3A_209, %dma_start3A_210] : memref<2x128x32xf32, #tpu.memory_space<vmem>> -> memref<1x128x32xf32, #tpu.memory_space<vmem>>
        %dma_start3A_212 = tpu.memref_squeeze %dma_start3A_211 : memref<1x128x32xf32, #tpu.memory_space<vmem>> -> memref<128x32xf32, #tpu.memory_space<vmem>>
        %dma_start3A_213 = arith.constant 0 : i32
        %dma_start3A_214 = tpu.memref_slice %arg8[%add3A_172, %dma_start3A_213] : memref<80x128xi32, #tpu.memory_space<vmem>> -> memref<1x128xi32, #tpu.memory_space<vmem>>
        %dma_start3A_215 = tpu.memref_squeeze %dma_start3A_214 : memref<1x128xi32, #tpu.memory_space<vmem>> -> memref<128xi32, #tpu.memory_space<vmem>>
        %dma_start3A_216 = arith.constant 0 : i32
        %dma_start3A_217 = arith.constant 0 : i32
        %dma_start3A_218 = tpu.memref_slice %arg11[%dma_start3A_216, %dma_start3A_217] : memref<10112x32xf32, #tpu.memory_space<vmem_shared>> -> memref<10112x32xf32, #tpu.memory_space<vmem_shared>>
        tpu.enqueue_indirect_dma source(%dma_start3A_212 : memref<128x32xf32, #tpu.memory_space<vmem>>) target(%dma_start3A_218 : memref<10112x32xf32, #tpu.memory_space<vmem_shared>>) offsets(%dma_start3A_215 : memref<128xi32, #tpu.memory_space<vmem>>) semaphore(%run_scoped3A_208 : memref<!tpu.dma_semaphore, #tpu.memory_space<semaphore_mem>>) {add = true}
        %dma_wait3A_219 = arith.constant 0 : i32
        %dma_wait3A_220 = arith.constant 0 : i32
        %dma_wait3A_221 = tpu.memref_slice %arg9[%run_scoped3A, %dma_wait3A_219, %dma_wait3A_220] : memref<2x128x32xf32, #tpu.memory_space<vmem>> -> memref<1x128x32xf32, #tpu.memory_space<vmem>>
        %dma_wait3A_222 = tpu.memref_squeeze %dma_wait3A_221 : memref<1x128x32xf32, #tpu.memory_space<vmem>> -> memref<128x32xf32, #tpu.memory_space<vmem>>
        %dma_wait3A_223 = arith.constant 0 : i32
        %dma_wait3A_224 = tpu.memref_slice %arg8[%add3A_172, %dma_wait3A_223] : memref<80x128xi32, #tpu.memory_space<vmem>> -> memref<1x128xi32, #tpu.memory_space<vmem>>
        %dma_wait3A_225 = tpu.memref_squeeze %dma_wait3A_224 : memref<1x128xi32, #tpu.memory_space<vmem>> -> memref<128xi32, #tpu.memory_space<vmem>>
        %dma_wait3A_226 = arith.constant 0 : i32
        %dma_wait3A_227 = arith.constant 0 : i32
        %dma_wait3A_228 = tpu.memref_slice %arg11[%dma_wait3A_226, %dma_wait3A_227] : memref<10112x32xf32, #tpu.memory_space<vmem_shared>> -> memref<10112x32xf32, #tpu.memory_space<vmem_shared>>
        tpu.wait_indirect_dma semaphore(%run_scoped3A_208 : memref<!tpu.dma_semaphore, #tpu.memory_space<semaphore_mem>>) src(%dma_wait3A_222 : memref<128x32xf32, #tpu.memory_space<vmem>>) dst(%dma_wait3A_228 : memref<10112x32xf32, #tpu.memory_space<vmem_shared>>)
        tpu.yield
      }) : () -> ()
      %add3A_183 = arith.constant 2 : i32
      %add3A_184 = arith.addi %add3A_172, %add3A_183 : i32
      %lt3A = arith.constant 80 : i32
      %lt3A_185 = arith.cmpi slt, %add3A_184, %lt3A : i32
      %convert_element_type3A = arith.extui %lt3A_185 : i1 to i32
      %cond3A = arith.constant 0 : i32
      %cond3A_186 = arith.cmpi ne, %convert_element_type3A, %cond3A : i32
      scf.if %cond3A_186 {
        %dma_start3A_208 = arith.constant 0 : i32
        %dma_start3A_209 = arith.constant 0 : i32
        %dma_start3A_210 = arith.constant 0 : i32
        %dma_start3A_211 = tpu.memref_slice %arg9[%dma_start3A_208, %dma_start3A_209, %dma_start3A_210] : memref<2x128x32xf32, #tpu.memory_space<vmem>> -> memref<1x128x32xf32, #tpu.memory_space<vmem>>
        %dma_start3A_212 = tpu.memref_squeeze %dma_start3A_211 : memref<1x128x32xf32, #tpu.memory_space<vmem>> -> memref<128x32xf32, #tpu.memory_space<vmem>>
        %dma_start3A_213 = arith.constant 0 : i32
        %dma_start3A_214 = tpu.memref_slice %arg7[%add3A_184, %dma_start3A_213] : memref<80x128xi32, #tpu.memory_space<vmem>> -> memref<1x128xi32, #tpu.memory_space<vmem>>
        %dma_start3A_215 = tpu.memref_squeeze %dma_start3A_214 : memref<1x128xi32, #tpu.memory_space<vmem>> -> memref<128xi32, #tpu.memory_space<vmem>>
        %dma_start3A_216 = arith.constant 0 : i32
        %dma_start3A_217 = arith.constant 0 : i32
        %dma_start3A_218 = tpu.memref_slice %arg12[%dma_start3A_216, %dma_start3A_217] : memref<10000x32xf32, #tpu.memory_space<vmem_shared>> -> memref<10000x32xf32, #tpu.memory_space<vmem_shared>>
        tpu.enqueue_indirect_dma source(%dma_start3A_218 : memref<10000x32xf32, #tpu.memory_space<vmem_shared>>) target(%dma_start3A_212 : memref<128x32xf32, #tpu.memory_space<vmem>>) offsets(%dma_start3A_215 : memref<128xi32, #tpu.memory_space<vmem>>) semaphore(%arg13 : memref<!tpu.dma_semaphore, #tpu.memory_space<semaphore_mem>>)
      } else {
      }
      %add3A_187 = arith.constant 1 : i32
      %add3A_188 = arith.addi %mul3A_170, %add3A_187 : i32
      %dma_wait3A_189 = arith.constant 1 : i32
      %dma_wait3A_190 = arith.constant 0 : i32
      %dma_wait3A_191 = arith.constant 0 : i32
      %dma_wait3A_192 = tpu.memref_slice %arg9[%dma_wait3A_189, %dma_wait3A_190, %dma_wait3A_191] : memref<2x128x32xf32, #tpu.memory_space<vmem>> -> memref<1x128x32xf32, #tpu.memory_space<vmem>>
      %dma_wait3A_193 = tpu.memref_squeeze %dma_wait3A_192 : memref<1x128x32xf32, #tpu.memory_space<vmem>> -> memref<128x32xf32, #tpu.memory_space<vmem>>
      %dma_wait3A_194 = arith.constant 0 : i32
      %dma_wait3A_195 = tpu.memref_slice %arg7[%add3A_188, %dma_wait3A_194] : memref<80x128xi32, #tpu.memory_space<vmem>> -> memref<1x128xi32, #tpu.memory_space<vmem>>
      %dma_wait3A_196 = tpu.memref_squeeze %dma_wait3A_195 : memref<1x128xi32, #tpu.memory_space<vmem>> -> memref<128xi32, #tpu.memory_space<vmem>>
      %dma_wait3A_197 = arith.constant 0 : i32
      %dma_wait3A_198 = arith.constant 0 : i32
      %dma_wait3A_199 = tpu.memref_slice %arg12[%dma_wait3A_197, %dma_wait3A_198] : memref<10000x32xf32, #tpu.memory_space<vmem_shared>> -> memref<10000x32xf32, #tpu.memory_space<vmem_shared>>
      tpu.wait_indirect_dma semaphore(%arg14 : memref<!tpu.dma_semaphore, #tpu.memory_space<semaphore_mem>>) src(%dma_wait3A_199 : memref<10000x32xf32, #tpu.memory_space<vmem_shared>>) dst(%dma_wait3A_193 : memref<128x32xf32, #tpu.memory_space<vmem>>)
      %run_scoped3A_200 = arith.constant 1 : i32
      "tpu.region"() ({
        %run_scoped3A_208 = tpu.sem_alloc : memref<!tpu.dma_semaphore, #tpu.memory_space<semaphore_mem>>
        %dma_start3A_209 = arith.constant 0 : i32
        %dma_start3A_210 = arith.constant 0 : i32
        %dma_start3A_211 = tpu.memref_slice %arg9[%run_scoped3A_200, %dma_start3A_209, %dma_start3A_210] : memref<2x128x32xf32, #tpu.memory_space<vmem>> -> memref<1x128x32xf32, #tpu.memory_space<vmem>>
        %dma_start3A_212 = tpu.memref_squeeze %dma_start3A_211 : memref<1x128x32xf32, #tpu.memory_space<vmem>> -> memref<128x32xf32, #tpu.memory_space<vmem>>
        %dma_start3A_213 = arith.constant 0 : i32
        %dma_start3A_214 = tpu.memref_slice %arg8[%add3A_188, %dma_start3A_213] : memref<80x128xi32, #tpu.memory_space<vmem>> -> memref<1x128xi32, #tpu.memory_space<vmem>>
        %dma_start3A_215 = tpu.memref_squeeze %dma_start3A_214 : memref<1x128xi32, #tpu.memory_space<vmem>> -> memref<128xi32, #tpu.memory_space<vmem>>
        %dma_start3A_216 = arith.constant 0 : i32
        %dma_start3A_217 = arith.constant 0 : i32
        %dma_start3A_218 = tpu.memref_slice %arg11[%dma_start3A_216, %dma_start3A_217] : memref<10112x32xf32, #tpu.memory_space<vmem_shared>> -> memref<10112x32xf32, #tpu.memory_space<vmem_shared>>
        tpu.enqueue_indirect_dma source(%dma_start3A_212 : memref<128x32xf32, #tpu.memory_space<vmem>>) target(%dma_start3A_218 : memref<10112x32xf32, #tpu.memory_space<vmem_shared>>) offsets(%dma_start3A_215 : memref<128xi32, #tpu.memory_space<vmem>>) semaphore(%run_scoped3A_208 : memref<!tpu.dma_semaphore, #tpu.memory_space<semaphore_mem>>) {add = true}
        %dma_wait3A_219 = arith.constant 0 : i32
        %dma_wait3A_220 = arith.constant 0 : i32
        %dma_wait3A_221 = tpu.memref_slice %arg9[%run_scoped3A_200, %dma_wait3A_219, %dma_wait3A_220] : memref<2x128x32xf32, #tpu.memory_space<vmem>> -> memref<1x128x32xf32, #tpu.memory_space<vmem>>
        %dma_wait3A_222 = tpu.memref_squeeze %dma_wait3A_221 : memref<1x128x32xf32, #tpu.memory_space<vmem>> -> memref<128x32xf32, #tpu.memory_space<vmem>>
        %dma_wait3A_223 = arith.constant 0 : i32
        %dma_wait3A_224 = tpu.memref_slice %arg8[%add3A_188, %dma_wait3A_223] : memref<80x128xi32, #tpu.memory_space<vmem>> -> memref<1x128xi32, #tpu.memory_space<vmem>>
        %dma_wait3A_225 = tpu.memref_squeeze %dma_wait3A_224 : memref<1x128xi32, #tpu.memory_space<vmem>> -> memref<128xi32, #tpu.memory_space<vmem>>
        %dma_wait3A_226 = arith.constant 0 : i32
        %dma_wait3A_227 = arith.constant 0 : i32
        %dma_wait3A_228 = tpu.memref_slice %arg11[%dma_wait3A_226, %dma_wait3A_227] : memref<10112x32xf32, #tpu.memory_space<vmem_shared>> -> memref<10112x32xf32, #tpu.memory_space<vmem_shared>>
        tpu.wait_indirect_dma semaphore(%run_scoped3A_208 : memref<!tpu.dma_semaphore, #tpu.memory_space<semaphore_mem>>) src(%dma_wait3A_222 : memref<128x32xf32, #tpu.memory_space<vmem>>) dst(%dma_wait3A_228 : memref<10112x32xf32, #tpu.memory_space<vmem_shared>>)
        tpu.yield
      }) : () -> ()
      %add3A_201 = arith.constant 2 : i32
      %add3A_202 = arith.addi %add3A_188, %add3A_201 : i32
      %lt3A_203 = arith.constant 80 : i32
      %lt3A_204 = arith.cmpi slt, %add3A_202, %lt3A_203 : i32
      %convert_element_type3A_205 = arith.extui %lt3A_204 : i1 to i32
      %cond3A_206 = arith.constant 0 : i32
      %cond3A_207 = arith.cmpi ne, %convert_element_type3A_205, %cond3A_206 : i32
      scf.if %cond3A_207 {
        %dma_start3A_208 = arith.constant 1 : i32
        %dma_start3A_209 = arith.constant 0 : i32
        %dma_start3A_210 = arith.constant 0 : i32
        %dma_start3A_211 = tpu.memref_slice %arg9[%dma_start3A_208, %dma_start3A_209, %dma_start3A_210] : memref<2x128x32xf32, #tpu.memory_space<vmem>> -> memref<1x128x32xf32, #tpu.memory_space<vmem>>
        %dma_start3A_212 = tpu.memref_squeeze %dma_start3A_211 : memref<1x128x32xf32, #tpu.memory_space<vmem>> -> memref<128x32xf32, #tpu.memory_space<vmem>>
        %dma_start3A_213 = arith.constant 0 : i32
        %dma_start3A_214 = tpu.memref_slice %arg7[%add3A_202, %dma_start3A_213] : memref<80x128xi32, #tpu.memory_space<vmem>> -> memref<1x128xi32, #tpu.memory_space<vmem>>
        %dma_start3A_215 = tpu.memref_squeeze %dma_start3A_214 : memref<1x128xi32, #tpu.memory_space<vmem>> -> memref<128xi32, #tpu.memory_space<vmem>>
        %dma_start3A_216 = arith.constant 0 : i32
        %dma_start3A_217 = arith.constant 0 : i32
        %dma_start3A_218 = tpu.memref_slice %arg12[%dma_start3A_216, %dma_start3A_217] : memref<10000x32xf32, #tpu.memory_space<vmem_shared>> -> memref<10000x32xf32, #tpu.memory_space<vmem_shared>>
        tpu.enqueue_indirect_dma source(%dma_start3A_218 : memref<10000x32xf32, #tpu.memory_space<vmem_shared>>) target(%dma_start3A_212 : memref<128x32xf32, #tpu.memory_space<vmem>>) offsets(%dma_start3A_215 : memref<128xi32, #tpu.memory_space<vmem>>) semaphore(%arg14 : memref<!tpu.dma_semaphore, #tpu.memory_space<semaphore_mem>>)
      } else {
      }
    }
    %scan3A_162 = arith.constant 40 : i32
    %barrier3A_163 = arith.constant 0 : index
    tpu.barrier barrier_id(%barrier3A_163)
    %mul3A_164 = arith.constant 632 : i32
    %mul3A_165 = arith.muli %arg1, %mul3A_164 : i32
    %mul3A_166 = arith.constant 632 : i32
    %mul3A_167 = arith.muli %arg1, %mul3A_166 : i32
    "tpu.region"() ({
      %run_scoped3A = tpu.sem_alloc : memref<!tpu.dma_semaphore, #tpu.memory_space<semaphore_mem>>
      %dma_start3A_168 = arith.constant 96 : i32
      %dma_start3A_169 = tpu.memref_slice %arg6[%arg0, %mul3A_167, %dma_start3A_168] : memref<2x10112x128xf32, #tpu.memory_space<hbm>> -> memref<1x632x32xf32, #tpu.memory_space<hbm>>
      %dma_start3A_170 = tpu.memref_squeeze %dma_start3A_169 : memref<1x632x32xf32, #tpu.memory_space<hbm>> -> memref<632x32xf32, #tpu.memory_space<hbm>>
      %dma_start3A_171 = arith.constant 0 : i32
      %dma_start3A_172 = tpu.memref_slice %arg11[%mul3A_165, %dma_start3A_171] : memref<10112x32xf32, #tpu.memory_space<vmem_shared>> -> memref<632x32xf32, #tpu.memory_space<vmem_shared>>
      tpu.enqueue_dma source(%dma_start3A_172 : memref<632x32xf32, #tpu.memory_space<vmem_shared>>) target(%dma_start3A_170 : memref<632x32xf32, #tpu.memory_space<hbm>>) target_semaphore(%run_scoped3A : memref<!tpu.dma_semaphore, #tpu.memory_space<semaphore_mem>>)
      %dma_wait3A = arith.constant 96 : i32
      %dma_wait3A_173 = tpu.memref_slice %arg6[%arg0, %mul3A_167, %dma_wait3A] : memref<2x10112x128xf32, #tpu.memory_space<hbm>> -> memref<1x632x32xf32, #tpu.memory_space<hbm>>
      %dma_wait3A_174 = tpu.memref_squeeze %dma_wait3A_173 : memref<1x632x32xf32, #tpu.memory_space<hbm>> -> memref<632x32xf32, #tpu.memory_space<hbm>>
      %dma_wait3A_175 = arith.constant 0 : i32
      %dma_wait3A_176 = tpu.memref_slice %arg11[%mul3A_165, %dma_wait3A_175] : memref<10112x32xf32, #tpu.memory_space<vmem_shared>> -> memref<632x32xf32, #tpu.memory_space<vmem_shared>>
      tpu.wait_dma2 semaphore(%run_scoped3A : memref<!tpu.dma_semaphore, #tpu.memory_space<semaphore_mem>>) src(%dma_wait3A_176 : memref<632x32xf32, #tpu.memory_space<vmem_shared>>) dst(%dma_wait3A_174 : memref<632x32xf32, #tpu.memory_space<hbm>>)
      tpu.yield
    }) : () -> ()
    return
  }
}

module attributes {stable_mosaic.version = 14 : i64} {
  func.func @body(%arg0: i32, %arg1: memref<2000x128xf32, #tpu.memory_space<vmem>>, %arg2: memref<128x128xf32, #tpu.memory_space<vmem>>, %arg3: memref<2000x128xf32, #tpu.memory_space<vmem>>) attributes {dimension_semantics = [#tpu.dimension_semantics<arbitrary>], iteration_bounds = array<i64: 5>, scalar_prefetch = 0 : i64, scratch_operands = 0 : i64, tpu.core_type = #tpu.core_type<tc>, window_params = [{transform_indices = @transform_0, window_bounds = array<i64: 2000, 128>}, {pipeline_mode = #tpu.pipeline_mode<synchronous>, transform_indices = @transform_1, window_bounds = array<i64: 128, 128>}, {transform_indices = @transform_2, window_bounds = array<i64: 2000, 128>}]} {
    %get3A = arith.constant 0 : index
    %get3A_0 = arith.constant 0 : index
    %get3A_1 = vector.load %arg1[%get3A, %get3A_0] : memref<2000x128xf32, #tpu.memory_space<vmem>>, vector<2000x128xf32>
    %get3A_2 = arith.constant 0 : index
    %get3A_3 = arith.constant 0 : index
    %get3A_4 = vector.load %arg2[%get3A_2, %get3A_3] : memref<128x128xf32, #tpu.memory_space<vmem>>, vector<128x128xf32>
    %dot_general3A = arith.constant dense<0.000000e+00> : vector<2000x128xf32>
    %dot_general3A_5 = tpu.matmul %get3A_1, %get3A_4, %dot_general3A {dimension_numbers = #tpu.dot_dimension_numbers<[1], [0], [0], [1], [0, 0, 1, 1], [], []>, transpose_lhs_hint = false} : vector<2000x128xf32>, vector<128x128xf32>, vector<2000x128xf32> -> vector<2000x128xf32>
    %swap3A = arith.constant 0 : index
    %swap3A_6 = arith.constant 0 : index
    %swap3A_7 = vector.load %arg3[%swap3A, %swap3A_6] : memref<2000x128xf32, #tpu.memory_space<vmem>>, vector<2000x128xf32>
    tpu.vector_store %arg3[%swap3A, %swap3A_6], %dot_general3A_5 {strides = array<i32>} : memref<2000x128xf32, #tpu.memory_space<vmem>>, vector<2000x128xf32>,
    return
  }
  func.func @transform_0(%arg0: i32) -> (i32, i32) {
    %c0_i32 = arith.constant 0 : i32
    %c0_i32_0 = arith.constant 0 : i32
    return %arg0, %c0_i32 : i32, i32
  }
  func.func @transform_1(%arg0: i32) -> (i32, i32) {
    %c0_i32 = arith.constant 0 : i32
    %c0_i32_0 = arith.constant 0 : i32
    %c0_i32_1 = arith.constant 0 : i32
    return %c0_i32, %c0_i32_0 : i32, i32
  }
  func.func @transform_2(%arg0: i32) -> (i32, i32) {
    %c0_i32 = arith.constant 0 : i32
    %c0_i32_0 = arith.constant 0 : i32
    return %arg0, %c0_i32 : i32, i32
  }
}

module attributes {stable_mosaic.version = 14 : i64} {
  func.func @body(%arg0: i32, %arg1: memref<2x2000x16xf32, #tpu.memory_space<vmem>>, %arg2: memref<2000x128xf32, #tpu.memory_space<vmem>>, %arg3: memref<2000x16xf32, #tpu.memory_space<vmem>>, %arg4: memref<2000x128xf32, #tpu.memory_space<vmem>>) attributes {dimension_semantics = [#tpu.dimension_semantics<arbitrary>], iteration_bounds = array<i64: 5>, scalar_prefetch = 0 : i64, scratch_operands = 0 : i64, tpu.core_type = #tpu.core_type<tc>, window_params = [{transform_indices = @transform_0, window_bounds = array<i64: 2, 2000, 16>}, {transform_indices = @transform_1, window_bounds = array<i64: 2000, 128>}, {transform_indices = @transform_2, window_bounds = array<i64: 2000, 16>}, {transform_indices = @transform_3, window_bounds = array<i64: 2000, 128>}]} {
    %get3A = arith.constant 0 : index
    %get3A_0 = arith.constant 0 : index
    %get3A_1 = arith.constant 0 : index
    %get3A_2 = vector.load %arg1[%get3A, %get3A_0, %get3A_1] : memref<2x2000x16xf32, #tpu.memory_space<vmem>>, vector<1x2000x16xf32>
    %get3A_3 = vector.shape_cast %get3A_2 : vector<1x2000x16xf32> to vector<2000x16xf32>
    %get3A_4 = arith.constant 1 : index
    %get3A_5 = arith.constant 0 : index
    %get3A_6 = arith.constant 0 : index
    %get3A_7 = vector.load %arg1[%get3A_4, %get3A_5, %get3A_6] : memref<2x2000x16xf32, #tpu.memory_space<vmem>>, vector<1x2000x16xf32>
    %get3A_8 = vector.shape_cast %get3A_7 : vector<1x2000x16xf32> to vector<2000x16xf32>
    %add3A = arith.addf %get3A_3, %get3A_8 : vector<2000x16xf32>
    %add3A_9 = arith.constant 1.000000e+00 : f32
    %add3A_10 = vector.broadcast %add3A_9 : f32 to vector<2000x16xf32>
    %add3A_11 = arith.addf %add3A, %add3A_10 : vector<2000x16xf32>
    %max3A = arith.constant 9.99999996E-13 : f32
    %max3A_12 = vector.broadcast %max3A : f32 to vector<2000x16xf32>
    %max3A_13 = arith.maximumf %add3A_11, %max3A_12 : vector<2000x16xf32>
    %rsqrt3A = math.rsqrt %max3A_13 : vector<2000x16xf32>
    %swap3A = arith.constant 0 : index
    %swap3A_14 = arith.constant 0 : index
    %swap3A_15 = vector.load %arg3[%swap3A, %swap3A_14] : memref<2000x16xf32, #tpu.memory_space<vmem>>, vector<2000x16xf32>
    tpu.vector_store %arg3[%swap3A, %swap3A_14], %rsqrt3A {strides = array<i32>} : memref<2000x16xf32, #tpu.memory_space<vmem>>, vector<2000x16xf32>,
    %slice3A = vector.extract_strided_slice %rsqrt3A {offsets = [0, 0], sizes = [2000, 1], strides = [1, 1]} : vector<2000x16xf32> to vector<2000x1xf32>
    %broadcast_in_dim3A = vector.shape_cast %slice3A : vector<2000x1xf32> to vector<2000x1xf32>
    %broadcast_in_dim3A_16 = vector.broadcast %broadcast_in_dim3A : vector<2000x1xf32> to vector<2000x128xf32>
    %get3A_17 = arith.constant 0 : index
    %get3A_18 = arith.constant 0 : index
    %get3A_19 = vector.load %arg2[%get3A_17, %get3A_18] : memref<2000x128xf32, #tpu.memory_space<vmem>>, vector<2000x128xf32>
    %mul3A = arith.mulf %broadcast_in_dim3A_16, %get3A_19 : vector<2000x128xf32>
    %swap3A_20 = arith.constant 0 : index
    %swap3A_21 = arith.constant 0 : index
    %swap3A_22 = vector.load %arg4[%swap3A_20, %swap3A_21] : memref<2000x128xf32, #tpu.memory_space<vmem>>, vector<2000x128xf32>
    tpu.vector_store %arg4[%swap3A_20, %swap3A_21], %mul3A {strides = array<i32>} : memref<2000x128xf32, #tpu.memory_space<vmem>>, vector<2000x128xf32>,
    return
  }
  func.func @transform_0(%arg0: i32) -> (i32, i32, i32) {
    %c0_i32 = arith.constant 0 : i32
    %c0_i32_0 = arith.constant 0 : i32
    %c0_i32_1 = arith.constant 0 : i32
    return %c0_i32, %arg0, %c0_i32_0 : i32, i32, i32
  }
  func.func @transform_1(%arg0: i32) -> (i32, i32) {
    %c0_i32 = arith.constant 0 : i32
    %c0_i32_0 = arith.constant 0 : i32
    return %arg0, %c0_i32 : i32, i32
  }
  func.func @transform_2(%arg0: i32) -> (i32, i32) {
    %c0_i32 = arith.constant 0 : i32
    %c0_i32_0 = arith.constant 0 : i32
    return %arg0, %c0_i32 : i32, i32
  }
  func.func @transform_3(%arg0: i32) -> (i32, i32) {
    %c0_i32 = arith.constant 0 : i32
    %c0_i32_0 = arith.constant 0 : i32
    return %arg0, %c0_i32 : i32, i32
  }
}

module attributes {stable_mosaic.version = 14 : i64} {
  func.func @body(%arg0: i32, %arg1: memref<2x2000x128xf32, #tpu.memory_space<vmem>>, %arg2: memref<2000x128xf32, #tpu.memory_space<vmem>>, %arg3: memref<2000x16xf32, #tpu.memory_space<vmem>>, %arg4: memref<1x128xf32, #tpu.memory_space<vmem>>, %arg5: memref<128x16xf32, #tpu.memory_space<vmem>>, %arg6: memref<2000x16xf32, #tpu.memory_space<vmem>>) attributes {dimension_semantics = [#tpu.dimension_semantics<arbitrary>], iteration_bounds = array<i64: 5>, scalar_prefetch = 0 : i64, scratch_operands = 0 : i64, tpu.core_type = #tpu.core_type<tc>, window_params = [{transform_indices = @transform_0, window_bounds = array<i64: 2, 2000, 128>}, {transform_indices = @transform_1, window_bounds = array<i64: 2000, 128>}, {transform_indices = @transform_2, window_bounds = array<i64: 2000, 16>}, {pipeline_mode = #tpu.pipeline_mode<synchronous>, transform_indices = @transform_3, window_bounds = array<i64: 1, 128>}, {pipeline_mode = #tpu.pipeline_mode<synchronous>, transform_indices = @transform_4, window_bounds = array<i64: 128, 16>}, {transform_indices = @transform_5, window_bounds = array<i64: 2000, 16>}]} {
    %get3A = arith.constant 0 : index
    %get3A_0 = arith.constant 0 : index
    %get3A_1 = arith.constant 0 : index
    %get3A_2 = vector.load %arg1[%get3A, %get3A_0, %get3A_1] : memref<2x2000x128xf32, #tpu.memory_space<vmem>>, vector<1x2000x128xf32>
    %get3A_3 = vector.shape_cast %get3A_2 : vector<1x2000x128xf32> to vector<2000x128xf32>
    %get3A_4 = arith.constant 1 : index
    %get3A_5 = arith.constant 0 : index
    %get3A_6 = arith.constant 0 : index
    %get3A_7 = vector.load %arg1[%get3A_4, %get3A_5, %get3A_6] : memref<2x2000x128xf32, #tpu.memory_space<vmem>>, vector<1x2000x128xf32>
    %get3A_8 = vector.shape_cast %get3A_7 : vector<1x2000x128xf32> to vector<2000x128xf32>
    %add3A = arith.addf %get3A_3, %get3A_8 : vector<2000x128xf32>
    %get3A_9 = arith.constant 0 : index
    %get3A_10 = arith.constant 0 : index
    %get3A_11 = vector.load %arg3[%get3A_9, %get3A_10] : memref<2000x16xf32, #tpu.memory_space<vmem>>, vector<2000x1xf32>
    %broadcast_in_dim3A = vector.shape_cast %get3A_11 : vector<2000x1xf32> to vector<2000x1xf32>
    %broadcast_in_dim3A_12 = vector.broadcast %broadcast_in_dim3A : vector<2000x1xf32> to vector<2000x128xf32>
    %get3A_13 = arith.constant 0 : index
    %get3A_14 = arith.constant 0 : index
    %get3A_15 = vector.load %arg2[%get3A_13, %get3A_14] : memref<2000x128xf32, #tpu.memory_space<vmem>>, vector<2000x128xf32>
    %add3A_16 = arith.addf %add3A, %get3A_15 : vector<2000x128xf32>
    %mul3A = arith.mulf %broadcast_in_dim3A_12, %add3A_16 : vector<2000x128xf32>
    %get3A_17 = arith.constant 0 : index
    %get3A_18 = arith.constant 0 : index
    %get3A_19 = vector.load %arg4[%get3A_17, %get3A_18] : memref<1x128xf32, #tpu.memory_space<vmem>>, vector<1x128xf32>
    %add3A_20 = vector.broadcast %get3A_19 : vector<1x128xf32> to vector<2000x128xf32>
    %add3A_21 = arith.addf %mul3A, %add3A_20 : vector<2000x128xf32>
    %max3A = arith.constant 0.000000e+00 : f32
    %max3A_22 = vector.broadcast %max3A : f32 to vector<2000x128xf32>
    %max3A_23 = arith.maximumf %add3A_21, %max3A_22 : vector<2000x128xf32>
    %get3A_24 = arith.constant 0 : index
    %get3A_25 = arith.constant 0 : index
    %get3A_26 = vector.load %arg5[%get3A_24, %get3A_25] : memref<128x16xf32, #tpu.memory_space<vmem>>, vector<128x16xf32>
    %dot_general3A = arith.constant dense<0.000000e+00> : vector<2000x16xf32>
    %dot_general3A_27 = tpu.matmul %max3A_23, %get3A_26, %dot_general3A {dimension_numbers = #tpu.dot_dimension_numbers<[1], [0], [0], [1], [0, 0, 1, 1], [], []>, transpose_lhs_hint = false} : vector<2000x128xf32>, vector<128x16xf32>, vector<2000x16xf32> -> vector<2000x16xf32>
    %get3A_28 = arith.constant 0 : index
    %get3A_29 = arith.constant 0 : index
    %get3A_30 = vector.load %arg3[%get3A_28, %get3A_29] : memref<2000x16xf32, #tpu.memory_space<vmem>>, vector<2000x16xf32>
    %mul3A_31 = arith.mulf %dot_general3A_27, %get3A_30 : vector<2000x16xf32>
    %swap3A = arith.constant 0 : index
    %swap3A_32 = arith.constant 0 : index
    %swap3A_33 = vector.load %arg6[%swap3A, %swap3A_32] : memref<2000x16xf32, #tpu.memory_space<vmem>>, vector<2000x16xf32>
    tpu.vector_store %arg6[%swap3A, %swap3A_32], %mul3A_31 {strides = array<i32>} : memref<2000x16xf32, #tpu.memory_space<vmem>>, vector<2000x16xf32>,
    return
  }
  func.func @transform_0(%arg0: i32) -> (i32, i32, i32) {
    %c0_i32 = arith.constant 0 : i32
    %c0_i32_0 = arith.constant 0 : i32
    %c0_i32_1 = arith.constant 0 : i32
    return %c0_i32, %arg0, %c0_i32_0 : i32, i32, i32
  }
  func.func @transform_1(%arg0: i32) -> (i32, i32) {
    %c0_i32 = arith.constant 0 : i32
    %c0_i32_0 = arith.constant 0 : i32
    return %arg0, %c0_i32 : i32, i32
  }
  func.func @transform_2(%arg0: i32) -> (i32, i32) {
    %c0_i32 = arith.constant 0 : i32
    %c0_i32_0 = arith.constant 0 : i32
    return %arg0, %c0_i32 : i32, i32
  }
  func.func @transform_3(%arg0: i32) -> (i32, i32) {
    %c0_i32 = arith.constant 0 : i32
    %c0_i32_0 = arith.constant 0 : i32
    %c0_i32_1 = arith.constant 0 : i32
    return %c0_i32, %c0_i32_0 : i32, i32
  }
  func.func @transform_4(%arg0: i32) -> (i32, i32) {
    %c0_i32 = arith.constant 0 : i32
    %c0_i32_0 = arith.constant 0 : i32
    %c0_i32_1 = arith.constant 0 : i32
    return %c0_i32, %c0_i32_0 : i32, i32
  }
  func.func @transform_5(%arg0: i32) -> (i32, i32) {
    %c0_i32 = arith.constant 0 : i32
    %c0_i32_0 = arith.constant 0 : i32
    return %arg0, %c0_i32 : i32, i32
  }
}

module attributes {stable_mosaic.version = 14 : i64} {
  func.func @body(%arg0: i32, %arg1: memref<2x2000x16xf32, #tpu.memory_space<vmem>>, %arg2: memref<2000x16xf32, #tpu.memory_space<vmem>>, %arg3: memref<2000x16xf32, #tpu.memory_space<vmem>>, %arg4: memref<1x16xf32, #tpu.memory_space<vmem>>, %arg5: memref<2000x16xf32, #tpu.memory_space<vmem>>) attributes {dimension_semantics = [#tpu.dimension_semantics<arbitrary>], iteration_bounds = array<i64: 5>, scalar_prefetch = 0 : i64, scratch_operands = 0 : i64, tpu.core_type = #tpu.core_type<tc>, window_params = [{transform_indices = @transform_0, window_bounds = array<i64: 2, 2000, 16>}, {transform_indices = @transform_1, window_bounds = array<i64: 2000, 16>}, {transform_indices = @transform_2, window_bounds = array<i64: 2000, 16>}, {pipeline_mode = #tpu.pipeline_mode<synchronous>, transform_indices = @transform_3, window_bounds = array<i64: 1, 16>}, {transform_indices = @transform_4, window_bounds = array<i64: 2000, 16>}]} {
    %get3A = arith.constant 0 : index
    %get3A_0 = arith.constant 0 : index
    %get3A_1 = vector.load %arg3[%get3A, %get3A_0] : memref<2000x16xf32, #tpu.memory_space<vmem>>, vector<2000x16xf32>
    %get3A_2 = arith.constant 0 : index
    %get3A_3 = arith.constant 0 : index
    %get3A_4 = arith.constant 0 : index
    %get3A_5 = vector.load %arg1[%get3A_2, %get3A_3, %get3A_4] : memref<2x2000x16xf32, #tpu.memory_space<vmem>>, vector<1x2000x16xf32>
    %get3A_6 = vector.shape_cast %get3A_5 : vector<1x2000x16xf32> to vector<2000x16xf32>
    %get3A_7 = arith.constant 1 : index
    %get3A_8 = arith.constant 0 : index
    %get3A_9 = arith.constant 0 : index
    %get3A_10 = vector.load %arg1[%get3A_7, %get3A_8, %get3A_9] : memref<2x2000x16xf32, #tpu.memory_space<vmem>>, vector<1x2000x16xf32>
    %get3A_11 = vector.shape_cast %get3A_10 : vector<1x2000x16xf32> to vector<2000x16xf32>
    %add3A = arith.addf %get3A_6, %get3A_11 : vector<2000x16xf32>
    %get3A_12 = arith.constant 0 : index
    %get3A_13 = arith.constant 0 : index
    %get3A_14 = vector.load %arg2[%get3A_12, %get3A_13] : memref<2000x16xf32, #tpu.memory_space<vmem>>, vector<2000x16xf32>
    %add3A_15 = arith.addf %add3A, %get3A_14 : vector<2000x16xf32>
    %mul3A = arith.mulf %get3A_1, %add3A_15 : vector<2000x16xf32>
    %get3A_16 = arith.constant 0 : index
    %get3A_17 = arith.constant 0 : index
    %get3A_18 = vector.load %arg4[%get3A_16, %get3A_17] : memref<1x16xf32, #tpu.memory_space<vmem>>, vector<1x16xf32>
    %add3A_19 = vector.broadcast %get3A_18 : vector<1x16xf32> to vector<2000x16xf32>
    %add3A_20 = arith.addf %mul3A, %add3A_19 : vector<2000x16xf32>
    %reduce_max3A = arith.constant dense<0xFF800000> : vector<2000xf32>
    %reduce_max3A_21 = vector.multi_reduction <maximumf>, %add3A_20, %reduce_max3A [1] : vector<2000x16xf32> to vector<2000xf32>
    %broadcast_in_dim3A = vector.shape_cast %reduce_max3A_21 : vector<2000xf32> to vector<2000x1xf32>
    %sub3A = vector.broadcast %broadcast_in_dim3A : vector<2000x1xf32> to vector<2000x16xf32>
    %sub3A_22 = arith.subf %add3A_20, %sub3A : vector<2000x16xf32>
    %exp3A = math.exp %sub3A_22 : vector<2000x16xf32>
    %reduce_sum3A = arith.constant dense<0.000000e+00> : vector<2000xf32>
    %reduce_sum3A_23 = vector.multi_reduction <add>, %exp3A, %reduce_sum3A [1] : vector<2000x16xf32> to vector<2000xf32>
    %broadcast_in_dim3A_24 = vector.shape_cast %reduce_sum3A_23 : vector<2000xf32> to vector<2000x1xf32>
    %log3A = math.log %broadcast_in_dim3A_24 : vector<2000x1xf32>
    %add3A_25 = arith.addf %log3A, %broadcast_in_dim3A : vector<2000x1xf32>
    %sub3A_26 = vector.broadcast %add3A_25 : vector<2000x1xf32> to vector<2000x16xf32>
    %sub3A_27 = arith.subf %add3A_20, %sub3A_26 : vector<2000x16xf32>
    %swap3A = arith.constant 0 : index
    %swap3A_28 = arith.constant 0 : index
    %swap3A_29 = vector.load %arg5[%swap3A, %swap3A_28] : memref<2000x16xf32, #tpu.memory_space<vmem>>, vector<2000x16xf32>
    tpu.vector_store %arg5[%swap3A, %swap3A_28], %sub3A_27 {strides = array<i32>} : memref<2000x16xf32, #tpu.memory_space<vmem>>, vector<2000x16xf32>,
    return
  }
  func.func @transform_0(%arg0: i32) -> (i32, i32, i32) {
    %c0_i32 = arith.constant 0 : i32
    %c0_i32_0 = arith.constant 0 : i32
    %c0_i32_1 = arith.constant 0 : i32
    return %c0_i32, %arg0, %c0_i32_0 : i32, i32, i32
  }
  func.func @transform_1(%arg0: i32) -> (i32, i32) {
    %c0_i32 = arith.constant 0 : i32
    %c0_i32_0 = arith.constant 0 : i32
    return %arg0, %c0_i32 : i32, i32
  }
  func.func @transform_2(%arg0: i32) -> (i32, i32) {
    %c0_i32 = arith.constant 0 : i32
    %c0_i32_0 = arith.constant 0 : i32
    return %arg0, %c0_i32 : i32, i32
  }
  func.func @transform_3(%arg0: i32) -> (i32, i32) {
    %c0_i32 = arith.constant 0 : i32
    %c0_i32_0 = arith.constant 0 : i32
    %c0_i32_1 = arith.constant 0 : i32
    return %c0_i32, %c0_i32_0 : i32, i32
  }
  func.func @transform_4(%arg0: i32) -> (i32, i32) {
    %c0_i32 = arith.constant 0 : i32
    %c0_i32_0 = arith.constant 0 : i32
    return %arg0, %c0_i32 : i32, i32
  }
}

</mosaic_0001>

<sc_bundles>
// kernel: kernel.12.cloned.1.call-start
scs
__scs_entry_jumppad:
0x0: {  	(pc) =	sbr.rel $0x88, $3  }
0x1: {  	(tag) =	ssettag $0x0;
	lr =	simm.s32 $0x1  }
0x2: {  	[smem:$0x3F9B] =	sst lr;
	_ =	strace $0xD0000000  }
0x3: {  	_ = 	snop  }
0x4: {  	_ = 	snop  }
0x5: {  	_ = 	snop  }
0x6: {  	_ = 	snop  }
0x7: {  	_ = 	snop  }
__scs_overlays_trampoline_lowered:
0x8: {  	[smem:$0x3FAA] =	sst s0  }
0x9: {  	[smem:$0x3FAB] =	sst s1  }
0xa: {  	[smem:$0x3FAC] =	sst s2  }
0xb: {  	[smem:$0x3FAD] =	sst s3  }
0xc: {  	[smem:$0x3FAE] =	sst s4  }
0xd: {  	[smem:$0x3FAF] =	sst s5  }
0xe: {  	[smem:$0x3FB0] =	sst s6  }
0xf: {  	[smem:$0x3FB1] =	sst s7  }
0x10: {  	[smem:$0x3FB2] =	sst s8  }
0x11: {  	[smem:$0x3FB3] =	sst s9;
	s0 =	simm.s32 @!p0 $0x0  }
0x12: {  	s1 =	sld [smem:$0x3F99];
	s0 =	simm.s32 @p0 $0x1  }
0x13: {  	[smem:$0x3FB4] =	sst s0;
	s0 =	simm.s32 @!p1 $0x0  }
0x14: {  	s2 =	sld [smem:$0x3F98];
	s0 =	simm.s32 @p1 $0x1  }
0x15: {  	[smem:$0x3FB5] =	sst s0;
	s0 =	simm.s32 @!p2 $0x0  }
0x16: {  	s3 =	sld [smem:$0x3FDB];
	s0 =	simm.s32 @p2 $0x1  }
0x17: {  	s4 =	simm.s32 $0x1BF5;
	[smem:$0x3FB7] =	sst s0  }
0x18: {  	s0 =	sld [smem:$0x3F9A];
	_ =	swait.ge [sflag:s4], $0x0  }
0x19: {  	s7 =	sld [smem:$0x3F9B]  }
0x1a: {  	s8 =	sadd.s32 $0xFFFFE003, lr  }
0x1b: {  	s9 =	sadd.s32 $0xFFFFFEF7, lr;
	s5 =	simm.s32 $0xFFFFFFFF;
	p2 =	slt.u32 s8, $0xFFFFF086  }
0x1c: {  	p1 =	slt.u32 s9, $0xF7A;
	s5 =	simm.s32 @!p2 $0x0  }
0x1d: {  	s5 =	simm.s32 @p1 $0x1;
	p0 =	seq.s32 s7, s2  }
0x1e: {  	s7 =	smul.u32 @!p0 $0xF7A, s2;
	p2 =	seq.s32 @!p0 s5, $0x0  }
0x1f: {  	s9 =	smul.u32 $0xF7A, s1;
	s8 =	simm.s32 @!p0 $0x1BF5;
	p2 =	por !p2, p0  }
0x20: {  	[sflag:s8] =	ssyncset.s32 @!p0 $0xFFFFF086;
	s6 =	sadd.s32 @!p0 s3, s7;
	s7 =	simm.s32 @!p0 $0x108  }
0x21: {  	s3 =	sadd.s32 s3, s9;
	s6 =	sadd.s32 @!p0 $0x88, s6;
	s7 =	simm.s32 @p2 $0x1082  }
0x22: {  	[simem:s7], [sflag:s8] =	dma.local @!p0 [hbm:s6], $0xF7A  }
0x23: {  	s9 =	sor.u32 $0xD0000000, s2;
	s6 =	simm.s32 $0x108;
	_ =	swait.ge @!p0 [sflag:s8], $0x0  }
0x24: {  	s3 =	sadd.s32 $0x88, s3;
	s6 =	simm.s32 @!p1 $0x1082;
	[sflag:s4] =	ssyncset.s32 $0xFFFFF086  }
0x25: {  	[simem:s6], [sflag:s4] =	dma.local [hbm:s3], $0xF7A  }
0x26: {  	[smem:$0x3F9B] =	sst s1;
	(tag) =	ssettag s2;
	_ =	strace s9  }
0x27: {  	s1 =	sld [smem:$0x3FAB]  }
0x28: {  	s2 =	sld [smem:$0x3FAC]  }
0x29: {  	s4 =	sld [smem:$0x3FAE]  }
0x2a: {  	p0 =	seq.s32 s5, $0x0;
	s5 =	sld [smem:$0x3FAF]  }
0x2b: {  	s6 =	sld [smem:$0x3FB0]  }
0x2c: {  	s7 =	sld [smem:$0x3FB1]  }
0x2d: {  	s3 =	simm.s32 $0x108;
	s8 =	sld [smem:$0x3FB2]  }
0x2e: {  	s3 =	simm.s32 @!p0 $0x1082;
	s9 =	sld [smem:$0x3FB3]  }
0x2f: {  	lr =	sadd.s32 s0, s3;
	s0 =	sld [smem:$0x3FAA]  }
0x30: {  	s3 =	sld [smem:$0x3FAD]  }
0x31: {  	[smem:$0x3FB6] =	sst s10  }
0x32: {  	s10 =	sld [smem:$0x3FB4];
	_ =	sdelay $0x3  }
0x33: {  	p0 =	seq.s32 s10, $0x1;
	s10 =	sld [smem:$0x3FB6];
	_ =	sdelay $0x3  }
0x34: {  	[smem:$0x3FB6] =	sst s10  }
0x35: {  	s10 =	sld [smem:$0x3FB5];
	_ =	sdelay $0x3  }
0x36: {  	p1 =	seq.s32 s10, $0x1;
	s10 =	sld [smem:$0x3FB6];
	_ =	sdelay $0x3  }
0x37: {  	[smem:$0x3FB6] =	sst s10  }
0x38: {  	s10 =	sld [smem:$0x3FB7]  }
0x39: {  	_ = 	snop;
	(pc) =	sbr.ind lr, $3  }
0x3a: {  	_ = 	snop  }
0x3b: {  	_ = 	snop  }
0x3c: {  	p2 =	seq.s32 s10, $0x1;
	s10 =	sld [smem:$0x3FB6]  }
0x3d: {  	_ =	shalt  }
0x3e: {  	_ =	shalt  }
0x3f: {  	_ =	shalt  }
0x40: {  	_ =	shalt  }
0x41: {  	_ =	shalt  }
0x42: {  	_ =	shalt  }
0x43: {  	_ =	shalt  }
0x44: {  	_ =	shalt  }
0x45: {  	_ =	shalt  }
0x46: {  	_ =	shalt  }
0x47: {  	_ =	shalt  }
0x48: {  	_ =	shalt  }
0x49: {  	_ =	shalt  }
0x4a: {  	_ =	shalt  }
0x4b: {  	_ =	shalt  }
0x4c: {  	_ =	shalt  }
0x4d: {  	_ =	shalt  }
0x4e: {  	_ =	shalt  }
0x4f: {  	_ =	shalt  }
0x50: {  	_ =	shalt  }
0x51: {  	_ =	shalt  }
0x52: {  	_ =	shalt  }
0x53: {  	_ =	shalt  }
0x54: {  	_ =	shalt  }
0x55: {  	_ =	shalt  }
0x56: {  	_ =	shalt  }
0x57: {  	_ =	shalt  }
0x58: {  	_ =	shalt  }
0x59: {  	_ =	shalt  }
0x5a: {  	_ =	shalt  }
0x5b: {  	_ =	shalt  }
0x5c: {  	_ =	shalt  }
0x5d: {  	_ =	shalt  }
0x5e: {  	_ =	shalt  }
0x5f: {  	_ =	shalt  }
0x60: {  	_ =	shalt  }
0x61: {  	_ =	shalt  }
0x62: {  	_ =	shalt  }
0x63: {  	_ =	shalt  }
0x64: {  	_ =	shalt  }
0x65: {  	_ =	shalt  }
0x66: {  	_ =	shalt  }
0x67: {  	_ =	shalt  }
0x68: {  	_ =	shalt  }
0x69: {  	_ =	shalt  }
0x6a: {  	_ =	shalt  }
0x6b: {  	_ =	shalt  }
0x6c: {  	_ =	shalt  }
0x6d: {  	_ =	shalt  }
0x6e: {  	_ =	shalt  }
0x6f: {  	_ =	shalt  }
0x70: {  	_ =	shalt  }
0x71: {  	_ =	shalt  }
0x72: {  	_ =	shalt  }
0x73: {  	_ =	shalt  }
0x74: {  	_ =	shalt  }
0x75: {  	_ =	shalt  }
0x76: {  	_ =	shalt  }
0x77: {  	_ =	shalt  }
0x78: {  	_ =	shalt  }
0x79: {  	_ =	shalt  }
0x7a: {  	_ =	shalt  }
0x7b: {  	_ =	shalt  }
0x7c: {  	_ =	shalt  }
0x7d: {  	_ =	shalt  }
0x7e: {  	_ =	shalt  }
0x7f: {  	_ =	shalt  }
0x80: {  	_ =	shalt  }
0x81: {  	_ =	shalt  }
0x82: {  	_ =	shalt  }
0x83: {  	_ =	shalt  }
0x84: {  	_ =	shalt  }
0x85: {  	_ =	shalt  }
0x86: {  	_ =	shalt  }
0x87: {  	_ =	shalt  }
.Lfunc_end0:
.L_simem_size_0:
called_computation.1_lowered:
.L_overlay_start_0:
0x88: {  	s2 =	sld [smem:$0x3FD9]  }
0x89: {  	s3 =	sld [smem:$0x3FFE];
	_ =	sdelay $0x1  }
0x8a: {  	s1 =	srdreg.scid  }
0x8b: {  	s0 =	sand.u32 $0x1, s1  }
0x8c: {  	s16 =	sshll.u32 s0, $0xA;
	s2 =	sadd.s32 s3, s2  }
0x8d: {  	s2 =	sadd.s32 s2, s16  }
0x8e: {  	[smem:$0x3FC2] =	sst s2  }
0x8f: {  	_ = 	snop  }
0x90: {  	(tm) =	ssettm $0x1  }
0x91: {  	s17 =	sld [smem:$0x3FFB];
	_ =	sdelay $0x3  }
0x92: {  	_ =	strace s17  }
0x93: {  	s2 =	sld [smem:$0x3FFC];
	_ =	sdelay $0x3  }
0x94: {  	_ =	strace s2  }
0x95: {  	s2 =	sld [smem:$0x3FFD];
	_ =	sdelay $0x3  }
0x96: {  	_ =	strace s2  }
0x97: {  	_ =	strace $0x8FFFFFFF  }
0x98: {  	s18 =	sld [smem:$0x3FDB];
	_ =	sdelay $0x1  }
0x99: {  	s19 =	simm.s32 $_scs_section_size  }
0x9a: {  	s4 =	simm.s32 $_size__tile_overlayer_lowered;
	s5 =	simm.s32 $_tile_overlayer_lowered  }
0x9b: {  	s22 =	simm.s32 $0x1BFF;
	s21 =	sshll.u32 s5, $0x1;
	s2 =	sadd.s32 s19, s18  }
0x9c: {  	s6 =	simm.s32 $0x0;
	s20 =	sshll.u32 s4, $0x1;
	s4 =	sadd.s32 s21, s2  }
0x9d: {  	[timem:s6], [sflag:s22] =	dma.local [hbm:s4], s20  }
0x9e: {  	_ =	swait.ge [sflag:s22], s20  }
0x9f: {  	s3 =	ssub.s32 $0x0, s20;
	[sflag:s22] =	ssyncset.done $0x0  }
0xa0: {  	[sflag:s22] =	ssyncadd.s32 s3;
	_ =	sdelay $0x1  }
0xa1: {  	s23 =	simm.s32 $0x1B8B  }
0xa2: {  	_ =	swait.ge [sflag:s23], $0x1  }
0xa3: {  	[sflag:s23] =	ssyncset.done $0x0  }
0xa4: {  	s25 =	simm.s32 $0x1B8E;
	s24 =	sld [smem:$0x3FFE];
	[sflag:s23] =	ssyncadd.s32 $0xFFFFFFFF  }
0xa5: {  	s26 =	simm.s32 $execute0_lowered;
	[smem:$0x3FD2] =	sst s25  }
0xa6: {  	s4 =	sshll.u32 s26, $0x1;
	_ =	strace $0x80000049;
	[dreg:$0x1] =	wrdreg $0xFFFFFFFF  }
0xa7: {  	s28 =	simm.s32 $_size_execute0_lowered;
	s2 =	sadd.s32 s2, s4;
	[dreg:$0x0] =	wrdreg $0x0  }
0xa8: {  	s4 =	sshll.u32 s28, $0x1;
	[dreg:$0x2] =	wrdreg s2  }
0xa9: {  	[dreg:$0x3] =	wrdreg s4  }
0xaa: {  	[dreg:$0x4] =	wrdreg $0xC0  }
0xab: {  	_ =	task [dreg:s6], $0x5FFFF  }
0xac: {  	[dreg:$0x1] =	wrdreg $0xFFFFFFFF  }
0xad: {  	[dreg:$0x0] =	wrdreg $0x60  }
0xae: {  	[dreg:$0x2] =	wrdreg s24  }
0xaf: {  	[dreg:$0x3] =	wrdreg $0x10E000  }
0xb0: {  	[dreg:$0x4] =	wrdreg $0xBF000  }
0xb1: {  	[dreg:$0x5] =	wrdreg $0x9  }
0xb2: {  	_ =	task.clear_ibuf [dreg:s6], $0x6FFFF;
	_ =	strace $0x90000049  }
0xb3: {  	s29 =	simm.s32 $0x9;
	_ =	strace $0x8000004B  }
0xb4: {  	_ =	swait.ge [sflag:s29], $0x1  }
0xb5: {  	[sflag:s29] =	ssyncadd.s32 $0xFFFFFFFF  }
0xb6: {  	_ =	strace $0x9000004B  }
0xb7: {  	_ =	sfence  }
0xb8: {  	s30 =	sld [smem:$0x0];
	_ =	sdelay $0x2  }
0xb9: {  	s31 =	sshll.u32 s1, $0xD;
	s1 =	sshrl.u32 s1, $0x2  }
0xba: {  	s3 =	sand.u32 $0x4000, s31;
	s1 =	sadd.s32 s1, s30  }
0xbb: {  	s0 =	sor.u32 s3, s0;
	s1 =	sshll.u32 s1, $0x11  }
0xbc: {  	s0 =	sor.u32 s1, s0  }
0xbd: {  	s0 =	sadd.s32 $0x8F2B, s0  }
0xbe: {  	[sflag:s0] =	ssyncadd.remote.s32 $0x1  }
0xbf: {  	_ =	sfence.sel $0xFFFF  }
0xc0: {  	[dreg:$0x0] =	wrdreg $0xFFFFFFFF;
	(pc) =	sbr.abs _section_cstart, $3  }
0xc1: {  	[dreg:$0x1] =	wrdreg $0xFFFFFFFF  }
0xc2: {  	_ =	task.clear_ibuf [dreg:s6], $0x2FFFF;
	_ =	strace $0x9FFFFFFF  }
0xc3: {  	(tm) =	ssettm $0x7FFFFFFF  }
tec
execute0_lowered:
.L_overlay_start_1:
0x0: {  	(tag) =	ssettag $0x1  }
0x1: {  	s0 =	srdreg.scid  }
0x2: {  	s1 =	rddreg [dreg:$0x0];
	s20 =	stileid.u32  }
0x3: {  	s2 =	rddreg [dreg:$0x1];
	s19 =	simm.s32 $0x3;
	s21 =	simm.s32 $0x7000  }
0x4: {  	s28 =	simm.s32 $0x5000;
	s29 =	simm.s32 $0x6000;
	s5 =	smul.u32 $0x13880, s20  }
0x5: {  	s30 =	simm.s32 $0x2;
	s31 =	simm.s32 $0x4F00;
	s9 =	smul.u32 $0x13C00, s20  }
0x6: {  	s0 =	sand.u32 $0x1, s0;
	s10 =	smul.u32 $0x4F00, s20;
	s26 =	sshll.u32 s20, $0x6  }
0x7: {  	s3 =	sshll.u32 s0, $0x4;
	s7 =	smul.u32 $0x13C000, s0;
	s0 =	ssub.s32 $0x2, s0  }
0x8: {  	s4 =	sor.u32 s20, s3;
	s3 =	rddreg [dreg:$0x2];
	s8 =	sshrl.u32 s5, $0x3  }
0x9: {  	s22 =	sshrl.u32 s10, $0x3;
	s23 =	sshrl.u32 s0, $0x1;
	s5 =	sshrl.u32 s5, $0x2  }
0xa: {  	s6 =	smul.u32 $0x500, s4;
	s4 =	simm.s32 $0x0;
	s16 =	sadd.s32 s8, s1  }
0xb: {  	s7 =	sadd.s32 s9, s7;
	s8 =	sadd.s32 s22, s1;
	s0 =	ssub.s32 s0, s23  }
0xc: {  	s5 =	sadd.s32 s5, s2;
	s10 =	sadd.s32 s10, s3;
	s22 =	sor.u32 $0x1C03, s26  }
0xd: {  	s23 =	simm.s32 $0x1;
	s26 =	simm.s32 $0x80;
	[smem:$0x7FF] =	sst s4  }
0xe: {  	s7 =	sshrl.u32 s7, $0x3;
	s25 =	sadd.s32 $0xC000, s8;
	s9 =	sadd.s32 $0x20000, s16  }
0xf: {  	s12 =	sadd.s32 $0x20004, s16;
	s14 =	sadd.s32 $0x20008, s16;
	s16 =	sadd.s32 $0x2000C, s16  }
0x10: {  	s18 =	smax.u32 s0, $0x1;
	s0 =	simm.s32 $0x0;
	_ =	strace $0x8000004A  }
0x11: {  	s6 =	sadd.s32 s6, s1;
	s1 =	sadd.s32 s7, s1;
	[dreg:$0x6] =	wrdreg s25  }
0x12: {  	[dreg:$0x7] =	wrdreg s5;
	s25 =	simm.s32 $0x10;
	s24 =	sadd.s32 $0x16000, s6  }
0x13: {  	s6 =	sadd.s32 $0x2000, s6;
	s11 =	sadd.s32 $0x47200, s1;
	s13 =	sadd.s32 $0x47204, s1  }
0x14: {  	s15 =	sadd.s32 $0x47208, s1;
	s17 =	sadd.s32 $0x4720C, s1;
	[dreg:$0x4] =	wrdreg s24  }
0x15: {  	s1 =	simm.s32 $0x4F80;
	[dreg:$0x5] =	wrdreg s6;
	s24 =	simm.s32 $0x4  }
.LBB2_1:
0x16: {  	s5 =	rddreg [dreg:$0x4]  }
0x17: {  	[tilespmem:s4], [sflag:$0x3] =	stream.linear.gather [hbm4b:s5+s4], $0x2800, $0x38;
	[tilespmem:$0x15C20] =	vst v63  }
0x18: {  	_ =	swait.ge [sflag:s19], $0x2800  }
0x19: {  	[sflag:s19] =	ssyncset.done $0x0  }
0x1a: {  	s6 =	simm.s32 $0x2800;
	s7 =	rddreg [dreg:$0x5];
	[sflag:s19] =	ssyncadd.s32 $0xFFFFD800  }
0x1b: {  	[tilespmem:s6], [sflag:$0x3] =	stream.linear.gather [hbm4b:s7+s4], $0x2800, $0x38;
	[tilespmem:$0x15C20] =	vst v63  }
0x1c: {  	_ =	swait.ge [sflag:s19], $0x2800  }
0x1d: {  	[sflag:s19] =	ssyncset.done $0x0  }
0x1e: {  	s8 =	rddreg [dreg:$0x6];
	[sflag:s19] =	ssyncadd.s32 $0xFFFFD800  }
0x1f: {  	[tilespmem:s21], [sflag:$0x3] =	stream.linear.gather [hbm4b:s8+s4], $0x4F00, $0x38;
	[tilespmem:$0x15C20] =	vst v63  }
0x20: {  	_ =	swait.ge [sflag:s19], $0x4F00  }
0x21: {  	[sflag:s19] =	ssyncset.done $0x0;
	s20 =	rddreg [dreg:$0x7]  }
0x22: {  	[sflag:s19] =	ssyncadd.s32 $0xFFFFB100;
	s20 =	sshrl.u32 s20, $0x3  }
0x23: {  	[spmem:s20@s24], [sflag:s22] =	dma.strided [hbm:s9@s25], $0x9C4, s23, $0x4   }
0x24: {  	_ =	swait.ge [sflag:s19], $0x9C4  }
0x25: {  	[sflag:s19] =	ssyncset.done $0x0  }
0x26: {  	[sflag:s19] =	ssyncadd.s32 $0xFFFFF63C  }
0x27: {  	[spmem:s10] =	stream.linear.scatter [tilespmem:s21], [sflag:$0x3], $0x4F00, $0x38;
	[tilespmem:$0x15C20] =	vst v63  }
0x28: {  	_ =	swait.ge [sflag:s19], $0x4F00  }
0x29: {  	[sflag:s19] =	ssyncset.done $0x0  }
0x2a: {  	[sflag:s19] =	ssyncadd.s32 $0xFFFFB100  }
0x2b: {  	[bflag:$0x0] =	sbarrier.arrive $0xFFFF  }
0x2c: {  	[tilespmem:s28], [sflag:$0x1] =	stream.indirect.gather [spmem:s2], $0x20, s4, s26, $0xb8;
	[tilespmem:$0x15C20] =	vst v63  }
0x2d: {  	_ = 	snop  }
0x2e: {  	[tilespmem:s29], [sflag:$0x2] =	stream.indirect.gather [spmem:s2], $0x20, s26, s26, $0xb8;
	[tilespmem:$0x15C20] =	vst v63  }
0x2f: {  	_ =	swait.ge [sflag:s23], $0x1000  }
0x30: {  	[sflag:s23] =	ssyncset.done $0x0  }
0x31: {  	s6 =	simm.s32 $0x2800;
	[sflag:s23] =	ssyncadd.s32 $0xFFFFF000  }
0x32: {  	[spmem:s3] =	stream.indirect.scatter.add.f32 [tilespmem:s28], [sflag:$0x3], $0x20, s6, s26, $0xb8;
	[tilespmem:$0x15C20] =	vst v63  }
0x33: {  	_ =	swait.ge [sflag:s19], $0x1000  }
0x34: {  	[sflag:s19] =	ssyncset.done $0x0  }
0x35: {  	s7 =	simm.s32 $0x100;
	[sflag:s19] =	ssyncadd.s32 $0xFFFFF000  }
0x36: {  	[tilespmem:s28], [sflag:$0x1] =	stream.indirect.gather [spmem:s2], $0x20, s7, s26, $0xb8;
	[tilespmem:$0x15C20] =	vst v63  }
0x37: {  	_ =	swait.ge [sflag:s30], $0x1000  }
0x38: {  	[sflag:s30] =	ssyncset.done $0x0  }
0x39: {  	s8 =	simm.s32 $0x2880;
	[sflag:s30] =	ssyncadd.s32 $0xFFFFF000  }
0x3a: {  	[spmem:s3] =	stream.indirect.scatter.add.f32 [tilespmem:s29], [sflag:$0x3], $0x20, s8, s26, $0xb8;
	[tilespmem:$0x15C20] =	vst v63  }
0x3b: {  	_ =	swait.ge [sflag:s19], $0x1000  }
0x3c: {  	[sflag:s19] =	ssyncset.done $0x0  }
0x3d: {  	s5 =	simm.s32 $0x400;
	s6 =	simm.s32 $0x180;
	[sflag:s19] =	ssyncadd.s32 $0xFFFFF000  }
.LBB2_2:
0x3e: {  	[tilespmem:s29], [sflag:$0x2] =	stream.indirect.gather [spmem:s2], $0x20, s6, s26, $0xb8;
	[tilespmem:$0x15C20] =	vst v63  }
0x3f: {  	s6 =	smov.u32 s5  }
0x40: {  	p0 =	sne.s32 s5, $0x9800;
	s5 =	sadd.s32 $0x400, s5;
	_ =	swait.ge [sflag:s23], $0x1000  }
0x41: {  	s6 =	sshra.s32 s6, $0x2;
	[sflag:s23] =	ssyncset.done $0x0  }
0x42: {  	s7 =	sadd.s32 $0x2800, s6;
	[sflag:s23] =	ssyncadd.s32 $0xFFFFF000  }
0x43: {  	[spmem:s3] =	stream.indirect.scatter.add.f32 [tilespmem:s28], [sflag:$0x3], $0x20, s7, s26, $0xb8;
	[tilespmem:$0x15C20] =	vst v63  }
0x44: {  	_ =	swait.ge [sflag:s19], $0x1000  }
0x45: {  	[sflag:s19] =	ssyncset.done $0x0  }
0x46: {  	s7 =	sadd.s32 $0x100, s6;
	[sflag:s19] =	ssyncadd.s32 $0xFFFFF000  }
0x47: {  	[tilespmem:s28], [sflag:$0x1] =	stream.indirect.gather [spmem:s2], $0x20, s7, s26, $0xb8;
	[tilespmem:$0x15C20] =	vst v63  }
0x48: {  	_ =	swait.ge [sflag:s30], $0x1000  }
0x49: {  	[sflag:s30] =	ssyncset.done $0x0  }
.Ltmp0:
0x4a: {  	s7 =	sadd.s32 $0x2880, s6;
	[sflag:s30] =	ssyncadd.s32 $0xFFFFF000;
	(pc) =	sbr.rel @p0 .LBB2_2-.Ltmp0, $4  }
0x4b: {  	[spmem:s3] =	stream.indirect.scatter.add.f32 [tilespmem:s29], [sflag:$0x3], $0x20, s7, s26, $0xb8;
	[tilespmem:$0x15C20] =	vst v63  }
0x4c: {  	_ =	swait.ge [sflag:s19], $0x1000  }
0x4d: {  	[sflag:s19] =	ssyncset.done $0x0  }
0x4e: {  	s6 =	sadd.s32 $0x180, s6;
	[sflag:s19] =	ssyncadd.s32 $0xFFFFF000  }
0x4f: {  	[tilespmem:s29], [sflag:$0x2] =	stream.indirect.gather [spmem:s2], $0x20, s6, s26, $0xb8;
	[tilespmem:$0x15C20] =	vst v63  }
0x50: {  	_ =	swait.ge [sflag:s23], $0x1000  }
0x51: {  	[sflag:s23] =	ssyncset.done $0x0  }
0x52: {  	[sflag:s23] =	ssyncadd.s32 $0xFFFFF000  }
0x53: {  	[spmem:s3] =	stream.indirect.scatter.add.f32 [tilespmem:s28], [sflag:$0x3], $0x20, s31, s26, $0xb8;
	[tilespmem:$0x15C20] =	vst v63  }
0x54: {  	_ =	swait.ge [sflag:s19], $0x1000  }
0x55: {  	[sflag:s19] =	ssyncset.done $0x0  }
0x56: {  	[sflag:s19] =	ssyncadd.s32 $0xFFFFF000  }
0x57: {  	_ =	swait.ge [sflag:s30], $0x1000  }
0x58: {  	[sflag:s30] =	ssyncset.done $0x0  }
0x59: {  	[sflag:s30] =	ssyncadd.s32 $0xFFFFF000  }
0x5a: {  	[spmem:s3] =	stream.indirect.scatter.add.f32 [tilespmem:s29], [sflag:$0x3], $0x20, s1, s26, $0xb8;
	[tilespmem:$0x15C20] =	vst v63  }
0x5b: {  	_ =	swait.ge [sflag:s19], $0x1000  }
0x5c: {  	[sflag:s19] =	ssyncset.done $0x0  }
0x5d: {  	[sflag:s19] =	ssyncadd.s32 $0xFFFFF000  }
0x5e: {  	s5 =	sshrl.u32 s10, $0x3;
	[bflag:$0x0] =	sbarrier.arrive $0xFFFF  }
0x5f: {  	[hbm:s11@s25], [sflag:s22] =	dma.strided [spmem:s5@s24], $0x9E0, s23, $0x4   }
0x60: {  	_ =	swait.ge [sflag:s19], $0x9E0  }
0x61: {  	[sflag:s19] =	ssyncset.done $0x0  }
0x62: {  	[sflag:s19] =	ssyncadd.s32 $0xFFFFF620  }
0x63: {  	[spmem:s20@s24], [sflag:s22] =	dma.strided [hbm:s12@s25], $0x9C4, s23, $0x4   }
0x64: {  	_ =	swait.ge [sflag:s19], $0x9C4  }
0x65: {  	[sflag:s19] =	ssyncset.done $0x0  }
0x66: {  	[sflag:s19] =	ssyncadd.s32 $0xFFFFF63C  }
0x67: {  	[spmem:s10] =	stream.linear.scatter [tilespmem:s21], [sflag:$0x3], $0x4F00, $0x38;
	[tilespmem:$0x15C20] =	vst v63  }
0x68: {  	_ =	swait.ge [sflag:s19], $0x4F00  }
0x69: {  	[sflag:s19] =	ssyncset.done $0x0  }
0x6a: {  	[sflag:s19] =	ssyncadd.s32 $0xFFFFB100  }
0x6b: {  	s7 =	simm.s32 $0x0;
	[bflag:$0x0] =	sbarrier.arrive $0xFFFF  }
0x6c: {  	[tilespmem:s28], [sflag:$0x1] =	stream.indirect.gather [spmem:s2], $0x20, s7, s26, $0xb8;
	[tilespmem:$0x15C20] =	vst v63  }
0x6d: {  	_ = 	snop  }
0x6e: {  	[tilespmem:s29], [sflag:$0x2] =	stream.indirect.gather [spmem:s2], $0x20, s26, s26, $0xb8;
	[tilespmem:$0x15C20] =	vst v63  }
0x6f: {  	_ =	swait.ge [sflag:s23], $0x1000  }
0x70: {  	[sflag:s23] =	ssyncset.done $0x0  }
0x71: {  	s8 =	simm.s32 $0x2800;
	[sflag:s23] =	ssyncadd.s32 $0xFFFFF000  }
0x72: {  	[spmem:s3] =	stream.indirect.scatter.add.f32 [tilespmem:s28], [sflag:$0x3], $0x20, s8, s26, $0xb8;
	[tilespmem:$0x15C20] =	vst v63  }
0x73: {  	_ =	swait.ge [sflag:s19], $0x1000  }
0x74: {  	[sflag:s19] =	ssyncset.done $0x0  }
0x75: {  	s7 =	simm.s32 $0x100;
	[sflag:s19] =	ssyncadd.s32 $0xFFFFF000  }
0x76: {  	[tilespmem:s28], [sflag:$0x1] =	stream.indirect.gather [spmem:s2], $0x20, s7, s26, $0xb8;
	[tilespmem:$0x15C20] =	vst v63  }
0x77: {  	_ =	swait.ge [sflag:s30], $0x1000  }
0x78: {  	[sflag:s30] =	ssyncset.done $0x0  }
0x79: {  	s8 =	simm.s32 $0x2880;
	[sflag:s30] =	ssyncadd.s32 $0xFFFFF000  }
0x7a: {  	[spmem:s3] =	stream.indirect.scatter.add.f32 [tilespmem:s29], [sflag:$0x3], $0x20, s8, s26, $0xb8;
	[tilespmem:$0x15C20] =	vst v63  }
0x7b: {  	_ =	swait.ge [sflag:s19], $0x1000  }
0x7c: {  	[sflag:s19] =	ssyncset.done $0x0  }
0x7d: {  	s6 =	simm.s32 $0x400;
	s7 =	simm.s32 $0x180;
	[sflag:s19] =	ssyncadd.s32 $0xFFFFF000  }
.LBB2_4:
0x7e: {  	[tilespmem:s29], [sflag:$0x2] =	stream.indirect.gather [spmem:s2], $0x20, s7, s26, $0xb8;
	[tilespmem:$0x15C20] =	vst v63  }
0x7f: {  	s7 =	smov.u32 s6  }
0x80: {  	p0 =	sne.s32 s6, $0x9800;
	s6 =	sadd.s32 $0x400, s6;
	_ =	swait.ge [sflag:s23], $0x1000  }
0x81: {  	s7 =	sshra.s32 s7, $0x2;
	[sflag:s23] =	ssyncset.done $0x0  }
0x82: {  	s8 =	sadd.s32 $0x2800, s7;
	[sflag:s23] =	ssyncadd.s32 $0xFFFFF000  }
0x83: {  	[spmem:s3] =	stream.indirect.scatter.add.f32 [tilespmem:s28], [sflag:$0x3], $0x20, s8, s26, $0xb8;
	[tilespmem:$0x15C20] =	vst v63  }
0x84: {  	_ =	swait.ge [sflag:s19], $0x1000  }
0x85: {  	[sflag:s19] =	ssyncset.done $0x0  }
0x86: {  	s8 =	sadd.s32 $0x100, s7;
	[sflag:s19] =	ssyncadd.s32 $0xFFFFF000  }
0x87: {  	[tilespmem:s28], [sflag:$0x1] =	stream.indirect.gather [spmem:s2], $0x20, s8, s26, $0xb8;
	[tilespmem:$0x15C20] =	vst v63  }
0x88: {  	_ =	swait.ge [sflag:s30], $0x1000  }
0x89: {  	[sflag:s30] =	ssyncset.done $0x0  }
.Ltmp1:
0x8a: {  	s8 =	sadd.s32 $0x2880, s7;
	[sflag:s30] =	ssyncadd.s32 $0xFFFFF000;
	(pc) =	sbr.rel @p0 .LBB2_4-.Ltmp1, $4  }
0x8b: {  	[spmem:s3] =	stream.indirect.scatter.add.f32 [tilespmem:s29], [sflag:$0x3], $0x20, s8, s26, $0xb8;
	[tilespmem:$0x15C20] =	vst v63  }
0x8c: {  	_ =	swait.ge [sflag:s19], $0x1000  }
0x8d: {  	[sflag:s19] =	ssyncset.done $0x0  }
0x8e: {  	s7 =	sadd.s32 $0x180, s7;
	[sflag:s19] =	ssyncadd.s32 $0xFFFFF000  }
0x8f: {  	[tilespmem:s29], [sflag:$0x2] =	stream.indirect.gather [spmem:s2], $0x20, s7, s26, $0xb8;
	[tilespmem:$0x15C20] =	vst v63  }
0x90: {  	_ =	swait.ge [sflag:s23], $0x1000  }
0x91: {  	[sflag:s23] =	ssyncset.done $0x0  }
0x92: {  	[sflag:s23] =	ssyncadd.s32 $0xFFFFF000  }
0x93: {  	[spmem:s3] =	stream.indirect.scatter.add.f32 [tilespmem:s28], [sflag:$0x3], $0x20, s31, s26, $0xb8;
	[tilespmem:$0x15C20] =	vst v63  }
0x94: {  	_ =	swait.ge [sflag:s19], $0x1000  }
0x95: {  	[sflag:s19] =	ssyncset.done $0x0  }
0x96: {  	[sflag:s19] =	ssyncadd.s32 $0xFFFFF000  }
0x97: {  	_ =	swait.ge [sflag:s30], $0x1000  }
0x98: {  	[sflag:s30] =	ssyncset.done $0x0  }
0x99: {  	[sflag:s30] =	ssyncadd.s32 $0xFFFFF000  }
0x9a: {  	[spmem:s3] =	stream.indirect.scatter.add.f32 [tilespmem:s29], [sflag:$0x3], $0x20, s1, s26, $0xb8;
	[tilespmem:$0x15C20] =	vst v63  }
0x9b: {  	_ =	swait.ge [sflag:s19], $0x1000  }
0x9c: {  	[sflag:s19] =	ssyncset.done $0x0  }
0x9d: {  	[sflag:s19] =	ssyncadd.s32 $0xFFFFF000  }
0x9e: {  	[bflag:$0x0] =	sbarrier.arrive $0xFFFF  }
0x9f: {  	[hbm:s13@s25], [sflag:s22] =	dma.strided [spmem:s5@s24], $0x9E0, s23, $0x4   }
0xa0: {  	_ =	swait.ge [sflag:s19], $0x9E0  }
0xa1: {  	[sflag:s19] =	ssyncset.done $0x0  }
0xa2: {  	[sflag:s19] =	ssyncadd.s32 $0xFFFFF620  }
0xa3: {  	[spmem:s20@s24], [sflag:s22] =	dma.strided [hbm:s14@s25], $0x9C4, s23, $0x4   }
0xa4: {  	_ =	swait.ge [sflag:s19], $0x9C4  }
0xa5: {  	[sflag:s19] =	ssyncset.done $0x0  }
0xa6: {  	[sflag:s19] =	ssyncadd.s32 $0xFFFFF63C  }
0xa7: {  	[spmem:s10] =	stream.linear.scatter [tilespmem:s21], [sflag:$0x3], $0x4F00, $0x38;
	[tilespmem:$0x15C20] =	vst v63  }
0xa8: {  	_ =	swait.ge [sflag:s19], $0x4F00  }
0xa9: {  	[sflag:s19] =	ssyncset.done $0x0  }
0xaa: {  	[sflag:s19] =	ssyncadd.s32 $0xFFFFB100  }
0xab: {  	s6 =	simm.s32 $0x0;
	[bflag:$0x0] =	sbarrier.arrive $0xFFFF  }
0xac: {  	[tilespmem:s28], [sflag:$0x1] =	stream.indirect.gather [spmem:s2], $0x20, s6, s26, $0xb8;
	[tilespmem:$0x15C20] =	vst v63  }
0xad: {  	_ = 	snop  }
0xae: {  	[tilespmem:s29], [sflag:$0x2] =	stream.indirect.gather [spmem:s2], $0x20, s26, s26, $0xb8;
	[tilespmem:$0x15C20] =	vst v63  }
0xaf: {  	_ =	swait.ge [sflag:s23], $0x1000  }
0xb0: {  	[sflag:s23] =	ssyncset.done $0x0  }
0xb1: {  	s8 =	simm.s32 $0x2800;
	[sflag:s23] =	ssyncadd.s32 $0xFFFFF000  }
0xb2: {  	[spmem:s3] =	stream.indirect.scatter.add.f32 [tilespmem:s28], [sflag:$0x3], $0x20, s8, s26, $0xb8;
	[tilespmem:$0x15C20] =	vst v63  }
0xb3: {  	_ =	swait.ge [sflag:s19], $0x1000  }
0xb4: {  	[sflag:s19] =	ssyncset.done $0x0  }
0xb5: {  	s7 =	simm.s32 $0x100;
	[sflag:s19] =	ssyncadd.s32 $0xFFFFF000  }
0xb6: {  	[tilespmem:s28], [sflag:$0x1] =	stream.indirect.gather [spmem:s2], $0x20, s7, s26, $0xb8;
	[tilespmem:$0x15C20] =	vst v63  }
0xb7: {  	_ =	swait.ge [sflag:s30], $0x1000  }
0xb8: {  	[sflag:s30] =	ssyncset.done $0x0  }
0xb9: {  	s8 =	simm.s32 $0x2880;
	[sflag:s30] =	ssyncadd.s32 $0xFFFFF000  }
0xba: {  	[spmem:s3] =	stream.indirect.scatter.add.f32 [tilespmem:s29], [sflag:$0x3], $0x20, s8, s26, $0xb8;
	[tilespmem:$0x15C20] =	vst v63  }
0xbb: {  	_ =	swait.ge [sflag:s19], $0x1000  }
0xbc: {  	[sflag:s19] =	ssyncset.done $0x0  }
0xbd: {  	s6 =	simm.s32 $0x400;
	s7 =	simm.s32 $0x180;
	[sflag:s19] =	ssyncadd.s32 $0xFFFFF000  }
.LBB2_6:
0xbe: {  	[tilespmem:s29], [sflag:$0x2] =	stream.indirect.gather [spmem:s2], $0x20, s7, s26, $0xb8;
	[tilespmem:$0x15C20] =	vst v63  }
0xbf: {  	s7 =	smov.u32 s6  }
0xc0: {  	p0 =	sne.s32 s6, $0x9800;
	s6 =	sadd.s32 $0x400, s6;
	_ =	swait.ge [sflag:s23], $0x1000  }
0xc1: {  	s7 =	sshra.s32 s7, $0x2;
	[sflag:s23] =	ssyncset.done $0x0  }
0xc2: {  	s8 =	sadd.s32 $0x2800, s7;
	[sflag:s23] =	ssyncadd.s32 $0xFFFFF000  }
0xc3: {  	[spmem:s3] =	stream.indirect.scatter.add.f32 [tilespmem:s28], [sflag:$0x3], $0x20, s8, s26, $0xb8;
	[tilespmem:$0x15C20] =	vst v63  }
0xc4: {  	_ =	swait.ge [sflag:s19], $0x1000  }
0xc5: {  	[sflag:s19] =	ssyncset.done $0x0  }
0xc6: {  	s8 =	sadd.s32 $0x100, s7;
	[sflag:s19] =	ssyncadd.s32 $0xFFFFF000  }
0xc7: {  	[tilespmem:s28], [sflag:$0x1] =	stream.indirect.gather [spmem:s2], $0x20, s8, s26, $0xb8;
	[tilespmem:$0x15C20] =	vst v63  }
0xc8: {  	_ =	swait.ge [sflag:s30], $0x1000  }
0xc9: {  	[sflag:s30] =	ssyncset.done $0x0  }
.Ltmp2:
0xca: {  	s8 =	sadd.s32 $0x2880, s7;
	[sflag:s30] =	ssyncadd.s32 $0xFFFFF000;
	(pc) =	sbr.rel @p0 .LBB2_6-.Ltmp2, $4  }
0xcb: {  	[spmem:s3] =	stream.indirect.scatter.add.f32 [tilespmem:s29], [sflag:$0x3], $0x20, s8, s26, $0xb8;
	[tilespmem:$0x15C20] =	vst v63  }
0xcc: {  	_ =	swait.ge [sflag:s19], $0x1000  }
0xcd: {  	[sflag:s19] =	ssyncset.done $0x0  }
0xce: {  	s7 =	sadd.s32 $0x180, s7;
	[sflag:s19] =	ssyncadd.s32 $0xFFFFF000  }
0xcf: {  	[tilespmem:s29], [sflag:$0x2] =	stream.indirect.gather [spmem:s2], $0x20, s7, s26, $0xb8;
	[tilespmem:$0x15C20] =	vst v63  }
0xd0: {  	_ =	swait.ge [sflag:s23], $0x1000  }
0xd1: {  	[sflag:s23] =	ssyncset.done $0x0  }
0xd2: {  	[sflag:s23] =	ssyncadd.s32 $0xFFFFF000  }
0xd3: {  	[spmem:s3] =	stream.indirect.scatter.add.f32 [tilespmem:s28], [sflag:$0x3], $0x20, s31, s26, $0xb8;
	[tilespmem:$0x15C20] =	vst v63  }
0xd4: {  	_ =	swait.ge [sflag:s19], $0x1000  }
0xd5: {  	[sflag:s19] =	ssyncset.done $0x0  }
0xd6: {  	[sflag:s19] =	ssyncadd.s32 $0xFFFFF000  }
0xd7: {  	_ =	swait.ge [sflag:s30], $0x1000  }
0xd8: {  	[sflag:s30] =	ssyncset.done $0x0  }
0xd9: {  	[sflag:s30] =	ssyncadd.s32 $0xFFFFF000  }
0xda: {  	[spmem:s3] =	stream.indirect.scatter.add.f32 [tilespmem:s29], [sflag:$0x3], $0x20, s1, s26, $0xb8;
	[tilespmem:$0x15C20] =	vst v63  }
0xdb: {  	_ =	swait.ge [sflag:s19], $0x1000  }
0xdc: {  	[sflag:s19] =	ssyncset.done $0x0  }
0xdd: {  	[sflag:s19] =	ssyncadd.s32 $0xFFFFF000  }
0xde: {  	[bflag:$0x0] =	sbarrier.arrive $0xFFFF  }
0xdf: {  	[hbm:s15@s25], [sflag:s22] =	dma.strided [spmem:s5@s24], $0x9E0, s23, $0x4   }
0xe0: {  	_ =	swait.ge [sflag:s19], $0x9E0  }
0xe1: {  	[sflag:s19] =	ssyncset.done $0x0  }
0xe2: {  	[sflag:s19] =	ssyncadd.s32 $0xFFFFF620  }
0xe3: {  	[spmem:s20@s24], [sflag:s22] =	dma.strided [hbm:s16@s25], $0x9C4, s23, $0x4   }
0xe4: {  	_ =	swait.ge [sflag:s19], $0x9C4  }
0xe5: {  	[sflag:s19] =	ssyncset.done $0x0  }
0xe6: {  	[sflag:s19] =	ssyncadd.s32 $0xFFFFF63C  }
0xe7: {  	[spmem:s10] =	stream.linear.scatter [tilespmem:s21], [sflag:$0x3], $0x4F00, $0x38;
	[tilespmem:$0x15C20] =	vst v63  }
0xe8: {  	_ =	swait.ge [sflag:s19], $0x4F00  }
0xe9: {  	[sflag:s19] =	ssyncset.done $0x0  }
0xea: {  	[sflag:s19] =	ssyncadd.s32 $0xFFFFB100  }
0xeb: {  	s6 =	simm.s32 $0x0;
	[bflag:$0x0] =	sbarrier.arrive $0xFFFF  }
0xec: {  	[tilespmem:s28], [sflag:$0x1] =	stream.indirect.gather [spmem:s2], $0x20, s6, s26, $0xb8;
	[tilespmem:$0x15C20] =	vst v63  }
0xed: {  	_ = 	snop  }
0xee: {  	[tilespmem:s29], [sflag:$0x2] =	stream.indirect.gather [spmem:s2], $0x20, s26, s26, $0xb8;
	[tilespmem:$0x15C20] =	vst v63  }
0xef: {  	_ =	swait.ge [sflag:s23], $0x1000  }
0xf0: {  	[sflag:s23] =	ssyncset.done $0x0  }
0xf1: {  	s7 =	simm.s32 $0x2800;
	[sflag:s23] =	ssyncadd.s32 $0xFFFFF000  }
0xf2: {  	[spmem:s3] =	stream.indirect.scatter.add.f32 [tilespmem:s28], [sflag:$0x3], $0x20, s7, s26, $0xb8;
	[tilespmem:$0x15C20] =	vst v63  }
0xf3: {  	_ =	swait.ge [sflag:s19], $0x1000  }
0xf4: {  	[sflag:s19] =	ssyncset.done $0x0  }
0xf5: {  	s8 =	simm.s32 $0x100;
	[sflag:s19] =	ssyncadd.s32 $0xFFFFF000  }
0xf6: {  	[tilespmem:s28], [sflag:$0x1] =	stream.indirect.gather [spmem:s2], $0x20, s8, s26, $0xb8;
	[tilespmem:$0x15C20] =	vst v63  }
0xf7: {  	_ =	swait.ge [sflag:s30], $0x1000  }
0xf8: {  	[sflag:s30] =	ssyncset.done $0x0  }
0xf9: {  	s20 =	simm.s32 $0x2880;
	[sflag:s30] =	ssyncadd.s32 $0xFFFFF000  }
0xfa: {  	[spmem:s3] =	stream.indirect.scatter.add.f32 [tilespmem:s29], [sflag:$0x3], $0x20, s20, s26, $0xb8;
	[tilespmem:$0x15C20] =	vst v63  }
0xfb: {  	_ =	swait.ge [sflag:s19], $0x1000  }
0xfc: {  	[sflag:s19] =	ssyncset.done $0x0  }
0xfd: {  	s6 =	simm.s32 $0x400;
	s7 =	simm.s32 $0x180;
	[sflag:s19] =	ssyncadd.s32 $0xFFFFF000  }
.LBB2_8:
0xfe: {  	[tilespmem:s29], [sflag:$0x2] =	stream.indirect.gather [spmem:s2], $0x20, s7, s26, $0xb8;
	[tilespmem:$0x15C20] =	vst v63  }
0xff: {  	s7 =	smov.u32 s6  }
0x100: {  	p0 =	sne.s32 s6, $0x9800;
	s6 =	sadd.s32 $0x400, s6;
	_ =	swait.ge [sflag:s23], $0x1000  }
0x101: {  	s7 =	sshra.s32 s7, $0x2;
	[sflag:s23] =	ssyncset.done $0x0  }
0x102: {  	s8 =	sadd.s32 $0x2800, s7;
	[sflag:s23] =	ssyncadd.s32 $0xFFFFF000  }
0x103: {  	[spmem:s3] =	stream.indirect.scatter.add.f32 [tilespmem:s28], [sflag:$0x3], $0x20, s8, s26, $0xb8;
	[tilespmem:$0x15C20] =	vst v63  }
0x104: {  	_ =	swait.ge [sflag:s19], $0x1000  }
0x105: {  	[sflag:s19] =	ssyncset.done $0x0  }
0x106: {  	s8 =	sadd.s32 $0x100, s7;
	[sflag:s19] =	ssyncadd.s32 $0xFFFFF000  }
0x107: {  	[tilespmem:s28], [sflag:$0x1] =	stream.indirect.gather [spmem:s2], $0x20, s8, s26, $0xb8;
	[tilespmem:$0x15C20] =	vst v63  }
0x108: {  	_ =	swait.ge [sflag:s30], $0x1000  }
0x109: {  	[sflag:s30] =	ssyncset.done $0x0  }
.Ltmp3:
0x10a: {  	s8 =	sadd.s32 $0x2880, s7;
	[sflag:s30] =	ssyncadd.s32 $0xFFFFF000;
	(pc) =	sbr.rel @p0 .LBB2_8-.Ltmp3, $4  }
0x10b: {  	[spmem:s3] =	stream.indirect.scatter.add.f32 [tilespmem:s29], [sflag:$0x3], $0x20, s8, s26, $0xb8;
	[tilespmem:$0x15C20] =	vst v63  }
0x10c: {  	_ =	swait.ge [sflag:s19], $0x1000  }
0x10d: {  	[sflag:s19] =	ssyncset.done $0x0  }
0x10e: {  	s7 =	sadd.s32 $0x180, s7;
	[sflag:s19] =	ssyncadd.s32 $0xFFFFF000  }
0x10f: {  	[tilespmem:s29], [sflag:$0x2] =	stream.indirect.gather [spmem:s2], $0x20, s7, s26, $0xb8;
	[tilespmem:$0x15C20] =	vst v63  }
0x110: {  	_ =	swait.ge [sflag:s23], $0x1000  }
0x111: {  	[sflag:s23] =	ssyncset.done $0x0  }
0x112: {  	[sflag:s23] =	ssyncadd.s32 $0xFFFFF000  }
0x113: {  	[spmem:s3] =	stream.indirect.scatter.add.f32 [tilespmem:s28], [sflag:$0x3], $0x20, s31, s26, $0xb8;
	[tilespmem:$0x15C20] =	vst v63  }
0x114: {  	_ =	swait.ge [sflag:s19], $0x1000  }
0x115: {  	[sflag:s19] =	ssyncset.done $0x0  }
0x116: {  	[sflag:s19] =	ssyncadd.s32 $0xFFFFF000  }
0x117: {  	_ =	swait.ge [sflag:s30], $0x1000  }
0x118: {  	[sflag:s30] =	ssyncset.done $0x0  }
0x119: {  	[sflag:s30] =	ssyncadd.s32 $0xFFFFF000  }
0x11a: {  	[spmem:s3] =	stream.indirect.scatter.add.f32 [tilespmem:s29], [sflag:$0x3], $0x20, s1, s26, $0xb8;
	[tilespmem:$0x15C20] =	vst v63  }
0x11b: {  	_ =	swait.ge [sflag:s19], $0x1000  }
0x11c: {  	s0 =	sadd.s32 $0x1, s0;
	[sflag:s19] =	ssyncset.done $0x0  }
0x11d: {  	p0 =	sne.s32 s0, s18;
	[sflag:s19] =	ssyncadd.s32 $0xFFFFF000  }
.Ltmp4:
0x11e: {  	[bflag:$0x0] =	sbarrier.arrive $0xFFFF;
	(pc) =	sbr.rel @p0 .LBB2_1-.Ltmp4, $4  }
0x11f: {  	[hbm:s17@s25], [sflag:s22] =	dma.strided [spmem:s5@s24], $0x9E0, s23, $0x4   }
0x120: {  	_ =	swait.ge [sflag:s19], $0x9E0  }
0x121: {  	[sflag:s19] =	ssyncset.done $0x0  }
0x122: {  	[sflag:s19] =	ssyncadd.s32 $0xFFFFF620  }
0x123: {  	_ =	sfence.sel $0x180000  }
0x124: {  	[bflag:$0x0] =	sbarrier.arrive $0xFFFF  }
0x125: {  	_ =	strace $0x9000004A  }
0x126: {  	s0 =	stileid.u32;
	[bflag:$0x2] =	sbarrier.arrive $0xFFFF  }
0x127: {  	p0 =	sne.s32 s0, $0x0;
	s0 =	rddreg [dreg:$0x3]  }
0x128: {  	s0 =	sadd.s32 @!p0 $0x100000, s0  }
0x129: {  	[sflag:s0] =	ssyncadd.tile.s32 @!p0 $0x1;
	_ =	shalt  }
.Lfunc_end2:
_tile_overlayer_lowered:
.L_overlay_start_2:
0x12a: {  	(tag) =	ssettag $0x2  }
0x12b: {  	s0 =	rddreg [dreg:$0x0];
	s2 =	stileid.u32  }
0x12c: {  	s1 =	rddreg [dreg:$0x1];
	p0 =	sne.s32 s2, $0x0  }
0x12d: {  	s3 =	rddreg [dreg:$0x2];
	[bflag:$0x3] =	sbarrier.arrive $0xFFFF;
	s2 =	simm.s32 @!p0 $0x1C03  }
0x12e: {  	[timem:s3], [sflag:s2] =	dma.local @!p0 [hbm:s0], s1  }
0x12f: {  	s0 =	simm.s32 @!p0 $0x3  }
0x130: {  	_ =	swait.ge @!p0 [sflag:s0], s1  }
0x131: {  	s1 =	ssub.s32 @!p0 $0x0, s1;
	[sflag:s0] =	ssyncset.done @!p0 $0x0  }
0x132: {  	[sflag:s0] =	ssyncadd.s32 @!p0 s1  }
0x133: {  	[bflag:$0x3] =	sbarrier.arrive $0xFFFF  }
0x134: {  	_ =	shalt  }

// kernel: kernel.15.cloned.1.call-start
scs
__scs_entry_jumppad:
0x0: {  	(pc) =	sbr.rel $0x88, $3  }
0x1: {  	(tag) =	ssettag $0x0;
	lr =	simm.s32 $0x1  }
0x2: {  	[smem:$0x3F9B] =	sst lr;
	_ =	strace $0xD0000000  }
0x3: {  	_ = 	snop  }
0x4: {  	_ = 	snop  }
0x5: {  	_ = 	snop  }
0x6: {  	_ = 	snop  }
0x7: {  	_ = 	snop  }
__scs_overlays_trampoline_lowered:
0x8: {  	[smem:$0x3FAA] =	sst s0  }
0x9: {  	[smem:$0x3FAB] =	sst s1  }
0xa: {  	[smem:$0x3FAC] =	sst s2  }
0xb: {  	[smem:$0x3FAD] =	sst s3  }
0xc: {  	[smem:$0x3FAE] =	sst s4  }
0xd: {  	[smem:$0x3FAF] =	sst s5  }
0xe: {  	[smem:$0x3FB0] =	sst s6  }
0xf: {  	[smem:$0x3FB1] =	sst s7  }
0x10: {  	[smem:$0x3FB2] =	sst s8  }
0x11: {  	[smem:$0x3FB3] =	sst s9;
	s0 =	simm.s32 @!p0 $0x0  }
0x12: {  	s1 =	sld [smem:$0x3F99];
	s0 =	simm.s32 @p0 $0x1  }
0x13: {  	[smem:$0x3FB4] =	sst s0;
	s0 =	simm.s32 @!p1 $0x0  }
0x14: {  	s2 =	sld [smem:$0x3F98];
	s0 =	simm.s32 @p1 $0x1  }
0x15: {  	[smem:$0x3FB5] =	sst s0;
	s0 =	simm.s32 @!p2 $0x0  }
0x16: {  	s3 =	sld [smem:$0x3FDB];
	s0 =	simm.s32 @p2 $0x1  }
0x17: {  	s4 =	simm.s32 $0x1BF5;
	[smem:$0x3FB7] =	sst s0  }
0x18: {  	s0 =	sld [smem:$0x3F9A];
	_ =	swait.ge [sflag:s4], $0x0  }
0x19: {  	s7 =	sld [smem:$0x3F9B]  }
0x1a: {  	s8 =	sadd.s32 $0xFFFFE003, lr  }
0x1b: {  	s9 =	sadd.s32 $0xFFFFFEF7, lr;
	s5 =	simm.s32 $0xFFFFFFFF;
	p2 =	slt.u32 s8, $0xFFFFF086  }
0x1c: {  	p1 =	slt.u32 s9, $0xF7A;
	s5 =	simm.s32 @!p2 $0x0  }
0x1d: {  	s5 =	simm.s32 @p1 $0x1;
	p0 =	seq.s32 s7, s2  }
0x1e: {  	s7 =	smul.u32 @!p0 $0xF7A, s2;
	p2 =	seq.s32 @!p0 s5, $0x0  }
0x1f: {  	s9 =	smul.u32 $0xF7A, s1;
	s8 =	simm.s32 @!p0 $0x1BF5;
	p2 =	por !p2, p0  }
0x20: {  	[sflag:s8] =	ssyncset.s32 @!p0 $0xFFFFF086;
	s6 =	sadd.s32 @!p0 s3, s7;
	s7 =	simm.s32 @!p0 $0x108  }
0x21: {  	s3 =	sadd.s32 s3, s9;
	s6 =	sadd.s32 @!p0 $0x88, s6;
	s7 =	simm.s32 @p2 $0x1082  }
0x22: {  	[simem:s7], [sflag:s8] =	dma.local @!p0 [hbm:s6], $0xF7A  }
0x23: {  	s9 =	sor.u32 $0xD0000000, s2;
	s6 =	simm.s32 $0x108;
	_ =	swait.ge @!p0 [sflag:s8], $0x0  }
0x24: {  	s3 =	sadd.s32 $0x88, s3;
	s6 =	simm.s32 @!p1 $0x1082;
	[sflag:s4] =	ssyncset.s32 $0xFFFFF086  }
0x25: {  	[simem:s6], [sflag:s4] =	dma.local [hbm:s3], $0xF7A  }
0x26: {  	[smem:$0x3F9B] =	sst s1;
	(tag) =	ssettag s2;
	_ =	strace s9  }
0x27: {  	s1 =	sld [smem:$0x3FAB]  }
0x28: {  	s2 =	sld [smem:$0x3FAC]  }
0x29: {  	s4 =	sld [smem:$0x3FAE]  }
0x2a: {  	p0 =	seq.s32 s5, $0x0;
	s5 =	sld [smem:$0x3FAF]  }
0x2b: {  	s6 =	sld [smem:$0x3FB0]  }
0x2c: {  	s7 =	sld [smem:$0x3FB1]  }
0x2d: {  	s3 =	simm.s32 $0x108;
	s8 =	sld [smem:$0x3FB2]  }
0x2e: {  	s3 =	simm.s32 @!p0 $0x1082;
	s9 =	sld [smem:$0x3FB3]  }
0x2f: {  	lr =	sadd.s32 s0, s3;
	s0 =	sld [smem:$0x3FAA]  }
0x30: {  	s3 =	sld [smem:$0x3FAD]  }
0x31: {  	[smem:$0x3FB6] =	sst s10  }
0x32: {  	s10 =	sld [smem:$0x3FB4];
	_ =	sdelay $0x3  }
0x33: {  	p0 =	seq.s32 s10, $0x1;
	s10 =	sld [smem:$0x3FB6];
	_ =	sdelay $0x3  }
0x34: {  	[smem:$0x3FB6] =	sst s10  }
0x35: {  	s10 =	sld [smem:$0x3FB5];
	_ =	sdelay $0x3  }
0x36: {  	p1 =	seq.s32 s10, $0x1;
	s10 =	sld [smem:$0x3FB6];
	_ =	sdelay $0x3  }
0x37: {  	[smem:$0x3FB6] =	sst s10  }
0x38: {  	s10 =	sld [smem:$0x3FB7]  }
0x39: {  	_ = 	snop;
	(pc) =	sbr.ind lr, $3  }
0x3a: {  	_ = 	snop  }
0x3b: {  	_ = 	snop  }
0x3c: {  	p2 =	seq.s32 s10, $0x1;
	s10 =	sld [smem:$0x3FB6]  }
0x3d: {  	_ =	shalt  }
0x3e: {  	_ =	shalt  }
0x3f: {  	_ =	shalt  }
0x40: {  	_ =	shalt  }
0x41: {  	_ =	shalt  }
0x42: {  	_ =	shalt  }
0x43: {  	_ =	shalt  }
0x44: {  	_ =	shalt  }
0x45: {  	_ =	shalt  }
0x46: {  	_ =	shalt  }
0x47: {  	_ =	shalt  }
0x48: {  	_ =	shalt  }
0x49: {  	_ =	shalt  }
0x4a: {  	_ =	shalt  }
0x4b: {  	_ =	shalt  }
0x4c: {  	_ =	shalt  }
0x4d: {  	_ =	shalt  }
0x4e: {  	_ =	shalt  }
0x4f: {  	_ =	shalt  }
0x50: {  	_ =	shalt  }
0x51: {  	_ =	shalt  }
0x52: {  	_ =	shalt  }
0x53: {  	_ =	shalt  }
0x54: {  	_ =	shalt  }
0x55: {  	_ =	shalt  }
0x56: {  	_ =	shalt  }
0x57: {  	_ =	shalt  }
0x58: {  	_ =	shalt  }
0x59: {  	_ =	shalt  }
0x5a: {  	_ =	shalt  }
0x5b: {  	_ =	shalt  }
0x5c: {  	_ =	shalt  }
0x5d: {  	_ =	shalt  }
0x5e: {  	_ =	shalt  }
0x5f: {  	_ =	shalt  }
0x60: {  	_ =	shalt  }
0x61: {  	_ =	shalt  }
0x62: {  	_ =	shalt  }
0x63: {  	_ =	shalt  }
0x64: {  	_ =	shalt  }
0x65: {  	_ =	shalt  }
0x66: {  	_ =	shalt  }
0x67: {  	_ =	shalt  }
0x68: {  	_ =	shalt  }
0x69: {  	_ =	shalt  }
0x6a: {  	_ =	shalt  }
0x6b: {  	_ =	shalt  }
0x6c: {  	_ =	shalt  }
0x6d: {  	_ =	shalt  }
0x6e: {  	_ =	shalt  }
0x6f: {  	_ =	shalt  }
0x70: {  	_ =	shalt  }
0x71: {  	_ =	shalt  }
0x72: {  	_ =	shalt  }
0x73: {  	_ =	shalt  }
0x74: {  	_ =	shalt  }
0x75: {  	_ =	shalt  }
0x76: {  	_ =	shalt  }
0x77: {  	_ =	shalt  }
0x78: {  	_ =	shalt  }
0x79: {  	_ =	shalt  }
0x7a: {  	_ =	shalt  }
0x7b: {  	_ =	shalt  }
0x7c: {  	_ =	shalt  }
0x7d: {  	_ =	shalt  }
0x7e: {  	_ =	shalt  }
0x7f: {  	_ =	shalt  }
0x80: {  	_ =	shalt  }
0x81: {  	_ =	shalt  }
0x82: {  	_ =	shalt  }
0x83: {  	_ =	shalt  }
0x84: {  	_ =	shalt  }
0x85: {  	_ =	shalt  }
0x86: {  	_ =	shalt  }
0x87: {  	_ =	shalt  }
.Lfunc_end0:
.L_simem_size_0:
called_computation.2_lowered:
.L_overlay_start_0:
0x88: {  	s2 =	sld [smem:$0x3FD9]  }
0x89: {  	s3 =	sld [smem:$0x3FFE];
	_ =	sdelay $0x1  }
0x8a: {  	s1 =	srdreg.scid  }
0x8b: {  	s0 =	sand.u32 $0x1, s1  }
0x8c: {  	s17 =	sshll.u32 s0, $0xA;
	s2 =	sadd.s32 s3, s2  }
0x8d: {  	s2 =	sadd.s32 s2, s17  }
0x8e: {  	[smem:$0x3FC2] =	sst s2  }
0x8f: {  	_ = 	snop  }
0x90: {  	s2 =	sld [smem:$0x3FD0];
	(tm) =	ssettm $0x1  }
0x91: {  	s18 =	sld [smem:$0x3FFB];
	_ =	sdelay $0x3  }
0x92: {  	_ =	strace s18  }
0x93: {  	s3 =	sld [smem:$0x3FFC];
	_ =	sdelay $0x3  }
0x94: {  	_ =	strace s3  }
0x95: {  	s3 =	sld [smem:$0x3FFD];
	_ =	sdelay $0x3  }
0x96: {  	_ =	strace s3  }
0x97: {  	_ =	strace $0x8FFFFFFF  }
0x98: {  	s19 =	sld [smem:$0x3FDB];
	_ =	sdelay $0x1  }
0x99: {  	s4 =	simm.s32 $_scs_section_size  }
0x9a: {  	s5 =	simm.s32 $_size__tile_overlayer_lowered;
	s6 =	simm.s32 $_tile_overlayer_lowered  }
0x9b: {  	s22 =	simm.s32 $0x1BFF;
	s21 =	sshll.u32 s6, $0x1;
	s3 =	sadd.s32 s4, s19  }
0x9c: {  	s7 =	simm.s32 $0x0;
	s20 =	sshll.u32 s5, $0x1;
	s5 =	sadd.s32 s21, s3  }
0x9d: {  	[timem:s7], [sflag:s22] =	dma.local [hbm:s5], s20  }
0x9e: {  	_ =	swait.ge [sflag:s22], s20  }
0x9f: {  	s4 =	ssub.s32 $0x0, s20;
	[sflag:s22] =	ssyncset.done $0x0  }
0xa0: {  	[sflag:s22] =	ssyncadd.s32 s4;
	_ =	sdelay $0x1  }
0xa1: {  	s23 =	simm.s32 $0x1B8B  }
0xa2: {  	_ =	swait.ge [sflag:s23], $0x1  }
0xa3: {  	[sflag:s23] =	ssyncset.done $0x0  }
0xa4: {  	s25 =	simm.s32 $0x1B8E;
	s24 =	sld [smem:$0x3FFE];
	[sflag:s23] =	ssyncadd.s32 $0xFFFFFFFF  }
0xa5: {  	s26 =	simm.s32 $execute0_lowered;
	[smem:$0x3FD2] =	sst s25  }
0xa6: {  	s5 =	sshll.u32 s26, $0x1;
	_ =	strace $0x8000004C;
	[dreg:$0x1] =	wrdreg $0xFFFFFFFF  }
0xa7: {  	s28 =	simm.s32 $_size_execute0_lowered;
	s3 =	sadd.s32 s3, s5;
	[dreg:$0x0] =	wrdreg $0x0  }
0xa8: {  	s5 =	sshll.u32 s28, $0x1;
	[dreg:$0x2] =	wrdreg s3  }
0xa9: {  	[dreg:$0x3] =	wrdreg s5  }
0xaa: {  	[dreg:$0x4] =	wrdreg $0xC0  }
0xab: {  	_ =	task [dreg:s7], $0x5FFFF  }
0xac: {  	[dreg:$0x1] =	wrdreg $0xFFFFFFFF  }
0xad: {  	[dreg:$0x0] =	wrdreg $0x60  }
0xae: {  	[dreg:$0x2] =	wrdreg s24  }
0xaf: {  	[dreg:$0x3] =	wrdreg s2  }
0xb0: {  	[dreg:$0x4] =	wrdreg $0xAF000  }
0xb1: {  	[dreg:$0x5] =	wrdreg $0x87800  }
0xb2: {  	[dreg:$0x6] =	wrdreg $0x9  }
0xb3: {  	_ =	task.clear_ibuf [dreg:s7], $0x7FFFF;
	_ =	strace $0x9000004C  }
0xb4: {  	s29 =	simm.s32 $0x9;
	_ =	strace $0x8000004E  }
0xb5: {  	_ =	swait.ge [sflag:s29], $0x1  }
0xb6: {  	[sflag:s29] =	ssyncadd.s32 $0xFFFFFFFF  }
0xb7: {  	_ =	strace $0x9000004E  }
0xb8: {  	_ =	sfence  }
0xb9: {  	s30 =	sld [smem:$0x0];
	_ =	sdelay $0x2  }
0xba: {  	s31 =	sshll.u32 s1, $0xD;
	s1 =	sshrl.u32 s1, $0x2  }
0xbb: {  	s3 =	sand.u32 $0x4000, s31;
	s1 =	sadd.s32 s1, s30  }
0xbc: {  	s0 =	sor.u32 s3, s0;
	s1 =	sshll.u32 s1, $0x11  }
0xbd: {  	s0 =	sor.u32 s1, s0  }
0xbe: {  	s0 =	sadd.s32 $0x8F2B, s0  }
0xbf: {  	[sflag:s0] =	ssyncadd.remote.s32 $0x1  }
0xc0: {  	_ =	sfence.sel $0xFFFF  }
0xc1: {  	[dreg:$0x0] =	wrdreg $0xFFFFFFFF;
	(pc) =	sbr.abs _section_cstart, $3  }
0xc2: {  	[dreg:$0x1] =	wrdreg $0xFFFFFFFF  }
0xc3: {  	_ =	task.clear_ibuf [dreg:s7], $0x2FFFF;
	_ =	strace $0x9FFFFFFF  }
0xc4: {  	(tm) =	ssettm $0x7FFFFFFF  }
0xc5: {  	_ =	shalt  }
tec
execute0_lowered:
.L_overlay_start_1:
0x0: {  	(tag) =	ssettag $0x1  }
0x1: {  	s5 =	rddreg [dreg:$0x0]  }
0x2: {  	s7 =	rddreg [dreg:$0x1]  }
0x3: {  	s2 =	rddreg [dreg:$0x2]  }
0x4: {  	s3 =	rddreg [dreg:$0x3]  }
0x5: {  	s0 =	rddreg [dreg:$0x4]  }
0x6: {  	s1 =	stileid.u32;
	s6 =	srdreg.scid;
	s4 =	simm.s32 $0x0  }
0x7: {  	s14 =	simm.s32 $0x6000;
	s17 =	simm.s32 $0x80;
	s18 =	simm.s32 $0x5000  }
0x8: {  	s19 =	simm.s32 $0x5800;
	s20 =	simm.s32 $0x1;
	s21 =	simm.s32 $0x2  }
0x9: {  	s22 =	simm.s32 $0x4F00;
	s23 =	simm.s32 $0x4F80;
	s8 =	smul.u32 $0x2710, s1  }
0xa: {  	s25 =	simm.s32 $0x0;
	s6 =	sand.u32 $0x1, s6;
	s9 =	smul.u32 $0x2780, s1  }
0xb: {  	[smem:$0x7FF] =	sst s4;
	s15 =	sshll.u32 s1, $0x6;
	s10 =	sshll.u32 s6, $0x4  }
0xc: {  	s11 =	smul.u32 $0x27800, s6;
	_ =	strace $0x8000004D;
	s6 =	ssub.s32 $0x2, s6  }
0xd: {  	s15 =	sor.u32 $0x1C03, s15;
	s12 =	sshrl.u32 s8, $0x3;
	s10 =	sor.u32 s1, s10  }
0xe: {  	s13 =	sshrl.u32 s6, $0x1;
	s31 =	sshrl.u32 s9, $0x3;
	s16 =	sadd.s32 s8, s2  }
0xf: {  	s10 =	smul.u32 $0x500, s10;
	s11 =	sadd.s32 s9, s11;
	s12 =	sadd.s32 s12, s5  }
0x10: {  	s13 =	ssub.s32 s6, s13;
	s7 =	sadd.s32 s7, s31;
	s9 =	sadd.s32 s9, s3  }
0x11: {  	s16 =	sshrl.u32 s16, $0x3;
	s11 =	sshrl.u32 s11, $0x3;
	s8 =	sadd.s32 $0xC000, s12  }
0x12: {  	s12 =	simm.s32 $0x3;
	s24 =	sshrl.u32 s9, $0x3;
	s10 =	sadd.s32 s10, s5  }
0x13: {  	s11 =	sadd.s32 s11, s5;
	s5 =	sadd.s32 $0x16000, s10;
	s6 =	sadd.s32 $0x2000, s10  }
0x14: {  	s10 =	sadd.s32 $0x20000, s11;
	s11 =	smax.u32 s13, $0x1;
	s13 =	simm.s32 $0x2800  }
.LBB2_1:
0x15: {  	[tilespmem:s4], [sflag:$0x3] =	stream.linear.gather [hbm4b:s5+s4], $0x2800, $0x38;
	[tilespmem:$0xD610] =	vst v63  }
0x16: {  	_ =	swait.ge [sflag:s12], $0x2800  }
0x17: {  	[sflag:s12] =	ssyncset.done $0x0  }
0x18: {  	[sflag:s12] =	ssyncadd.s32 $0xFFFFD800  }
0x19: {  	[tilespmem:s13], [sflag:$0x3] =	stream.linear.gather [hbm4b:s6+s4], $0x2800, $0x38;
	[tilespmem:$0xD610] =	vst v63  }
0x1a: {  	_ =	swait.ge [sflag:s12], $0x2800  }
0x1b: {  	[sflag:s12] =	ssyncset.done $0x0  }
0x1c: {  	[sflag:s12] =	ssyncadd.s32 $0xFFFFD800  }
0x1d: {  	[tilespmem:s14], [sflag:$0x3] =	stream.linear.gather [hbm4b:s7+s4], $0x2780, $0x38;
	[tilespmem:$0xD610] =	vst v63  }
0x1e: {  	_ =	swait.ge [sflag:s12], $0x2780  }
0x1f: {  	[sflag:s12] =	ssyncset.done $0x0  }
0x20: {  	[sflag:s12] =	ssyncadd.s32 $0xFFFFD880  }
0x21: {  	[spmem:s16], [sflag:s15] =	dma.local [hbm:s8], $0x4E2  }
0x22: {  	_ =	swait.ge [sflag:s12], $0x4E2  }
0x23: {  	[sflag:s12] =	ssyncset.done $0x0  }
0x24: {  	[sflag:s12] =	ssyncadd.s32 $0xFFFFFB1E  }
0x25: {  	[spmem:s9] =	stream.linear.scatter [tilespmem:s14], [sflag:$0x3], $0x2780, $0x38;
	[tilespmem:$0xD610] =	vst v63  }
0x26: {  	_ =	swait.ge [sflag:s12], $0x2780  }
0x27: {  	[sflag:s12] =	ssyncset.done $0x0  }
0x28: {  	[sflag:s12] =	ssyncadd.s32 $0xFFFFD880  }
0x29: {  	[bflag:$0x0] =	sbarrier.arrive $0xFFFF  }
0x2a: {  	[tilespmem:s18], [sflag:$0x1] =	stream.indirect.gather [spmem:s2], $0x10, s4, s17, $0xb8;
	[tilespmem:$0xD610] =	vst v63  }
0x2b: {  	_ = 	snop  }
0x2c: {  	[tilespmem:s19], [sflag:$0x2] =	stream.indirect.gather [spmem:s2], $0x10, s17, s17, $0xb8;
	[tilespmem:$0xD610] =	vst v63  }
0x2d: {  	_ =	swait.ge [sflag:s20], $0x800  }
0x2e: {  	[sflag:s20] =	ssyncset.done $0x0  }
0x2f: {  	s26 =	simm.s32 $0x2800;
	[sflag:s20] =	ssyncadd.s32 $0xFFFFF800  }
0x30: {  	[spmem:s3] =	stream.indirect.scatter.add.f32 [tilespmem:s18], [sflag:$0x3], $0x10, s26, s17, $0xb8;
	[tilespmem:$0xD610] =	vst v63  }
0x31: {  	_ =	swait.ge [sflag:s12], $0x800  }
0x32: {  	[sflag:s12] =	ssyncset.done $0x0  }
0x33: {  	s30 =	simm.s32 $0x100;
	[sflag:s12] =	ssyncadd.s32 $0xFFFFF800  }
0x34: {  	[tilespmem:s18], [sflag:$0x1] =	stream.indirect.gather [spmem:s2], $0x10, s30, s17, $0xb8;
	[tilespmem:$0xD610] =	vst v63  }
0x35: {  	_ =	swait.ge [sflag:s21], $0x800  }
0x36: {  	[sflag:s21] =	ssyncset.done $0x0  }
0x37: {  	s31 =	simm.s32 $0x2880;
	[sflag:s21] =	ssyncadd.s32 $0xFFFFF800  }
0x38: {  	[spmem:s3] =	stream.indirect.scatter.add.f32 [tilespmem:s19], [sflag:$0x3], $0x10, s31, s17, $0xb8;
	[tilespmem:$0xD610] =	vst v63  }
0x39: {  	_ =	swait.ge [sflag:s12], $0x800  }
0x3a: {  	[sflag:s12] =	ssyncset.done $0x0  }
0x3b: {  	s28 =	simm.s32 $0x180;
	s26 =	simm.s32 $0x400;
	[sflag:s12] =	ssyncadd.s32 $0xFFFFF800  }
.LBB2_2:
0x3c: {  	[tilespmem:s19], [sflag:$0x2] =	stream.indirect.gather [spmem:s2], $0x10, s28, s17, $0xb8;
	[tilespmem:$0xD610] =	vst v63  }
0x3d: {  	s28 =	smov.u32 s26  }
0x3e: {  	p0 =	sne.s32 s26, $0x9800;
	s26 =	sadd.s32 $0x400, s26;
	_ =	swait.ge [sflag:s20], $0x800  }
0x3f: {  	s28 =	sshra.s32 s28, $0x2;
	[sflag:s20] =	ssyncset.done $0x0  }
0x40: {  	s29 =	sadd.s32 $0x2800, s28;
	[sflag:s20] =	ssyncadd.s32 $0xFFFFF800  }
0x41: {  	[spmem:s3] =	stream.indirect.scatter.add.f32 [tilespmem:s18], [sflag:$0x3], $0x10, s29, s17, $0xb8;
	[tilespmem:$0xD610] =	vst v63  }
0x42: {  	_ =	swait.ge [sflag:s12], $0x800  }
0x43: {  	[sflag:s12] =	ssyncset.done $0x0  }
0x44: {  	s29 =	sadd.s32 $0x100, s28;
	[sflag:s12] =	ssyncadd.s32 $0xFFFFF800  }
0x45: {  	[tilespmem:s18], [sflag:$0x1] =	stream.indirect.gather [spmem:s2], $0x10, s29, s17, $0xb8;
	[tilespmem:$0xD610] =	vst v63  }
0x46: {  	_ =	swait.ge [sflag:s21], $0x800  }
0x47: {  	[sflag:s21] =	ssyncset.done $0x0  }
.Ltmp0:
0x48: {  	s29 =	sadd.s32 $0x2880, s28;
	[sflag:s21] =	ssyncadd.s32 $0xFFFFF800;
	(pc) =	sbr.rel @p0 .LBB2_2-.Ltmp0, $4  }
0x49: {  	[spmem:s3] =	stream.indirect.scatter.add.f32 [tilespmem:s19], [sflag:$0x3], $0x10, s29, s17, $0xb8;
	[tilespmem:$0xD610] =	vst v63  }
0x4a: {  	_ =	swait.ge [sflag:s12], $0x800  }
0x4b: {  	[sflag:s12] =	ssyncset.done $0x0  }
0x4c: {  	s28 =	sadd.s32 $0x180, s28;
	[sflag:s12] =	ssyncadd.s32 $0xFFFFF800  }
0x4d: {  	[tilespmem:s19], [sflag:$0x2] =	stream.indirect.gather [spmem:s2], $0x10, s28, s17, $0xb8;
	[tilespmem:$0xD610] =	vst v63  }
0x4e: {  	_ =	swait.ge [sflag:s20], $0x800  }
0x4f: {  	[sflag:s20] =	ssyncset.done $0x0  }
0x50: {  	[sflag:s20] =	ssyncadd.s32 $0xFFFFF800  }
0x51: {  	[spmem:s3] =	stream.indirect.scatter.add.f32 [tilespmem:s18], [sflag:$0x3], $0x10, s22, s17, $0xb8;
	[tilespmem:$0xD610] =	vst v63  }
0x52: {  	_ =	swait.ge [sflag:s12], $0x800  }
0x53: {  	[sflag:s12] =	ssyncset.done $0x0  }
0x54: {  	[sflag:s12] =	ssyncadd.s32 $0xFFFFF800  }
0x55: {  	_ =	swait.ge [sflag:s21], $0x800  }
0x56: {  	[sflag:s21] =	ssyncset.done $0x0  }
0x57: {  	[sflag:s21] =	ssyncadd.s32 $0xFFFFF800  }
0x58: {  	[spmem:s3] =	stream.indirect.scatter.add.f32 [tilespmem:s19], [sflag:$0x3], $0x10, s23, s17, $0xb8;
	[tilespmem:$0xD610] =	vst v63  }
0x59: {  	_ =	swait.ge [sflag:s12], $0x800  }
0x5a: {  	s25 =	sadd.s32 $0x1, s25;
	[sflag:s12] =	ssyncset.done $0x0  }
0x5b: {  	p0 =	sne.s32 s25, s11;
	[sflag:s12] =	ssyncadd.s32 $0xFFFFF800  }
.Ltmp1:
0x5c: {  	[bflag:$0x0] =	sbarrier.arrive $0xFFFF;
	(pc) =	sbr.rel @p0 .LBB2_1-.Ltmp1, $4  }
0x5d: {  	[hbm:s10], [sflag:s15] =	dma.local [spmem:s24], $0x4F0  }
0x5e: {  	_ =	swait.ge [sflag:s12], $0x4F0  }
0x5f: {  	[sflag:s12] =	ssyncset.done $0x0  }
0x60: {  	[sflag:s12] =	ssyncadd.s32 $0xFFFFFB10  }
0x61: {  	_ =	sfence.sel $0x180000  }
0x62: {  	[bflag:$0x0] =	sbarrier.arrive $0xFFFF  }
0x63: {  	p0 =	sne.s32 s1, $0x0;
	_ =	strace $0x9000004D  }
0x64: {  	s0 =	sadd.s32 @!p0 $0x100000, s0;
	[bflag:$0x2] =	sbarrier.arrive $0xFFFF  }
0x65: {  	[sflag:s0] =	ssyncadd.tile.s32 @!p0 $0x1;
	_ =	shalt  }
.Lfunc_end2:
_tile_overlayer_lowered:
.L_overlay_start_2:
0x66: {  	(tag) =	ssettag $0x2  }
0x67: {  	s0 =	rddreg [dreg:$0x0];
	s2 =	stileid.u32  }
0x68: {  	s1 =	rddreg [dreg:$0x1];
	p0 =	sne.s32 s2, $0x0  }
0x69: {  	s3 =	rddreg [dreg:$0x2];
	[bflag:$0x3] =	sbarrier.arrive $0xFFFF;
	s2 =	simm.s32 @!p0 $0x1C03  }
0x6a: {  	[timem:s3], [sflag:s2] =	dma.local @!p0 [hbm:s0], s1  }
0x6b: {  	s0 =	simm.s32 @!p0 $0x3  }
0x6c: {  	_ =	swait.ge @!p0 [sflag:s0], s1  }
0x6d: {  	s1 =	ssub.s32 @!p0 $0x0, s1;
	[sflag:s0] =	ssyncset.done @!p0 $0x0  }
0x6e: {  	[sflag:s0] =	ssyncadd.s32 @!p0 s1  }
0x6f: {  	[bflag:$0x3] =	sbarrier.arrive $0xFFFF  }
0x70: {  	_ =	shalt  }

// kernel: kernel.9.cloned.1.call-start
scs
__scs_entry_jumppad:
0x0: {  	(pc) =	sbr.rel $0x88, $3  }
0x1: {  	(tag) =	ssettag $0x0;
	lr =	simm.s32 $0x1  }
0x2: {  	[smem:$0x3F9B] =	sst lr;
	_ =	strace $0xD0000000  }
0x3: {  	_ = 	snop  }
0x4: {  	_ = 	snop  }
0x5: {  	_ = 	snop  }
0x6: {  	_ = 	snop  }
0x7: {  	_ = 	snop  }
__scs_overlays_trampoline_lowered:
0x8: {  	[smem:$0x3FAA] =	sst s0  }
0x9: {  	[smem:$0x3FAB] =	sst s1  }
0xa: {  	[smem:$0x3FAC] =	sst s2  }
0xb: {  	[smem:$0x3FAD] =	sst s3  }
0xc: {  	[smem:$0x3FAE] =	sst s4  }
0xd: {  	[smem:$0x3FAF] =	sst s5  }
0xe: {  	[smem:$0x3FB0] =	sst s6  }
0xf: {  	[smem:$0x3FB1] =	sst s7  }
0x10: {  	[smem:$0x3FB2] =	sst s8  }
0x11: {  	[smem:$0x3FB3] =	sst s9;
	s0 =	simm.s32 @!p0 $0x0  }
0x12: {  	s1 =	sld [smem:$0x3F99];
	s0 =	simm.s32 @p0 $0x1  }
0x13: {  	[smem:$0x3FB4] =	sst s0;
	s0 =	simm.s32 @!p1 $0x0  }
0x14: {  	s2 =	sld [smem:$0x3F98];
	s0 =	simm.s32 @p1 $0x1  }
0x15: {  	[smem:$0x3FB5] =	sst s0;
	s0 =	simm.s32 @!p2 $0x0  }
0x16: {  	s3 =	sld [smem:$0x3FDB];
	s0 =	simm.s32 @p2 $0x1  }
0x17: {  	s4 =	simm.s32 $0x1BF5;
	[smem:$0x3FB7] =	sst s0  }
0x18: {  	s0 =	sld [smem:$0x3F9A];
	_ =	swait.ge [sflag:s4], $0x0  }
0x19: {  	s7 =	sld [smem:$0x3F9B]  }
0x1a: {  	s8 =	sadd.s32 $0xFFFFE003, lr  }
0x1b: {  	s9 =	sadd.s32 $0xFFFFFEF7, lr;
	s5 =	simm.s32 $0xFFFFFFFF;
	p2 =	slt.u32 s8, $0xFFFFF086  }
0x1c: {  	p1 =	slt.u32 s9, $0xF7A;
	s5 =	simm.s32 @!p2 $0x0  }
0x1d: {  	s5 =	simm.s32 @p1 $0x1;
	p0 =	seq.s32 s7, s2  }
0x1e: {  	s7 =	smul.u32 @!p0 $0xF7A, s2;
	p2 =	seq.s32 @!p0 s5, $0x0  }
0x1f: {  	s9 =	smul.u32 $0xF7A, s1;
	s8 =	simm.s32 @!p0 $0x1BF5;
	p2 =	por !p2, p0  }
0x20: {  	[sflag:s8] =	ssyncset.s32 @!p0 $0xFFFFF086;
	s6 =	sadd.s32 @!p0 s3, s7;
	s7 =	simm.s32 @!p0 $0x108  }
0x21: {  	s3 =	sadd.s32 s3, s9;
	s6 =	sadd.s32 @!p0 $0x88, s6;
	s7 =	simm.s32 @p2 $0x1082  }
0x22: {  	[simem:s7], [sflag:s8] =	dma.local @!p0 [hbm:s6], $0xF7A  }
0x23: {  	s9 =	sor.u32 $0xD0000000, s2;
	s6 =	simm.s32 $0x108;
	_ =	swait.ge @!p0 [sflag:s8], $0x0  }
0x24: {  	s3 =	sadd.s32 $0x88, s3;
	s6 =	simm.s32 @!p1 $0x1082;
	[sflag:s4] =	ssyncset.s32 $0xFFFFF086  }
0x25: {  	[simem:s6], [sflag:s4] =	dma.local [hbm:s3], $0xF7A  }
0x26: {  	[smem:$0x3F9B] =	sst s1;
	(tag) =	ssettag s2;
	_ =	strace s9  }
0x27: {  	s1 =	sld [smem:$0x3FAB]  }
0x28: {  	s2 =	sld [smem:$0x3FAC]  }
0x29: {  	s4 =	sld [smem:$0x3FAE]  }
0x2a: {  	p0 =	seq.s32 s5, $0x0;
	s5 =	sld [smem:$0x3FAF]  }
0x2b: {  	s6 =	sld [smem:$0x3FB0]  }
0x2c: {  	s7 =	sld [smem:$0x3FB1]  }
0x2d: {  	s3 =	simm.s32 $0x108;
	s8 =	sld [smem:$0x3FB2]  }
0x2e: {  	s3 =	simm.s32 @!p0 $0x1082;
	s9 =	sld [smem:$0x3FB3]  }
0x2f: {  	lr =	sadd.s32 s0, s3;
	s0 =	sld [smem:$0x3FAA]  }
0x30: {  	s3 =	sld [smem:$0x3FAD]  }
0x31: {  	[smem:$0x3FB6] =	sst s10  }
0x32: {  	s10 =	sld [smem:$0x3FB4];
	_ =	sdelay $0x3  }
0x33: {  	p0 =	seq.s32 s10, $0x1;
	s10 =	sld [smem:$0x3FB6];
	_ =	sdelay $0x3  }
0x34: {  	[smem:$0x3FB6] =	sst s10  }
0x35: {  	s10 =	sld [smem:$0x3FB5];
	_ =	sdelay $0x3  }
0x36: {  	p1 =	seq.s32 s10, $0x1;
	s10 =	sld [smem:$0x3FB6];
	_ =	sdelay $0x3  }
0x37: {  	[smem:$0x3FB6] =	sst s10  }
0x38: {  	s10 =	sld [smem:$0x3FB7]  }
0x39: {  	_ = 	snop;
	(pc) =	sbr.ind lr, $3  }
0x3a: {  	_ = 	snop  }
0x3b: {  	_ = 	snop  }
0x3c: {  	p2 =	seq.s32 s10, $0x1;
	s10 =	sld [smem:$0x3FB6]  }
0x3d: {  	_ =	shalt  }
0x3e: {  	_ =	shalt  }
0x3f: {  	_ =	shalt  }
0x40: {  	_ =	shalt  }
0x41: {  	_ =	shalt  }
0x42: {  	_ =	shalt  }
0x43: {  	_ =	shalt  }
0x44: {  	_ =	shalt  }
0x45: {  	_ =	shalt  }
0x46: {  	_ =	shalt  }
0x47: {  	_ =	shalt  }
0x48: {  	_ =	shalt  }
0x49: {  	_ =	shalt  }
0x4a: {  	_ =	shalt  }
0x4b: {  	_ =	shalt  }
0x4c: {  	_ =	shalt  }
0x4d: {  	_ =	shalt  }
0x4e: {  	_ =	shalt  }
0x4f: {  	_ =	shalt  }
0x50: {  	_ =	shalt  }
0x51: {  	_ =	shalt  }
0x52: {  	_ =	shalt  }
0x53: {  	_ =	shalt  }
0x54: {  	_ =	shalt  }
0x55: {  	_ =	shalt  }
0x56: {  	_ =	shalt  }
0x57: {  	_ =	shalt  }
0x58: {  	_ =	shalt  }
0x59: {  	_ =	shalt  }
0x5a: {  	_ =	shalt  }
0x5b: {  	_ =	shalt  }
0x5c: {  	_ =	shalt  }
0x5d: {  	_ =	shalt  }
0x5e: {  	_ =	shalt  }
0x5f: {  	_ =	shalt  }
0x60: {  	_ =	shalt  }
0x61: {  	_ =	shalt  }
0x62: {  	_ =	shalt  }
0x63: {  	_ =	shalt  }
0x64: {  	_ =	shalt  }
0x65: {  	_ =	shalt  }
0x66: {  	_ =	shalt  }
0x67: {  	_ =	shalt  }
0x68: {  	_ =	shalt  }
0x69: {  	_ =	shalt  }
0x6a: {  	_ =	shalt  }
0x6b: {  	_ =	shalt  }
0x6c: {  	_ =	shalt  }
0x6d: {  	_ =	shalt  }
0x6e: {  	_ =	shalt  }
0x6f: {  	_ =	shalt  }
0x70: {  	_ =	shalt  }
0x71: {  	_ =	shalt  }
0x72: {  	_ =	shalt  }
0x73: {  	_ =	shalt  }
0x74: {  	_ =	shalt  }
0x75: {  	_ =	shalt  }
0x76: {  	_ =	shalt  }
0x77: {  	_ =	shalt  }
0x78: {  	_ =	shalt  }
0x79: {  	_ =	shalt  }
0x7a: {  	_ =	shalt  }
0x7b: {  	_ =	shalt  }
0x7c: {  	_ =	shalt  }
0x7d: {  	_ =	shalt  }
0x7e: {  	_ =	shalt  }
0x7f: {  	_ =	shalt  }
0x80: {  	_ =	shalt  }
0x81: {  	_ =	shalt  }
0x82: {  	_ =	shalt  }
0x83: {  	_ =	shalt  }
0x84: {  	_ =	shalt  }
0x85: {  	_ =	shalt  }
0x86: {  	_ =	shalt  }
0x87: {  	_ =	shalt  }
.Lfunc_end0:
.L_simem_size_0:
called_computation_lowered:
.L_overlay_start_0:
0x88: {  	s2 =	sld [smem:$0x3FD9]  }
0x89: {  	s3 =	sld [smem:$0x3FFE];
	_ =	sdelay $0x1  }
0x8a: {  	s1 =	srdreg.scid  }
0x8b: {  	s0 =	sand.u32 $0x1, s1  }
0x8c: {  	s17 =	sshll.u32 s0, $0xA;
	s2 =	sadd.s32 s3, s2  }
0x8d: {  	s2 =	sadd.s32 s2, s17  }
0x8e: {  	[smem:$0x3FC2] =	sst s2  }
0x8f: {  	_ = 	snop  }
0x90: {  	s2 =	sld [smem:$0x3FD0];
	(tm) =	ssettm $0x1  }
0x91: {  	s18 =	sld [smem:$0x3FFB];
	_ =	sdelay $0x3  }
0x92: {  	_ =	strace s18  }
0x93: {  	s3 =	sld [smem:$0x3FFC];
	_ =	sdelay $0x3  }
0x94: {  	_ =	strace s3  }
0x95: {  	s3 =	sld [smem:$0x3FFD];
	_ =	sdelay $0x3  }
0x96: {  	_ =	strace s3  }
0x97: {  	_ =	strace $0x8FFFFFFF  }
0x98: {  	s19 =	sld [smem:$0x3FDB];
	_ =	sdelay $0x1  }
0x99: {  	s4 =	simm.s32 $_scs_section_size  }
0x9a: {  	s5 =	simm.s32 $_size__tile_overlayer_lowered;
	s6 =	simm.s32 $_tile_overlayer_lowered  }
0x9b: {  	s22 =	simm.s32 $0x1BFF;
	s21 =	sshll.u32 s6, $0x1;
	s3 =	sadd.s32 s4, s19  }
0x9c: {  	s7 =	simm.s32 $0x0;
	s20 =	sshll.u32 s5, $0x1;
	s5 =	sadd.s32 s21, s3  }
0x9d: {  	[timem:s7], [sflag:s22] =	dma.local [hbm:s5], s20  }
0x9e: {  	_ =	swait.ge [sflag:s22], s20  }
0x9f: {  	s4 =	ssub.s32 $0x0, s20;
	[sflag:s22] =	ssyncset.done $0x0  }
0xa0: {  	[sflag:s22] =	ssyncadd.s32 s4;
	_ =	sdelay $0x1  }
0xa1: {  	s23 =	simm.s32 $0x1B8B  }
0xa2: {  	_ =	swait.ge [sflag:s23], $0x1  }
0xa3: {  	[sflag:s23] =	ssyncset.done $0x0  }
0xa4: {  	s25 =	simm.s32 $0x1B8E;
	s24 =	sld [smem:$0x3FFE];
	[sflag:s23] =	ssyncadd.s32 $0xFFFFFFFF  }
0xa5: {  	s26 =	simm.s32 $execute0_lowered;
	[smem:$0x3FD2] =	sst s25  }
0xa6: {  	s5 =	sshll.u32 s26, $0x1;
	_ =	strace $0x80000046;
	[dreg:$0x1] =	wrdreg $0xFFFFFFFF  }
0xa7: {  	s28 =	simm.s32 $_size_execute0_lowered;
	s3 =	sadd.s32 s3, s5;
	[dreg:$0x0] =	wrdreg $0x0  }
0xa8: {  	s5 =	sshll.u32 s28, $0x1;
	[dreg:$0x2] =	wrdreg s3  }
0xa9: {  	[dreg:$0x3] =	wrdreg s5  }
0xaa: {  	[dreg:$0x4] =	wrdreg $0xC0  }
0xab: {  	_ =	task [dreg:s7], $0x5FFFF  }
0xac: {  	[dreg:$0x1] =	wrdreg $0xFFFFFFFF  }
0xad: {  	[dreg:$0x0] =	wrdreg $0x60  }
0xae: {  	[dreg:$0x2] =	wrdreg s24  }
0xaf: {  	[dreg:$0x3] =	wrdreg s2  }
0xb0: {  	[dreg:$0x4] =	wrdreg $0x30000  }
0xb1: {  	[dreg:$0x5] =	wrdreg $0x9  }
0xb2: {  	_ =	task.clear_ibuf [dreg:s7], $0x6FFFF;
	_ =	strace $0x90000046  }
0xb3: {  	s29 =	simm.s32 $0x9;
	_ =	strace $0x80000048  }
0xb4: {  	_ =	swait.ge [sflag:s29], $0x1  }
0xb5: {  	[sflag:s29] =	ssyncadd.s32 $0xFFFFFFFF  }
0xb6: {  	_ =	strace $0x90000048  }
0xb7: {  	_ =	sfence  }
0xb8: {  	s30 =	sld [smem:$0x0];
	_ =	sdelay $0x2  }
0xb9: {  	s31 =	sshll.u32 s1, $0xD;
	s1 =	sshrl.u32 s1, $0x2  }
0xba: {  	s3 =	sand.u32 $0x4000, s31;
	s1 =	sadd.s32 s1, s30  }
0xbb: {  	s0 =	sor.u32 s3, s0;
	s1 =	sshll.u32 s1, $0x11  }
0xbc: {  	s0 =	sor.u32 s1, s0  }
0xbd: {  	s0 =	sadd.s32 $0x8F2B, s0  }
0xbe: {  	[sflag:s0] =	ssyncadd.remote.s32 $0x1  }
0xbf: {  	_ =	sfence.sel $0xFFFF  }
0xc0: {  	[dreg:$0x0] =	wrdreg $0xFFFFFFFF;
	(pc) =	sbr.abs _section_cstart, $3  }
0xc1: {  	[dreg:$0x1] =	wrdreg $0xFFFFFFFF  }
0xc2: {  	_ =	task.clear_ibuf [dreg:s7], $0x2FFFF;
	_ =	strace $0x9FFFFFFF  }
0xc3: {  	(tm) =	ssettm $0x7FFFFFFF  }
tec
execute0_lowered:
.L_overlay_start_1:
0x0: {  	(tag) =	ssettag $0x1  }
0x1: {  	s5 =	rddreg [dreg:$0x0]  }
0x2: {  	s6 =	rddreg [dreg:$0x1];
	s0 =	srdreg.scid  }
0x3: {  	s2 =	rddreg [dreg:$0x2];
	s1 =	stileid.u32  }
0x4: {  	s3 =	simm.s32 $0x0;
	s12 =	simm.s32 $0x2800;
	s13 =	simm.s32 $0x80  }
0x5: {  	s14 =	simm.s32 $0x1;
	s15 =	simm.s32 $0x2;
	s16 =	simm.s32 $0x0  }
0x6: {  	s4 =	sand.u32 $0x1, s0;
	s0 =	rddreg [dreg:$0x3];
	s8 =	smul.u32 $0x2780, s1  }
0x7: {  	[smem:$0x7FF] =	sst s3;
	s31 =	sshll.u32 s1, $0x6;
	s7 =	sshll.u32 s4, $0x4  }
0x8: {  	s9 =	smul.u32 $0x27800, s4;
	_ =	strace $0x80000047;
	s10 =	ssub.s32 $0x2, s4  }
0x9: {  	s4 =	sadd.s32 $0xC000, s5;
	s7 =	sor.u32 s1, s7;
	s11 =	sshrl.u32 s10, $0x1  }
0xa: {  	s29 =	sadd.s32 s8, s2;
	s7 =	smul.u32 $0x500, s7;
	s9 =	sadd.s32 s8, s9  }
0xb: {  	s30 =	sshrl.u32 s8, $0x3;
	s10 =	ssub.s32 s10, s11;
	s9 =	sshrl.u32 s9, $0x3  }
0xc: {  	s11 =	simm.s32 $0x3;
	s7 =	sadd.s32 s7, s5;
	s9 =	sadd.s32 s9, s5  }
0xd: {  	s5 =	sadd.s32 s6, s30;
	s6 =	sor.u32 $0x1C03, s31;
	s7 =	sadd.s32 $0x2000, s7  }
0xe: {  	s8 =	sadd.s32 $0xC200, s9;
	s9 =	smax.u32 s10, $0x1;
	s10 =	sshrl.u32 s29, $0x3  }
.LBB2_1:
0xf: {  	[spmem:s10], [sflag:s6] =	dma.local [hbm:s5], $0x4F0  }
0x10: {  	_ =	swait.ge [sflag:s11], $0x4F0  }
0x11: {  	[sflag:s11] =	ssyncset.done $0x0  }
0x12: {  	[sflag:s11] =	ssyncadd.s32 $0xFFFFFB10  }
0x13: {  	[tilespmem:s12], [sflag:$0x3] =	stream.linear.gather [hbm4b:s4+s3], $0x800, $0x38;
	[tilespmem:$0x5780] =	vst v63  }
0x14: {  	_ =	swait.ge [sflag:s11], $0x800  }
0x15: {  	[sflag:s11] =	ssyncset.done $0x0  }
0x16: {  	[sflag:s11] =	ssyncadd.s32 $0xFFFFF800  }
0x17: {  	[tilespmem:s3], [sflag:$0x3] =	stream.linear.gather [hbm4b:s7+s3], $0x2800, $0x38;
	[tilespmem:$0x5780] =	vst v63  }
0x18: {  	_ =	swait.ge [sflag:s11], $0x2800  }
0x19: {  	[sflag:s11] =	ssyncset.done $0x0  }
0x1a: {  	[sflag:s11] =	ssyncadd.s32 $0xFFFFD800  }
0x1b: {  	[bflag:$0x0] =	sbarrier.arrive $0xFFFF  }
0x1c: {  	[spmem:s2] =	stream.indirect.scatter.add.f32 [tilespmem:s12], [sflag:$0x1], $0x10, s3, s13, $0xb8;
	[tilespmem:$0x5780] =	vst v63  }
0x1d: {  	_ = 	snop  }
0x1e: {  	[spmem:s2] =	stream.indirect.scatter.add.f32 [tilespmem:s12], [sflag:$0x2], $0x10, s13, s13, $0xb8;
	[tilespmem:$0x5780] =	vst v63  }
0x1f: {  	_ =	swait.ge [sflag:s14], $0x800  }
0x20: {  	[sflag:s14] =	ssyncset.done $0x0  }
0x21: {  	s17 =	simm.s32 $0x100;
	[sflag:s14] =	ssyncadd.s32 $0xFFFFF800  }
0x22: {  	[spmem:s2] =	stream.indirect.scatter.add.f32 [tilespmem:s12], [sflag:$0x1], $0x10, s17, s13, $0xb8;
	[tilespmem:$0x5780] =	vst v63  }
0x23: {  	_ =	swait.ge [sflag:s15], $0x800  }
0x24: {  	[sflag:s15] =	ssyncset.done $0x0  }
0x25: {  	s18 =	simm.s32 $0x180;
	s17 =	simm.s32 $0xFFFF6800;
	[sflag:s15] =	ssyncadd.s32 $0xFFFFF800  }
.LBB2_2:
0x26: {  	[spmem:s2] =	stream.indirect.scatter.add.f32 [tilespmem:s12], [sflag:$0x2], $0x10, s18, s13, $0xb8;
	[tilespmem:$0x5780] =	vst v63  }
0x27: {  	s18 =	smov.u32 s17  }
0x28: {  	p0 =	sne.s32 s17, $0xFFFFFC00;
	s17 =	sadd.s32 $0x400, s17;
	_ =	swait.ge [sflag:s14], $0x800  }
0x29: {  	s18 =	sshra.s32 s18, $0x2;
	[sflag:s14] =	ssyncset.done $0x0  }
.Ltmp0:
0x2a: {  	s19 =	sadd.s32 $0x2800, s18;
	[sflag:s14] =	ssyncadd.s32 $0xFFFFF800;
	(pc) =	sbr.rel @p0 .LBB2_2-.Ltmp0, $4  }
0x2b: {  	[spmem:s2] =	stream.indirect.scatter.add.f32 [tilespmem:s12], [sflag:$0x1], $0x10, s19, s13, $0xb8;
	[tilespmem:$0x5780] =	vst v63  }
0x2c: {  	_ =	swait.ge [sflag:s15], $0x800  }
0x2d: {  	[sflag:s15] =	ssyncset.done $0x0  }
0x2e: {  	s18 =	sadd.s32 $0x2880, s18;
	[sflag:s15] =	ssyncadd.s32 $0xFFFFF800  }
0x2f: {  	[spmem:s2] =	stream.indirect.scatter.add.f32 [tilespmem:s12], [sflag:$0x2], $0x10, s18, s13, $0xb8;
	[tilespmem:$0x5780] =	vst v63  }
0x30: {  	_ =	swait.ge [sflag:s14], $0x800  }
0x31: {  	[sflag:s14] =	ssyncset.done $0x0  }
0x32: {  	[sflag:s14] =	ssyncadd.s32 $0xFFFFF800  }
0x33: {  	_ =	swait.ge [sflag:s15], $0x800  }
0x34: {  	s16 =	sadd.s32 $0x1, s16;
	[sflag:s15] =	ssyncset.done $0x0  }
0x35: {  	p0 =	sne.s32 s16, s9;
	[sflag:s15] =	ssyncadd.s32 $0xFFFFF800  }
.Ltmp1:
0x36: {  	[bflag:$0x0] =	sbarrier.arrive $0xFFFF;
	(pc) =	sbr.rel @p0 .LBB2_1-.Ltmp1, $4  }
0x37: {  	[hbm:s8], [sflag:s6] =	dma.local [spmem:s10], $0x4F0  }
0x38: {  	_ =	swait.ge [sflag:s11], $0x4F0  }
0x39: {  	[sflag:s11] =	ssyncset.done $0x0  }
0x3a: {  	[sflag:s11] =	ssyncadd.s32 $0xFFFFFB10  }
0x3b: {  	_ =	sfence.sel $0x180000  }
0x3c: {  	[bflag:$0x0] =	sbarrier.arrive $0xFFFF  }
0x3d: {  	p0 =	sne.s32 s1, $0x0;
	_ =	strace $0x90000047  }
0x3e: {  	s0 =	sadd.s32 @!p0 $0x100000, s0;
	[bflag:$0x2] =	sbarrier.arrive $0xFFFF  }
0x3f: {  	[sflag:s0] =	ssyncadd.tile.s32 @!p0 $0x1;
	_ =	shalt  }
.Lfunc_end2:
_tile_overlayer_lowered:
.L_overlay_start_2:
0x40: {  	(tag) =	ssettag $0x2  }
0x41: {  	s0 =	rddreg [dreg:$0x0];
	s2 =	stileid.u32  }
0x42: {  	s1 =	rddreg [dreg:$0x1];
	p0 =	sne.s32 s2, $0x0  }
0x43: {  	s3 =	rddreg [dreg:$0x2];
	[bflag:$0x3] =	sbarrier.arrive $0xFFFF;
	s2 =	simm.s32 @!p0 $0x1C03  }
0x44: {  	[timem:s3], [sflag:s2] =	dma.local @!p0 [hbm:s0], s1  }
0x45: {  	s0 =	simm.s32 @!p0 $0x3  }
0x46: {  	_ =	swait.ge @!p0 [sflag:s0], s1  }
0x47: {  	s1 =	ssub.s32 @!p0 $0x0, s1;
	[sflag:s0] =	ssyncset.done @!p0 $0x0  }
0x48: {  	[sflag:s0] =	ssyncadd.s32 @!p0 s1  }
0x49: {  	[bflag:$0x3] =	sbarrier.arrive $0xFFFF  }
0x4a: {  	_ =	shalt  }

</sc_bundles>
